<compile_context>
chip_gen: v7x
topology: tpu7x:2x2x1
jax: 0.10.2.dev20260603
libtpu: 0.0.44.dev20260713+nightly
codegen_flags: <defaults>
</compile_context>

<pallas_src>
import jax
import jax.numpy as jnp
from jax import lax
from jax.experimental import pallas as pl
from jax.experimental.pallas import tpu as pltpu
from jax.experimental.pallas import tpu_sc as plsc

N = 100000
NG = 1024
D = 64
B = 5120
NB = 20
NBPAD = NB * B
W = 64

NC, NS, L = 2, 16, 16
C1 = NBPAD // NS
C2 = NBPAD // (NC * NS)


def _tc_logits(x_ref, nb_ref, ga_ref, wg_ref, bg_ref,
               wnt_ref, bn_ref, wat_ref, e_ref, gg_ref, ge_ref):
    i = pl.program_id(0)

    @pl.when(i == 0)
    def _():
        ga = ga_ref[...]
        g = (ga[:, 0:1] * wg_ref[0:1, :] + ga[:, 1:2] * wg_ref[1:2, :]
             + ga[:, 2:3] * wg_ref[2:3, :]) + bg_ref[...]
        gg_ref[...] = (lax.dot_general(g, wnt_ref[:, D:],
                                       (((1,), (1,)), ((), ())),
                                       preferred_element_type=jnp.float32)
                       + bn_ref[...])

    ids2d = nb_ref[0, :, :]
    start = ids2d[0, 0]
    nch = (ids2d[0, B - 1] - start) // W + 1
    iota0 = lax.broadcasted_iota(jnp.int32, (W, B), 0)

    def _oh_t(k, masked):
        lo = start + k * W
        base = jnp.minimum(lo, NG - W)
        sel = (ids2d - base) == iota0
        if masked:
            sel = sel & (ids2d >= lo)
        return jnp.where(sel, 1.0, 0.0), base

    def _finish(z_t):
        t = jnp.exp2(jnp.abs(z_t) * (-1.4426950408889634))
        h_t = jnp.maximum(z_t, 0.0) + jnp.log1p(t)
        logit = lax.dot_general(wat_ref[...], h_t,
                                (((1,), (0,)), ((), ())),
                                preferred_element_type=jnp.float32)
        col = lax.broadcasted_iota(jnp.int32, (1, B), 1) + i * B
        e_ref[...] = jnp.where(col < N, logit, -1e30)[None]

    def _gather_t(oht, base):
        return lax.dot_general(gg_ref[pl.ds(base, W), :], oht,
                               (((0,), (0,)), ((), ())),
                               preferred_element_type=jnp.float32)

    q_t = lax.dot_general(wnt_ref[:, :D], x_ref[...],
                          (((1,), (0,)), ((), ())),
                          preferred_element_type=jnp.float32)

    @pl.when(nch == 1)
    def _():
        oht, base = _oh_t(0, masked=False)
        _finish(q_t + _gather_t(oht, base))

    @pl.when(nch > 1)
    def _():
        ge_ref[...] = jnp.zeros((D, B), jnp.float32)

        def chunk(k, carry):
            oht, base = _oh_t(k, masked=True)
            ge_ref[...] += _gather_t(oht, base)
            return carry

        lax.fori_loop(0, nch, chunk, 0)
        _finish(q_t + ge_ref[...])


def _sc_softmax(l_hbm, ids_hbm, w_hbm, ev1, iv1, acc, all16, denom, wv,
                s64, shared, sem):
    sid = lax.axis_index("s")
    cid = lax.axis_index("c")
    wid = sid * NC + cid

    cp1 = pltpu.make_async_copy(l_hbm.at[pl.ds(sid * C1, C1)], ev1, sem)
    cp2 = pltpu.make_async_copy(ids_hbm.at[pl.ds(sid * C1, C1)], iv1, sem)
    cp1.start()
    cp2.start()
    cp1.wait()
    cp2.wait()

    for j in range(NG // L):
        acc[pl.ds(j * L, L)] = jnp.zeros((L,), jnp.float32)

    def seg_add(j, c):
        for u in range(4):
            off = (j * 4 + u) * L
            ev = jnp.exp(ev1[pl.ds(off, L)])
            ev1[pl.ds(off, L)] = ev
            plsc.addupdate_scatter(acc, [iv1[pl.ds(off, L)]], ev)
        return c
    lax.fori_loop(0, C1 // (4 * L), seg_add, 0)

    pltpu.sync_copy(acc, shared.at[pl.ds(sid * NG, NG)])
    plsc.subcore_barrier()
    pltpu.sync_copy(shared.at[pl.ds(0, NS * NG)], all16)

    for j in range(4):
        s64[pl.ds(j * L, L)] = jnp.full((L,), 1e-16, jnp.float32)
    for r in range(NS):
        for j in range(4):
            s64[pl.ds(j * L, L)] += all16[pl.ds(r * NG + sid * 64 + j * L, L)]
    pltpu.sync_copy(s64, shared.at[pl.ds(NS * NG + sid * 64, 64)])
    plsc.subcore_barrier()
    pltpu.sync_copy(shared.at[pl.ds(NS * NG, NG)], denom)

    half = cid * C2

    @plsc.parallel_loop(0, C2 // L, step=4)
    def _norm(j):
        for u in range(4):
            off = (j + u) * L
            dv = plsc.load_gather(denom, [iv1[pl.ds(half + off, L)]])
            wv[pl.ds(off, L)] = ev1[pl.ds(half + off, L)] / dv

    pltpu.sync_copy(wv, w_hbm.at[pl.ds(wid * C2, C2)])


def kernel(x, node_batch, global_attr, W_g, b_g, W_n, b_n, W_a, b_a):
    nb = node_batch.astype(jnp.int32)
    nbp = jnp.concatenate([nb, jnp.broadcast_to(nb[-1], (NBPAD - N,))])

    xt = x.T
    wnt = W_n.T
    wat = W_a.T
    bn2 = b_n.reshape(1, D)
    bg2 = b_g.reshape(1, D)
    nb3 = nbp.reshape(NB, 1, B)

    e = pl.pallas_call(
        _tc_logits,
        grid=(NB,),
        in_specs=[
            pl.BlockSpec((D, B), lambda i: (0, i)),
            pl.BlockSpec((1, 1, B), lambda i: (i, 0, 0)),
            pl.BlockSpec((NG, 3), lambda i: (0, 0)),
            pl.BlockSpec((3, D), lambda i: (0, 0)),
            pl.BlockSpec((1, D), lambda i: (0, 0)),
            pl.BlockSpec((D, 2 * D), lambda i: (0, 0)),
            pl.BlockSpec((1, D), lambda i: (0, 0)),
            pl.BlockSpec((1, D), lambda i: (0, 0)),
        ],
        out_specs=pl.BlockSpec((1, 1, B), lambda i: (i, 0, 0)),
        out_shape=jax.ShapeDtypeStruct((NB, 1, B), jnp.float32),
        scratch_shapes=[
            pltpu.VMEM((NG, D), jnp.float32),
            pltpu.VMEM((D, B), jnp.float32),
        ],
        compiler_params=pltpu.CompilerParams(
            dimension_semantics=("arbitrary",),
            fuse_transposed_lhs_in_matmul=True),
    )(xt, nb3, global_attr, W_g, bg2, wnt, bn2, wat)

    l_flat = e.reshape(NBPAD)

    mesh = plsc.VectorSubcoreMesh(core_axis_name="c", subcore_axis_name="s",
                                  num_cores=NC, num_subcores=NS)
    w_pad = pl.kernel(
        _sc_softmax,
        out_type=jax.ShapeDtypeStruct((NBPAD,), jnp.float32),
        mesh=mesh,
        scratch_types=[
            pltpu.VMEM((C1,), jnp.float32),
            pltpu.VMEM((C1,), jnp.int32),
            pltpu.VMEM((NG,), jnp.float32),
            pltpu.VMEM((NS * NG,), jnp.float32),
            pltpu.VMEM((NG,), jnp.float32),
            pltpu.VMEM((C2,), jnp.float32),
            pltpu.VMEM((64,), jnp.float32),
            pltpu.VMEM_SHARED((NS * NG + NG,), jnp.float32),
            pltpu.SemaphoreType.DMA,
        ],
        compiler_params=pltpu.CompilerParams(needs_layout_passes=False),
    )(l_flat, nbp)

    return w_pad[:N][:, None]

# --- scband reference (transcript-rebuilt; emitter-appended) ---
"""Pipeline reference for scband-global-attention-62637803045228 (READ-ONLY COPY).

The authoritative reference and input builder live on the scoring server;
editing this copy changes nothing except your own understanding.
"""

import jax, jax.numpy as jnp
import numpy as np

N_NODES = 100000
N_GRAPHS = 1024

def setup_inputs(seed: int = 0) -> dict:
    key = jax.random.key(seed)
    ks = jax.random.split(key, 8)
    x = jax.random.normal(ks[0], (N_NODES, 64), dtype=jnp.float32)
    node_batch = jnp.sort(jax.random.randint(ks[1], (N_NODES,), 0, N_GRAPHS)).astype(jnp.int64)
    global_attr = jax.random.normal(ks[2], (N_GRAPHS, 3), dtype=jnp.float32)
    # Learned parameters (stored transposed vs torch: [in, out])
    W_g = jax.random.normal(ks[3], (3, 64), dtype=jnp.float32) * (1.0 / np.sqrt(3.0))
    b_g = jnp.zeros((64,), dtype=jnp.float32)
    W_n = jax.random.normal(ks[4], (128, 64), dtype=jnp.float32) * (1.0 / np.sqrt(128.0))
    b_n = jnp.zeros((64,), dtype=jnp.float32)
    W_a = jax.random.normal(ks[5], (64, 1), dtype=jnp.float32) * (1.0 / np.sqrt(64.0))
    b_a = jnp.zeros((1,), dtype=jnp.float32)
    return {"x": x, "node_batch": node_batch, "global_attr": global_attr,
            "W_g": W_g, "b_g": b_g, "W_n": W_n, "b_n": b_n, "W_a": W_a, "b_a": b_a}

def _segment_softmax(logits, segment_ids, num_segments):
    seg_max = jax.ops.segment_max(logits, segment_ids, num_segments=num_segments)
    shifted = logits - seg_max[segment_ids]
    e = jnp.exp(shifted)
    denom = jax.ops.segment_sum(e, segment_ids, num_segments=num_segments)
    return e / (denom[segment_ids] + 1e-16)

def reference(x, node_batch, global_attr, W_g, b_g, W_n, b_n, W_a, b_a):
    # global_attr = self.global_layer1(global_attr)
    g = global_attr @ W_g + b_g  # [NG, 64]
    # repeat_interleave by per-graph node counts == gather for sorted node_batch
    graph_embed = jnp.take(g, node_batch, axis=0)  # [N, 64]
    chunk = jnp.concatenate([x, graph_embed], axis=-1)  # [N, 128]
    h = jax.nn.softplus(chunk @ W_n + b_n)  # [N, 64]
    logits = h @ W_a + b_a  # [N, 1]
    w = _segment_softmax(logits[:, 0], node_batch, N_GRAPHS)
    return w[:, None]

if __name__ == "__main__":
    import jax
    _d = setup_inputs()
    print(jax.jit(kernel)(*tuple(_d.values())))

</pallas_src>

<mosaic_0001>
#map = affine_map<(d0, d1) -> (0)>
module attributes {stable_mosaic.version = 14 : i64} {
  func.func @_sc_softmax(%arg0: i32, %arg1: i32, %arg2: memref<102400xf32, #tpu.memory_space<hbm>>, %arg3: memref<102400xi32, #tpu.memory_space<hbm>>, %arg4: memref<102400xf32, #tpu.memory_space<hbm>>, %arg5: memref<6400xf32, #tpu.memory_space<vmem>>, %arg6: memref<6400xi32, #tpu.memory_space<vmem>>, %arg7: memref<1024xf32, #tpu.memory_space<vmem>>, %arg8: memref<16384xf32, #tpu.memory_space<vmem>>, %arg9: memref<1024xf32, #tpu.memory_space<vmem>>, %arg10: memref<3200xf32, #tpu.memory_space<vmem>>, %arg11: memref<64xf32, #tpu.memory_space<vmem>>, %arg12: memref<17408xf32, #tpu.memory_space<vmem_shared>>, %arg13: memref<!tpu.dma_semaphore, #tpu.memory_space<semaphore_mem>>) attributes {dimension_semantics = [#tpu.dimension_semantics<core_parallel>, #tpu.dimension_semantics<subcore_parallel>], iteration_bounds = array<i64: 2, 16>, scalar_prefetch = 0 : i64, scratch_operands = 9 : i64, tpu.core_type = #tpu.core_type<sc_vector_subcore>, window_params = [{transform_indices = #map}, {transform_indices = #map}, {transform_indices = #map}]} {
    %mul3A = arith.constant 2 : i32
    %mul3A_0 = arith.muli %arg1, %mul3A : i32
    %add3A = arith.addi %mul3A_0, %arg0 : i32
    %mul3A_1 = arith.constant 6400 : i32
    %mul3A_2 = arith.muli %arg1, %mul3A_1 : i32
    %mul3A_3 = arith.constant 6400 : i32
    %mul3A_4 = arith.muli %arg1, %mul3A_3 : i32
    %dma_start3A = tpu.memref_slice %arg2[%mul3A_2] : memref<102400xf32, #tpu.memory_space<hbm>> -> memref<6400xf32, #tpu.memory_space<hbm>>
    %dma_start3A_5 = tpu.memref_slice %arg2[%mul3A_2] : memref<102400xf32, #tpu.memory_space<hbm>> -> memref<6400xf32, #tpu.memory_space<hbm>>
    tpu.enqueue_dma source(%dma_start3A_5 : memref<6400xf32, #tpu.memory_space<hbm>>) target(%arg5 : memref<6400xf32, #tpu.memory_space<vmem>>) target_semaphore(%arg13 : memref<!tpu.dma_semaphore, #tpu.memory_space<semaphore_mem>>)
    %dma_start3A_6 = tpu.memref_slice %arg3[%mul3A_4] : memref<102400xi32, #tpu.memory_space<hbm>> -> memref<6400xi32, #tpu.memory_space<hbm>>
    %dma_start3A_7 = tpu.memref_slice %arg3[%mul3A_4] : memref<102400xi32, #tpu.memory_space<hbm>> -> memref<6400xi32, #tpu.memory_space<hbm>>
    tpu.enqueue_dma source(%dma_start3A_7 : memref<6400xi32, #tpu.memory_space<hbm>>) target(%arg6 : memref<6400xi32, #tpu.memory_space<vmem>>) target_semaphore(%arg13 : memref<!tpu.dma_semaphore, #tpu.memory_space<semaphore_mem>>)
    %dma_wait3A = tpu.memref_slice %arg2[%mul3A_2] : memref<102400xf32, #tpu.memory_space<hbm>> -> memref<6400xf32, #tpu.memory_space<hbm>>
    %dma_wait3A_8 = tpu.memref_slice %arg2[%mul3A_2] : memref<102400xf32, #tpu.memory_space<hbm>> -> memref<6400xf32, #tpu.memory_space<hbm>>
    tpu.wait_dma2 semaphore(%arg13 : memref<!tpu.dma_semaphore, #tpu.memory_space<semaphore_mem>>) src(%dma_wait3A_8 : memref<6400xf32, #tpu.memory_space<hbm>>) dst(%arg5 : memref<6400xf32, #tpu.memory_space<vmem>>)
    %dma_wait3A_9 = tpu.memref_slice %arg3[%mul3A_4] : memref<102400xi32, #tpu.memory_space<hbm>> -> memref<6400xi32, #tpu.memory_space<hbm>>
    %dma_wait3A_10 = tpu.memref_slice %arg3[%mul3A_4] : memref<102400xi32, #tpu.memory_space<hbm>> -> memref<6400xi32, #tpu.memory_space<hbm>>
    tpu.wait_dma2 semaphore(%arg13 : memref<!tpu.dma_semaphore, #tpu.memory_space<semaphore_mem>>) src(%dma_wait3A_10 : memref<6400xi32, #tpu.memory_space<hbm>>) dst(%arg6 : memref<6400xi32, #tpu.memory_space<vmem>>)
    %broadcast_in_dim3A = arith.constant 0.000000e+00 : f32
    %broadcast_in_dim3A_11 = vector.broadcast %broadcast_in_dim3A : f32 to vector<16xf32>
    %swap3A = arith.constant 0 : index
    %swap3A_12 = tpu.vector_load %arg7[%swap3A] {strides = array<i32>} : memref<1024xf32, #tpu.memory_space<vmem>>, vector<16xf32>,
    tpu.vector_store %arg7[%swap3A], %broadcast_in_dim3A_11 {strides = array<i32>} : memref<1024xf32, #tpu.memory_space<vmem>>, vector<16xf32>,
    %broadcast_in_dim3A_13 = arith.constant 0.000000e+00 : f32
    %broadcast_in_dim3A_14 = vector.broadcast %broadcast_in_dim3A_13 : f32 to vector<16xf32>
    %swap3A_15 = arith.constant 16 : index
    %swap3A_16 = tpu.vector_load %arg7[%swap3A_15] {strides = array<i32>} : memref<1024xf32, #tpu.memory_space<vmem>>, vector<16xf32>,
    tpu.vector_store %arg7[%swap3A_15], %broadcast_in_dim3A_14 {strides = array<i32>} : memref<1024xf32, #tpu.memory_space<vmem>>, vector<16xf32>,
    %broadcast_in_dim3A_17 = arith.constant 0.000000e+00 : f32
    %broadcast_in_dim3A_18 = vector.broadcast %broadcast_in_dim3A_17 : f32 to vector<16xf32>
    %swap3A_19 = arith.constant 32 : index
    %swap3A_20 = tpu.vector_load %arg7[%swap3A_19] {strides = array<i32>} : memref<1024xf32, #tpu.memory_space<vmem>>, vector<16xf32>,
    tpu.vector_store %arg7[%swap3A_19], %broadcast_in_dim3A_18 {strides = array<i32>} : memref<1024xf32, #tpu.memory_space<vmem>>, vector<16xf32>,
    %broadcast_in_dim3A_21 = arith.constant 0.000000e+00 : f32
    %broadcast_in_dim3A_22 = vector.broadcast %broadcast_in_dim3A_21 : f32 to vector<16xf32>
    %swap3A_23 = arith.constant 48 : index
    %swap3A_24 = tpu.vector_load %arg7[%swap3A_23] {strides = array<i32>} : memref<1024xf32, #tpu.memory_space<vmem>>, vector<16xf32>,
    tpu.vector_store %arg7[%swap3A_23], %broadcast_in_dim3A_22 {strides = array<i32>} : memref<1024xf32, #tpu.memory_space<vmem>>, vector<16xf32>,
    %broadcast_in_dim3A_25 = arith.constant 0.000000e+00 : f32
    %broadcast_in_dim3A_26 = vector.broadcast %broadcast_in_dim3A_25 : f32 to vector<16xf32>
    %swap3A_27 = arith.constant 64 : index
    %swap3A_28 = tpu.vector_load %arg7[%swap3A_27] {strides = array<i32>} : memref<1024xf32, #tpu.memory_space<vmem>>, vector<16xf32>,
    tpu.vector_store %arg7[%swap3A_27], %broadcast_in_dim3A_26 {strides = array<i32>} : memref<1024xf32, #tpu.memory_space<vmem>>, vector<16xf32>,
    %broadcast_in_dim3A_29 = arith.constant 0.000000e+00 : f32
    %broadcast_in_dim3A_30 = vector.broadcast %broadcast_in_dim3A_29 : f32 to vector<16xf32>
    %swap3A_31 = arith.constant 80 : index
    %swap3A_32 = tpu.vector_load %arg7[%swap3A_31] {strides = array<i32>} : memref<1024xf32, #tpu.memory_space<vmem>>, vector<16xf32>,
    tpu.vector_store %arg7[%swap3A_31], %broadcast_in_dim3A_30 {strides = array<i32>} : memref<1024xf32, #tpu.memory_space<vmem>>, vector<16xf32>,
    %broadcast_in_dim3A_33 = arith.constant 0.000000e+00 : f32
    %broadcast_in_dim3A_34 = vector.broadcast %broadcast_in_dim3A_33 : f32 to vector<16xf32>
    %swap3A_35 = arith.constant 96 : index
    %swap3A_36 = tpu.vector_load %arg7[%swap3A_35] {strides = array<i32>} : memref<1024xf32, #tpu.memory_space<vmem>>, vector<16xf32>,
    tpu.vector_store %arg7[%swap3A_35], %broadcast_in_dim3A_34 {strides = array<i32>} : memref<1024xf32, #tpu.memory_space<vmem>>, vector<16xf32>,
    %broadcast_in_dim3A_37 = arith.constant 0.000000e+00 : f32
    %broadcast_in_dim3A_38 = vector.broadcast %broadcast_in_dim3A_37 : f32 to vector<16xf32>
    %swap3A_39 = arith.constant 112 : index
    %swap3A_40 = tpu.vector_load %arg7[%swap3A_39] {strides = array<i32>} : memref<1024xf32, #tpu.memory_space<vmem>>, vector<16xf32>,
    tpu.vector_store %arg7[%swap3A_39], %broadcast_in_dim3A_38 {strides = array<i32>} : memref<1024xf32, #tpu.memory_space<vmem>>, vector<16xf32>,
    %broadcast_in_dim3A_41 = arith.constant 0.000000e+00 : f32
    %broadcast_in_dim3A_42 = vector.broadcast %broadcast_in_dim3A_41 : f32 to vector<16xf32>
    %swap3A_43 = arith.constant 128 : index
    %swap3A_44 = tpu.vector_load %arg7[%swap3A_43] {strides = array<i32>} : memref<1024xf32, #tpu.memory_space<vmem>>, vector<16xf32>,
    tpu.vector_store %arg7[%swap3A_43], %broadcast_in_dim3A_42 {strides = array<i32>} : memref<1024xf32, #tpu.memory_space<vmem>>, vector<16xf32>,
    %broadcast_in_dim3A_45 = arith.constant 0.000000e+00 : f32
    %broadcast_in_dim3A_46 = vector.broadcast %broadcast_in_dim3A_45 : f32 to vector<16xf32>
    %swap3A_47 = arith.constant 144 : index
    %swap3A_48 = tpu.vector_load %arg7[%swap3A_47] {strides = array<i32>} : memref<1024xf32, #tpu.memory_space<vmem>>, vector<16xf32>,
    tpu.vector_store %arg7[%swap3A_47], %broadcast_in_dim3A_46 {strides = array<i32>} : memref<1024xf32, #tpu.memory_space<vmem>>, vector<16xf32>,
    %broadcast_in_dim3A_49 = arith.constant 0.000000e+00 : f32
    %broadcast_in_dim3A_50 = vector.broadcast %broadcast_in_dim3A_49 : f32 to vector<16xf32>
    %swap3A_51 = arith.constant 160 : index
    %swap3A_52 = tpu.vector_load %arg7[%swap3A_51] {strides = array<i32>} : memref<1024xf32, #tpu.memory_space<vmem>>, vector<16xf32>,
    tpu.vector_store %arg7[%swap3A_51], %broadcast_in_dim3A_50 {strides = array<i32>} : memref<1024xf32, #tpu.memory_space<vmem>>, vector<16xf32>,
    %broadcast_in_dim3A_53 = arith.constant 0.000000e+00 : f32
    %broadcast_in_dim3A_54 = vector.broadcast %broadcast_in_dim3A_53 : f32 to vector<16xf32>
    %swap3A_55 = arith.constant 176 : index
    %swap3A_56 = tpu.vector_load %arg7[%swap3A_55] {strides = array<i32>} : memref<1024xf32, #tpu.memory_space<vmem>>, vector<16xf32>,
    tpu.vector_store %arg7[%swap3A_55], %broadcast_in_dim3A_54 {strides = array<i32>} : memref<1024xf32, #tpu.memory_space<vmem>>, vector<16xf32>,
    %broadcast_in_dim3A_57 = arith.constant 0.000000e+00 : f32
    %broadcast_in_dim3A_58 = vector.broadcast %broadcast_in_dim3A_57 : f32 to vector<16xf32>
    %swap3A_59 = arith.constant 192 : index
    %swap3A_60 = tpu.vector_load %arg7[%swap3A_59] {strides = array<i32>} : memref<1024xf32, #tpu.memory_space<vmem>>, vector<16xf32>,
    tpu.vector_store %arg7[%swap3A_59], %broadcast_in_dim3A_58 {strides = array<i32>} : memref<1024xf32, #tpu.memory_space<vmem>>, vector<16xf32>,
    %broadcast_in_dim3A_61 = arith.constant 0.000000e+00 : f32
    %broadcast_in_dim3A_62 = vector.broadcast %broadcast_in_dim3A_61 : f32 to vector<16xf32>
    %swap3A_63 = arith.constant 208 : index
    %swap3A_64 = tpu.vector_load %arg7[%swap3A_63] {strides = array<i32>} : memref<1024xf32, #tpu.memory_space<vmem>>, vector<16xf32>,
    tpu.vector_store %arg7[%swap3A_63], %broadcast_in_dim3A_62 {strides = array<i32>} : memref<1024xf32, #tpu.memory_space<vmem>>, vector<16xf32>,
    %broadcast_in_dim3A_65 = arith.constant 0.000000e+00 : f32
    %broadcast_in_dim3A_66 = vector.broadcast %broadcast_in_dim3A_65 : f32 to vector<16xf32>
    %swap3A_67 = arith.constant 224 : index
    %swap3A_68 = tpu.vector_load %arg7[%swap3A_67] {strides = array<i32>} : memref<1024xf32, #tpu.memory_space<vmem>>, vector<16xf32>,
    tpu.vector_store %arg7[%swap3A_67], %broadcast_in_dim3A_66 {strides = array<i32>} : memref<1024xf32, #tpu.memory_space<vmem>>, vector<16xf32>,
    %broadcast_in_dim3A_69 = arith.constant 0.000000e+00 : f32
    %broadcast_in_dim3A_70 = vector.broadcast %broadcast_in_dim3A_69 : f32 to vector<16xf32>
    %swap3A_71 = arith.constant 240 : index
    %swap3A_72 = tpu.vector_load %arg7[%swap3A_71] {strides = array<i32>} : memref<1024xf32, #tpu.memory_space<vmem>>, vector<16xf32>,
    tpu.vector_store %arg7[%swap3A_71], %broadcast_in_dim3A_70 {strides = array<i32>} : memref<1024xf32, #tpu.memory_space<vmem>>, vector<16xf32>,
    %broadcast_in_dim3A_73 = arith.constant 0.000000e+00 : f32
    %broadcast_in_dim3A_74 = vector.broadcast %broadcast_in_dim3A_73 : f32 to vector<16xf32>
    %swap3A_75 = arith.constant 256 : index
    %swap3A_76 = tpu.vector_load %arg7[%swap3A_75] {strides = array<i32>} : memref<1024xf32, #tpu.memory_space<vmem>>, vector<16xf32>,
    tpu.vector_store %arg7[%swap3A_75], %broadcast_in_dim3A_74 {strides = array<i32>} : memref<1024xf32, #tpu.memory_space<vmem>>, vector<16xf32>,
    %broadcast_in_dim3A_77 = arith.constant 0.000000e+00 : f32
    %broadcast_in_dim3A_78 = vector.broadcast %broadcast_in_dim3A_77 : f32 to vector<16xf32>
    %swap3A_79 = arith.constant 272 : index
    %swap3A_80 = tpu.vector_load %arg7[%swap3A_79] {strides = array<i32>} : memref<1024xf32, #tpu.memory_space<vmem>>, vector<16xf32>,
    tpu.vector_store %arg7[%swap3A_79], %broadcast_in_dim3A_78 {strides = array<i32>} : memref<1024xf32, #tpu.memory_space<vmem>>, vector<16xf32>,
    %broadcast_in_dim3A_81 = arith.constant 0.000000e+00 : f32
    %broadcast_in_dim3A_82 = vector.broadcast %broadcast_in_dim3A_81 : f32 to vector<16xf32>
    %swap3A_83 = arith.constant 288 : index
    %swap3A_84 = tpu.vector_load %arg7[%swap3A_83] {strides = array<i32>} : memref<1024xf32, #tpu.memory_space<vmem>>, vector<16xf32>,
    tpu.vector_store %arg7[%swap3A_83], %broadcast_in_dim3A_82 {strides = array<i32>} : memref<1024xf32, #tpu.memory_space<vmem>>, vector<16xf32>,
    %broadcast_in_dim3A_85 = arith.constant 0.000000e+00 : f32
    %broadcast_in_dim3A_86 = vector.broadcast %broadcast_in_dim3A_85 : f32 to vector<16xf32>
    %swap3A_87 = arith.constant 304 : index
    %swap3A_88 = tpu.vector_load %arg7[%swap3A_87] {strides = array<i32>} : memref<1024xf32, #tpu.memory_space<vmem>>, vector<16xf32>,
    tpu.vector_store %arg7[%swap3A_87], %broadcast_in_dim3A_86 {strides = array<i32>} : memref<1024xf32, #tpu.memory_space<vmem>>, vector<16xf32>,
    %broadcast_in_dim3A_89 = arith.constant 0.000000e+00 : f32
    %broadcast_in_dim3A_90 = vector.broadcast %broadcast_in_dim3A_89 : f32 to vector<16xf32>
    %swap3A_91 = arith.constant 320 : index
    %swap3A_92 = tpu.vector_load %arg7[%swap3A_91] {strides = array<i32>} : memref<1024xf32, #tpu.memory_space<vmem>>, vector<16xf32>,
    tpu.vector_store %arg7[%swap3A_91], %broadcast_in_dim3A_90 {strides = array<i32>} : memref<1024xf32, #tpu.memory_space<vmem>>, vector<16xf32>,
    %broadcast_in_dim3A_93 = arith.constant 0.000000e+00 : f32
    %broadcast_in_dim3A_94 = vector.broadcast %broadcast_in_dim3A_93 : f32 to vector<16xf32>
    %swap3A_95 = arith.constant 336 : index
    %swap3A_96 = tpu.vector_load %arg7[%swap3A_95] {strides = array<i32>} : memref<1024xf32, #tpu.memory_space<vmem>>, vector<16xf32>,
    tpu.vector_store %arg7[%swap3A_95], %broadcast_in_dim3A_94 {strides = array<i32>} : memref<1024xf32, #tpu.memory_space<vmem>>, vector<16xf32>,
    %broadcast_in_dim3A_97 = arith.constant 0.000000e+00 : f32
    %broadcast_in_dim3A_98 = vector.broadcast %broadcast_in_dim3A_97 : f32 to vector<16xf32>
    %swap3A_99 = arith.constant 352 : index
    %swap3A_100 = tpu.vector_load %arg7[%swap3A_99] {strides = array<i32>} : memref<1024xf32, #tpu.memory_space<vmem>>, vector<16xf32>,
    tpu.vector_store %arg7[%swap3A_99], %broadcast_in_dim3A_98 {strides = array<i32>} : memref<1024xf32, #tpu.memory_space<vmem>>, vector<16xf32>,
    %broadcast_in_dim3A_101 = arith.constant 0.000000e+00 : f32
    %broadcast_in_dim3A_102 = vector.broadcast %broadcast_in_dim3A_101 : f32 to vector<16xf32>
    %swap3A_103 = arith.constant 368 : index
    %swap3A_104 = tpu.vector_load %arg7[%swap3A_103] {strides = array<i32>} : memref<1024xf32, #tpu.memory_space<vmem>>, vector<16xf32>,
    tpu.vector_store %arg7[%swap3A_103], %broadcast_in_dim3A_102 {strides = array<i32>} : memref<1024xf32, #tpu.memory_space<vmem>>, vector<16xf32>,
    %broadcast_in_dim3A_105 = arith.constant 0.000000e+00 : f32
    %broadcast_in_dim3A_106 = vector.broadcast %broadcast_in_dim3A_105 : f32 to vector<16xf32>
    %swap3A_107 = arith.constant 384 : index
    %swap3A_108 = tpu.vector_load %arg7[%swap3A_107] {strides = array<i32>} : memref<1024xf32, #tpu.memory_space<vmem>>, vector<16xf32>,
    tpu.vector_store %arg7[%swap3A_107], %broadcast_in_dim3A_106 {strides = array<i32>} : memref<1024xf32, #tpu.memory_space<vmem>>, vector<16xf32>,
    %broadcast_in_dim3A_109 = arith.constant 0.000000e+00 : f32
    %broadcast_in_dim3A_110 = vector.broadcast %broadcast_in_dim3A_109 : f32 to vector<16xf32>
    %swap3A_111 = arith.constant 400 : index
    %swap3A_112 = tpu.vector_load %arg7[%swap3A_111] {strides = array<i32>} : memref<1024xf32, #tpu.memory_space<vmem>>, vector<16xf32>,
    tpu.vector_store %arg7[%swap3A_111], %broadcast_in_dim3A_110 {strides = array<i32>} : memref<1024xf32, #tpu.memory_space<vmem>>, vector<16xf32>,
    %broadcast_in_dim3A_113 = arith.constant 0.000000e+00 : f32
    %broadcast_in_dim3A_114 = vector.broadcast %broadcast_in_dim3A_113 : f32 to vector<16xf32>
    %swap3A_115 = arith.constant 416 : index
    %swap3A_116 = tpu.vector_load %arg7[%swap3A_115] {strides = array<i32>} : memref<1024xf32, #tpu.memory_space<vmem>>, vector<16xf32>,
    tpu.vector_store %arg7[%swap3A_115], %broadcast_in_dim3A_114 {strides = array<i32>} : memref<1024xf32, #tpu.memory_space<vmem>>, vector<16xf32>,
    %broadcast_in_dim3A_117 = arith.constant 0.000000e+00 : f32
    %broadcast_in_dim3A_118 = vector.broadcast %broadcast_in_dim3A_117 : f32 to vector<16xf32>
    %swap3A_119 = arith.constant 432 : index
    %swap3A_120 = tpu.vector_load %arg7[%swap3A_119] {strides = array<i32>} : memref<1024xf32, #tpu.memory_space<vmem>>, vector<16xf32>,
    tpu.vector_store %arg7[%swap3A_119], %broadcast_in_dim3A_118 {strides = array<i32>} : memref<1024xf32, #tpu.memory_space<vmem>>, vector<16xf32>,
    %broadcast_in_dim3A_121 = arith.constant 0.000000e+00 : f32
    %broadcast_in_dim3A_122 = vector.broadcast %broadcast_in_dim3A_121 : f32 to vector<16xf32>
    %swap3A_123 = arith.constant 448 : index
    %swap3A_124 = tpu.vector_load %arg7[%swap3A_123] {strides = array<i32>} : memref<1024xf32, #tpu.memory_space<vmem>>, vector<16xf32>,
    tpu.vector_store %arg7[%swap3A_123], %broadcast_in_dim3A_122 {strides = array<i32>} : memref<1024xf32, #tpu.memory_space<vmem>>, vector<16xf32>,
    %broadcast_in_dim3A_125 = arith.constant 0.000000e+00 : f32
    %broadcast_in_dim3A_126 = vector.broadcast %broadcast_in_dim3A_125 : f32 to vector<16xf32>
    %swap3A_127 = arith.constant 464 : index
    %swap3A_128 = tpu.vector_load %arg7[%swap3A_127] {strides = array<i32>} : memref<1024xf32, #tpu.memory_space<vmem>>, vector<16xf32>,
    tpu.vector_store %arg7[%swap3A_127], %broadcast_in_dim3A_126 {strides = array<i32>} : memref<1024xf32, #tpu.memory_space<vmem>>, vector<16xf32>,
    %broadcast_in_dim3A_129 = arith.constant 0.000000e+00 : f32
    %broadcast_in_dim3A_130 = vector.broadcast %broadcast_in_dim3A_129 : f32 to vector<16xf32>
    %swap3A_131 = arith.constant 480 : index
    %swap3A_132 = tpu.vector_load %arg7[%swap3A_131] {strides = array<i32>} : memref<1024xf32, #tpu.memory_space<vmem>>, vector<16xf32>,
    tpu.vector_store %arg7[%swap3A_131], %broadcast_in_dim3A_130 {strides = array<i32>} : memref<1024xf32, #tpu.memory_space<vmem>>, vector<16xf32>,
    %broadcast_in_dim3A_133 = arith.constant 0.000000e+00 : f32
    %broadcast_in_dim3A_134 = vector.broadcast %broadcast_in_dim3A_133 : f32 to vector<16xf32>
    %swap3A_135 = arith.constant 496 : index
    %swap3A_136 = tpu.vector_load %arg7[%swap3A_135] {strides = array<i32>} : memref<1024xf32, #tpu.memory_space<vmem>>, vector<16xf32>,
    tpu.vector_store %arg7[%swap3A_135], %broadcast_in_dim3A_134 {strides = array<i32>} : memref<1024xf32, #tpu.memory_space<vmem>>, vector<16xf32>,
    %broadcast_in_dim3A_137 = arith.constant 0.000000e+00 : f32
    %broadcast_in_dim3A_138 = vector.broadcast %broadcast_in_dim3A_137 : f32 to vector<16xf32>
    %swap3A_139 = arith.constant 512 : index
    %swap3A_140 = tpu.vector_load %arg7[%swap3A_139] {strides = array<i32>} : memref<1024xf32, #tpu.memory_space<vmem>>, vector<16xf32>,
    tpu.vector_store %arg7[%swap3A_139], %broadcast_in_dim3A_138 {strides = array<i32>} : memref<1024xf32, #tpu.memory_space<vmem>>, vector<16xf32>,
    %broadcast_in_dim3A_141 = arith.constant 0.000000e+00 : f32
    %broadcast_in_dim3A_142 = vector.broadcast %broadcast_in_dim3A_141 : f32 to vector<16xf32>
    %swap3A_143 = arith.constant 528 : index
    %swap3A_144 = tpu.vector_load %arg7[%swap3A_143] {strides = array<i32>} : memref<1024xf32, #tpu.memory_space<vmem>>, vector<16xf32>,
    tpu.vector_store %arg7[%swap3A_143], %broadcast_in_dim3A_142 {strides = array<i32>} : memref<1024xf32, #tpu.memory_space<vmem>>, vector<16xf32>,
    %broadcast_in_dim3A_145 = arith.constant 0.000000e+00 : f32
    %broadcast_in_dim3A_146 = vector.broadcast %broadcast_in_dim3A_145 : f32 to vector<16xf32>
    %swap3A_147 = arith.constant 544 : index
    %swap3A_148 = tpu.vector_load %arg7[%swap3A_147] {strides = array<i32>} : memref<1024xf32, #tpu.memory_space<vmem>>, vector<16xf32>,
    tpu.vector_store %arg7[%swap3A_147], %broadcast_in_dim3A_146 {strides = array<i32>} : memref<1024xf32, #tpu.memory_space<vmem>>, vector<16xf32>,
    %broadcast_in_dim3A_149 = arith.constant 0.000000e+00 : f32
    %broadcast_in_dim3A_150 = vector.broadcast %broadcast_in_dim3A_149 : f32 to vector<16xf32>
    %swap3A_151 = arith.constant 560 : index
    %swap3A_152 = tpu.vector_load %arg7[%swap3A_151] {strides = array<i32>} : memref<1024xf32, #tpu.memory_space<vmem>>, vector<16xf32>,
    tpu.vector_store %arg7[%swap3A_151], %broadcast_in_dim3A_150 {strides = array<i32>} : memref<1024xf32, #tpu.memory_space<vmem>>, vector<16xf32>,
    %broadcast_in_dim3A_153 = arith.constant 0.000000e+00 : f32
    %broadcast_in_dim3A_154 = vector.broadcast %broadcast_in_dim3A_153 : f32 to vector<16xf32>
    %swap3A_155 = arith.constant 576 : index
    %swap3A_156 = tpu.vector_load %arg7[%swap3A_155] {strides = array<i32>} : memref<1024xf32, #tpu.memory_space<vmem>>, vector<16xf32>,
    tpu.vector_store %arg7[%swap3A_155], %broadcast_in_dim3A_154 {strides = array<i32>} : memref<1024xf32, #tpu.memory_space<vmem>>, vector<16xf32>,
    %broadcast_in_dim3A_157 = arith.constant 0.000000e+00 : f32
    %broadcast_in_dim3A_158 = vector.broadcast %broadcast_in_dim3A_157 : f32 to vector<16xf32>
    %swap3A_159 = arith.constant 592 : index
    %swap3A_160 = tpu.vector_load %arg7[%swap3A_159] {strides = array<i32>} : memref<1024xf32, #tpu.memory_space<vmem>>, vector<16xf32>,
    tpu.vector_store %arg7[%swap3A_159], %broadcast_in_dim3A_158 {strides = array<i32>} : memref<1024xf32, #tpu.memory_space<vmem>>, vector<16xf32>,
    %broadcast_in_dim3A_161 = arith.constant 0.000000e+00 : f32
    %broadcast_in_dim3A_162 = vector.broadcast %broadcast_in_dim3A_161 : f32 to vector<16xf32>
    %swap3A_163 = arith.constant 608 : index
    %swap3A_164 = tpu.vector_load %arg7[%swap3A_163] {strides = array<i32>} : memref<1024xf32, #tpu.memory_space<vmem>>, vector<16xf32>,
    tpu.vector_store %arg7[%swap3A_163], %broadcast_in_dim3A_162 {strides = array<i32>} : memref<1024xf32, #tpu.memory_space<vmem>>, vector<16xf32>,
    %broadcast_in_dim3A_165 = arith.constant 0.000000e+00 : f32
    %broadcast_in_dim3A_166 = vector.broadcast %broadcast_in_dim3A_165 : f32 to vector<16xf32>
    %swap3A_167 = arith.constant 624 : index
    %swap3A_168 = tpu.vector_load %arg7[%swap3A_167] {strides = array<i32>} : memref<1024xf32, #tpu.memory_space<vmem>>, vector<16xf32>,
    tpu.vector_store %arg7[%swap3A_167], %broadcast_in_dim3A_166 {strides = array<i32>} : memref<1024xf32, #tpu.memory_space<vmem>>, vector<16xf32>,
    %broadcast_in_dim3A_169 = arith.constant 0.000000e+00 : f32
    %broadcast_in_dim3A_170 = vector.broadcast %broadcast_in_dim3A_169 : f32 to vector<16xf32>
    %swap3A_171 = arith.constant 640 : index
    %swap3A_172 = tpu.vector_load %arg7[%swap3A_171] {strides = array<i32>} : memref<1024xf32, #tpu.memory_space<vmem>>, vector<16xf32>,
    tpu.vector_store %arg7[%swap3A_171], %broadcast_in_dim3A_170 {strides = array<i32>} : memref<1024xf32, #tpu.memory_space<vmem>>, vector<16xf32>,
    %broadcast_in_dim3A_173 = arith.constant 0.000000e+00 : f32
    %broadcast_in_dim3A_174 = vector.broadcast %broadcast_in_dim3A_173 : f32 to vector<16xf32>
    %swap3A_175 = arith.constant 656 : index
    %swap3A_176 = tpu.vector_load %arg7[%swap3A_175] {strides = array<i32>} : memref<1024xf32, #tpu.memory_space<vmem>>, vector<16xf32>,
    tpu.vector_store %arg7[%swap3A_175], %broadcast_in_dim3A_174 {strides = array<i32>} : memref<1024xf32, #tpu.memory_space<vmem>>, vector<16xf32>,
    %broadcast_in_dim3A_177 = arith.constant 0.000000e+00 : f32
    %broadcast_in_dim3A_178 = vector.broadcast %broadcast_in_dim3A_177 : f32 to vector<16xf32>
    %swap3A_179 = arith.constant 672 : index
    %swap3A_180 = tpu.vector_load %arg7[%swap3A_179] {strides = array<i32>} : memref<1024xf32, #tpu.memory_space<vmem>>, vector<16xf32>,
    tpu.vector_store %arg7[%swap3A_179], %broadcast_in_dim3A_178 {strides = array<i32>} : memref<1024xf32, #tpu.memory_space<vmem>>, vector<16xf32>,
    %broadcast_in_dim3A_181 = arith.constant 0.000000e+00 : f32
    %broadcast_in_dim3A_182 = vector.broadcast %broadcast_in_dim3A_181 : f32 to vector<16xf32>
    %swap3A_183 = arith.constant 688 : index
    %swap3A_184 = tpu.vector_load %arg7[%swap3A_183] {strides = array<i32>} : memref<1024xf32, #tpu.memory_space<vmem>>, vector<16xf32>,
    tpu.vector_store %arg7[%swap3A_183], %broadcast_in_dim3A_182 {strides = array<i32>} : memref<1024xf32, #tpu.memory_space<vmem>>, vector<16xf32>,
    %broadcast_in_dim3A_185 = arith.constant 0.000000e+00 : f32
    %broadcast_in_dim3A_186 = vector.broadcast %broadcast_in_dim3A_185 : f32 to vector<16xf32>
    %swap3A_187 = arith.constant 704 : index
    %swap3A_188 = tpu.vector_load %arg7[%swap3A_187] {strides = array<i32>} : memref<1024xf32, #tpu.memory_space<vmem>>, vector<16xf32>,
    tpu.vector_store %arg7[%swap3A_187], %broadcast_in_dim3A_186 {strides = array<i32>} : memref<1024xf32, #tpu.memory_space<vmem>>, vector<16xf32>,
    %broadcast_in_dim3A_189 = arith.constant 0.000000e+00 : f32
    %broadcast_in_dim3A_190 = vector.broadcast %broadcast_in_dim3A_189 : f32 to vector<16xf32>
    %swap3A_191 = arith.constant 720 : index
    %swap3A_192 = tpu.vector_load %arg7[%swap3A_191] {strides = array<i32>} : memref<1024xf32, #tpu.memory_space<vmem>>, vector<16xf32>,
    tpu.vector_store %arg7[%swap3A_191], %broadcast_in_dim3A_190 {strides = array<i32>} : memref<1024xf32, #tpu.memory_space<vmem>>, vector<16xf32>,
    %broadcast_in_dim3A_193 = arith.constant 0.000000e+00 : f32
    %broadcast_in_dim3A_194 = vector.broadcast %broadcast_in_dim3A_193 : f32 to vector<16xf32>
    %swap3A_195 = arith.constant 736 : index
    %swap3A_196 = tpu.vector_load %arg7[%swap3A_195] {strides = array<i32>} : memref<1024xf32, #tpu.memory_space<vmem>>, vector<16xf32>,
    tpu.vector_store %arg7[%swap3A_195], %broadcast_in_dim3A_194 {strides = array<i32>} : memref<1024xf32, #tpu.memory_space<vmem>>, vector<16xf32>,
    %broadcast_in_dim3A_197 = arith.constant 0.000000e+00 : f32
    %broadcast_in_dim3A_198 = vector.broadcast %broadcast_in_dim3A_197 : f32 to vector<16xf32>
    %swap3A_199 = arith.constant 752 : index
    %swap3A_200 = tpu.vector_load %arg7[%swap3A_199] {strides = array<i32>} : memref<1024xf32, #tpu.memory_space<vmem>>, vector<16xf32>,
    tpu.vector_store %arg7[%swap3A_199], %broadcast_in_dim3A_198 {strides = array<i32>} : memref<1024xf32, #tpu.memory_space<vmem>>, vector<16xf32>,
    %broadcast_in_dim3A_201 = arith.constant 0.000000e+00 : f32
    %broadcast_in_dim3A_202 = vector.broadcast %broadcast_in_dim3A_201 : f32 to vector<16xf32>
    %swap3A_203 = arith.constant 768 : index
    %swap3A_204 = tpu.vector_load %arg7[%swap3A_203] {strides = array<i32>} : memref<1024xf32, #tpu.memory_space<vmem>>, vector<16xf32>,
    tpu.vector_store %arg7[%swap3A_203], %broadcast_in_dim3A_202 {strides = array<i32>} : memref<1024xf32, #tpu.memory_space<vmem>>, vector<16xf32>,
    %broadcast_in_dim3A_205 = arith.constant 0.000000e+00 : f32
    %broadcast_in_dim3A_206 = vector.broadcast %broadcast_in_dim3A_205 : f32 to vector<16xf32>
    %swap3A_207 = arith.constant 784 : index
    %swap3A_208 = tpu.vector_load %arg7[%swap3A_207] {strides = array<i32>} : memref<1024xf32, #tpu.memory_space<vmem>>, vector<16xf32>,
    tpu.vector_store %arg7[%swap3A_207], %broadcast_in_dim3A_206 {strides = array<i32>} : memref<1024xf32, #tpu.memory_space<vmem>>, vector<16xf32>,
    %broadcast_in_dim3A_209 = arith.constant 0.000000e+00 : f32
    %broadcast_in_dim3A_210 = vector.broadcast %broadcast_in_dim3A_209 : f32 to vector<16xf32>
    %swap3A_211 = arith.constant 800 : index
    %swap3A_212 = tpu.vector_load %arg7[%swap3A_211] {strides = array<i32>} : memref<1024xf32, #tpu.memory_space<vmem>>, vector<16xf32>,
    tpu.vector_store %arg7[%swap3A_211], %broadcast_in_dim3A_210 {strides = array<i32>} : memref<1024xf32, #tpu.memory_space<vmem>>, vector<16xf32>,
    %broadcast_in_dim3A_213 = arith.constant 0.000000e+00 : f32
    %broadcast_in_dim3A_214 = vector.broadcast %broadcast_in_dim3A_213 : f32 to vector<16xf32>
    %swap3A_215 = arith.constant 816 : index
    %swap3A_216 = tpu.vector_load %arg7[%swap3A_215] {strides = array<i32>} : memref<1024xf32, #tpu.memory_space<vmem>>, vector<16xf32>,
    tpu.vector_store %arg7[%swap3A_215], %broadcast_in_dim3A_214 {strides = array<i32>} : memref<1024xf32, #tpu.memory_space<vmem>>, vector<16xf32>,
    %broadcast_in_dim3A_217 = arith.constant 0.000000e+00 : f32
    %broadcast_in_dim3A_218 = vector.broadcast %broadcast_in_dim3A_217 : f32 to vector<16xf32>
    %swap3A_219 = arith.constant 832 : index
    %swap3A_220 = tpu.vector_load %arg7[%swap3A_219] {strides = array<i32>} : memref<1024xf32, #tpu.memory_space<vmem>>, vector<16xf32>,
    tpu.vector_store %arg7[%swap3A_219], %broadcast_in_dim3A_218 {strides = array<i32>} : memref<1024xf32, #tpu.memory_space<vmem>>, vector<16xf32>,
    %broadcast_in_dim3A_221 = arith.constant 0.000000e+00 : f32
    %broadcast_in_dim3A_222 = vector.broadcast %broadcast_in_dim3A_221 : f32 to vector<16xf32>
    %swap3A_223 = arith.constant 848 : index
    %swap3A_224 = tpu.vector_load %arg7[%swap3A_223] {strides = array<i32>} : memref<1024xf32, #tpu.memory_space<vmem>>, vector<16xf32>,
    tpu.vector_store %arg7[%swap3A_223], %broadcast_in_dim3A_222 {strides = array<i32>} : memref<1024xf32, #tpu.memory_space<vmem>>, vector<16xf32>,
    %broadcast_in_dim3A_225 = arith.constant 0.000000e+00 : f32
    %broadcast_in_dim3A_226 = vector.broadcast %broadcast_in_dim3A_225 : f32 to vector<16xf32>
    %swap3A_227 = arith.constant 864 : index
    %swap3A_228 = tpu.vector_load %arg7[%swap3A_227] {strides = array<i32>} : memref<1024xf32, #tpu.memory_space<vmem>>, vector<16xf32>,
    tpu.vector_store %arg7[%swap3A_227], %broadcast_in_dim3A_226 {strides = array<i32>} : memref<1024xf32, #tpu.memory_space<vmem>>, vector<16xf32>,
    %broadcast_in_dim3A_229 = arith.constant 0.000000e+00 : f32
    %broadcast_in_dim3A_230 = vector.broadcast %broadcast_in_dim3A_229 : f32 to vector<16xf32>
    %swap3A_231 = arith.constant 880 : index
    %swap3A_232 = tpu.vector_load %arg7[%swap3A_231] {strides = array<i32>} : memref<1024xf32, #tpu.memory_space<vmem>>, vector<16xf32>,
    tpu.vector_store %arg7[%swap3A_231], %broadcast_in_dim3A_230 {strides = array<i32>} : memref<1024xf32, #tpu.memory_space<vmem>>, vector<16xf32>,
    %broadcast_in_dim3A_233 = arith.constant 0.000000e+00 : f32
    %broadcast_in_dim3A_234 = vector.broadcast %broadcast_in_dim3A_233 : f32 to vector<16xf32>
    %swap3A_235 = arith.constant 896 : index
    %swap3A_236 = tpu.vector_load %arg7[%swap3A_235] {strides = array<i32>} : memref<1024xf32, #tpu.memory_space<vmem>>, vector<16xf32>,
    tpu.vector_store %arg7[%swap3A_235], %broadcast_in_dim3A_234 {strides = array<i32>} : memref<1024xf32, #tpu.memory_space<vmem>>, vector<16xf32>,
    %broadcast_in_dim3A_237 = arith.constant 0.000000e+00 : f32
    %broadcast_in_dim3A_238 = vector.broadcast %broadcast_in_dim3A_237 : f32 to vector<16xf32>
    %swap3A_239 = arith.constant 912 : index
    %swap3A_240 = tpu.vector_load %arg7[%swap3A_239] {strides = array<i32>} : memref<1024xf32, #tpu.memory_space<vmem>>, vector<16xf32>,
    tpu.vector_store %arg7[%swap3A_239], %broadcast_in_dim3A_238 {strides = array<i32>} : memref<1024xf32, #tpu.memory_space<vmem>>, vector<16xf32>,
    %broadcast_in_dim3A_241 = arith.constant 0.000000e+00 : f32
    %broadcast_in_dim3A_242 = vector.broadcast %broadcast_in_dim3A_241 : f32 to vector<16xf32>
    %swap3A_243 = arith.constant 928 : index
    %swap3A_244 = tpu.vector_load %arg7[%swap3A_243] {strides = array<i32>} : memref<1024xf32, #tpu.memory_space<vmem>>, vector<16xf32>,
    tpu.vector_store %arg7[%swap3A_243], %broadcast_in_dim3A_242 {strides = array<i32>} : memref<1024xf32, #tpu.memory_space<vmem>>, vector<16xf32>,
    %broadcast_in_dim3A_245 = arith.constant 0.000000e+00 : f32
    %broadcast_in_dim3A_246 = vector.broadcast %broadcast_in_dim3A_245 : f32 to vector<16xf32>
    %swap3A_247 = arith.constant 944 : index
    %swap3A_248 = tpu.vector_load %arg7[%swap3A_247] {strides = array<i32>} : memref<1024xf32, #tpu.memory_space<vmem>>, vector<16xf32>,
    tpu.vector_store %arg7[%swap3A_247], %broadcast_in_dim3A_246 {strides = array<i32>} : memref<1024xf32, #tpu.memory_space<vmem>>, vector<16xf32>,
    %broadcast_in_dim3A_249 = arith.constant 0.000000e+00 : f32
    %broadcast_in_dim3A_250 = vector.broadcast %broadcast_in_dim3A_249 : f32 to vector<16xf32>
    %swap3A_251 = arith.constant 960 : index
    %swap3A_252 = tpu.vector_load %arg7[%swap3A_251] {strides = array<i32>} : memref<1024xf32, #tpu.memory_space<vmem>>, vector<16xf32>,
    tpu.vector_store %arg7[%swap3A_251], %broadcast_in_dim3A_250 {strides = array<i32>} : memref<1024xf32, #tpu.memory_space<vmem>>, vector<16xf32>,
    %broadcast_in_dim3A_253 = arith.constant 0.000000e+00 : f32
    %broadcast_in_dim3A_254 = vector.broadcast %broadcast_in_dim3A_253 : f32 to vector<16xf32>
    %swap3A_255 = arith.constant 976 : index
    %swap3A_256 = tpu.vector_load %arg7[%swap3A_255] {strides = array<i32>} : memref<1024xf32, #tpu.memory_space<vmem>>, vector<16xf32>,
    tpu.vector_store %arg7[%swap3A_255], %broadcast_in_dim3A_254 {strides = array<i32>} : memref<1024xf32, #tpu.memory_space<vmem>>, vector<16xf32>,
    %broadcast_in_dim3A_257 = arith.constant 0.000000e+00 : f32
    %broadcast_in_dim3A_258 = vector.broadcast %broadcast_in_dim3A_257 : f32 to vector<16xf32>
    %swap3A_259 = arith.constant 992 : index
    %swap3A_260 = tpu.vector_load %arg7[%swap3A_259] {strides = array<i32>} : memref<1024xf32, #tpu.memory_space<vmem>>, vector<16xf32>,
    tpu.vector_store %arg7[%swap3A_259], %broadcast_in_dim3A_258 {strides = array<i32>} : memref<1024xf32, #tpu.memory_space<vmem>>, vector<16xf32>,
    %broadcast_in_dim3A_261 = arith.constant 0.000000e+00 : f32
    %broadcast_in_dim3A_262 = vector.broadcast %broadcast_in_dim3A_261 : f32 to vector<16xf32>
    %swap3A_263 = arith.constant 1008 : index
    %swap3A_264 = tpu.vector_load %arg7[%swap3A_263] {strides = array<i32>} : memref<1024xf32, #tpu.memory_space<vmem>>, vector<16xf32>,
    tpu.vector_store %arg7[%swap3A_263], %broadcast_in_dim3A_262 {strides = array<i32>} : memref<1024xf32, #tpu.memory_space<vmem>>, vector<16xf32>,
    %scan3A = arith.constant 0 : i32
    %scan3A_265 = arith.constant 0 : i32
    %scan3A_266 = arith.constant 100 : i32
    %scan3A_267 = arith.addi %scan3A_265, %scan3A_266 : i32
    %scan3A_268 = arith.constant 1 : i32
    scf.for %scan3A_1130 = %scan3A_265 to %scan3A_267 step %scan3A_268  : i32 {
      %mul3A_1131 = arith.constant 4 : i32
      %mul3A_1132 = arith.muli %scan3A_1130, %mul3A_1131 : i32
      %add3A_1133 = arith.constant 0 : i32
      %add3A_1134 = arith.addi %mul3A_1132, %add3A_1133 : i32
      %mul3A_1135 = arith.constant 16 : i32
      %mul3A_1136 = arith.muli %add3A_1134, %mul3A_1135 : i32
      %get3A_1137 = arith.index_cast %mul3A_1136 : i32 to index
      %get3A_1138 = tpu.vector_load %arg5[%get3A_1137] {strides = array<i32>} : memref<6400xf32, #tpu.memory_space<vmem>>, vector<16xf32>,
      %exp3A = math.exp %get3A_1138 : vector<16xf32>
      %swap3A_1139 = arith.index_cast %mul3A_1136 : i32 to index
      %swap3A_1140 = tpu.vector_load %arg5[%swap3A_1139] {strides = array<i32>} : memref<6400xf32, #tpu.memory_space<vmem>>, vector<16xf32>,
      tpu.vector_store %arg5[%swap3A_1139], %exp3A {strides = array<i32>} : memref<6400xf32, #tpu.memory_space<vmem>>, vector<16xf32>,
      %get3A_1141 = arith.index_cast %mul3A_1136 : i32 to index
      %get3A_1142 = tpu.vector_load %arg6[%get3A_1141] {strides = array<i32>} : memref<6400xi32, #tpu.memory_space<vmem>>, vector<16xi32>,
      tpu.vector_store_idx %arg7[%get3A_1142], %exp3A {add = true} : memref<1024xf32, #tpu.memory_space<vmem>>[vector<16xi32>], vector<16xf32>,
      %mul3A_1143 = arith.constant 4 : i32
      %mul3A_1144 = arith.muli %scan3A_1130, %mul3A_1143 : i32
      %add3A_1145 = arith.constant 1 : i32
      %add3A_1146 = arith.addi %mul3A_1144, %add3A_1145 : i32
      %mul3A_1147 = arith.constant 16 : i32
      %mul3A_1148 = arith.muli %add3A_1146, %mul3A_1147 : i32
      %get3A_1149 = arith.index_cast %mul3A_1148 : i32 to index
      %get3A_1150 = tpu.vector_load %arg5[%get3A_1149] {strides = array<i32>} : memref<6400xf32, #tpu.memory_space<vmem>>, vector<16xf32>,
      %exp3A_1151 = math.exp %get3A_1150 : vector<16xf32>
      %swap3A_1152 = arith.index_cast %mul3A_1148 : i32 to index
      %swap3A_1153 = tpu.vector_load %arg5[%swap3A_1152] {strides = array<i32>} : memref<6400xf32, #tpu.memory_space<vmem>>, vector<16xf32>,
      tpu.vector_store %arg5[%swap3A_1152], %exp3A_1151 {strides = array<i32>} : memref<6400xf32, #tpu.memory_space<vmem>>, vector<16xf32>,
      %get3A_1154 = arith.index_cast %mul3A_1148 : i32 to index
      %get3A_1155 = tpu.vector_load %arg6[%get3A_1154] {strides = array<i32>} : memref<6400xi32, #tpu.memory_space<vmem>>, vector<16xi32>,
      tpu.vector_store_idx %arg7[%get3A_1155], %exp3A_1151 {add = true} : memref<1024xf32, #tpu.memory_space<vmem>>[vector<16xi32>], vector<16xf32>,
      %mul3A_1156 = arith.constant 4 : i32
      %mul3A_1157 = arith.muli %scan3A_1130, %mul3A_1156 : i32
      %add3A_1158 = arith.constant 2 : i32
      %add3A_1159 = arith.addi %mul3A_1157, %add3A_1158 : i32
      %mul3A_1160 = arith.constant 16 : i32
      %mul3A_1161 = arith.muli %add3A_1159, %mul3A_1160 : i32
      %get3A_1162 = arith.index_cast %mul3A_1161 : i32 to index
      %get3A_1163 = tpu.vector_load %arg5[%get3A_1162] {strides = array<i32>} : memref<6400xf32, #tpu.memory_space<vmem>>, vector<16xf32>,
      %exp3A_1164 = math.exp %get3A_1163 : vector<16xf32>
      %swap3A_1165 = arith.index_cast %mul3A_1161 : i32 to index
      %swap3A_1166 = tpu.vector_load %arg5[%swap3A_1165] {strides = array<i32>} : memref<6400xf32, #tpu.memory_space<vmem>>, vector<16xf32>,
      tpu.vector_store %arg5[%swap3A_1165], %exp3A_1164 {strides = array<i32>} : memref<6400xf32, #tpu.memory_space<vmem>>, vector<16xf32>,
      %get3A_1167 = arith.index_cast %mul3A_1161 : i32 to index
      %get3A_1168 = tpu.vector_load %arg6[%get3A_1167] {strides = array<i32>} : memref<6400xi32, #tpu.memory_space<vmem>>, vector<16xi32>,
      tpu.vector_store_idx %arg7[%get3A_1168], %exp3A_1164 {add = true} : memref<1024xf32, #tpu.memory_space<vmem>>[vector<16xi32>], vector<16xf32>,
      %mul3A_1169 = arith.constant 4 : i32
      %mul3A_1170 = arith.muli %scan3A_1130, %mul3A_1169 : i32
      %add3A_1171 = arith.constant 3 : i32
      %add3A_1172 = arith.addi %mul3A_1170, %add3A_1171 : i32
      %mul3A_1173 = arith.constant 16 : i32
      %mul3A_1174 = arith.muli %add3A_1172, %mul3A_1173 : i32
      %get3A_1175 = arith.index_cast %mul3A_1174 : i32 to index
      %get3A_1176 = tpu.vector_load %arg5[%get3A_1175] {strides = array<i32>} : memref<6400xf32, #tpu.memory_space<vmem>>, vector<16xf32>,
      %exp3A_1177 = math.exp %get3A_1176 : vector<16xf32>
      %swap3A_1178 = arith.index_cast %mul3A_1174 : i32 to index
      %swap3A_1179 = tpu.vector_load %arg5[%swap3A_1178] {strides = array<i32>} : memref<6400xf32, #tpu.memory_space<vmem>>, vector<16xf32>,
      tpu.vector_store %arg5[%swap3A_1178], %exp3A_1177 {strides = array<i32>} : memref<6400xf32, #tpu.memory_space<vmem>>, vector<16xf32>,
      %get3A_1180 = arith.index_cast %mul3A_1174 : i32 to index
      %get3A_1181 = tpu.vector_load %arg6[%get3A_1180] {strides = array<i32>} : memref<6400xi32, #tpu.memory_space<vmem>>, vector<16xi32>,
      tpu.vector_store_idx %arg7[%get3A_1181], %exp3A_1177 {add = true} : memref<1024xf32, #tpu.memory_space<vmem>>[vector<16xi32>], vector<16xf32>,
    }
    %scan3A_269 = arith.constant 100 : i32
    %mul3A_270 = arith.constant 1024 : i32
    %mul3A_271 = arith.muli %arg1, %mul3A_270 : i32
    "tpu.region"() ({
      %run_scoped3A = tpu.sem_alloc : memref<!tpu.dma_semaphore, #tpu.memory_space<semaphore_mem>>
      %dma_start3A_1130 = tpu.memref_slice %arg12[%mul3A_271] : memref<17408xf32, #tpu.memory_space<vmem_shared>> -> memref<1024xf32, #tpu.memory_space<vmem_shared>>
      %dma_start3A_1131 = tpu.memref_slice %arg12[%mul3A_271] : memref<17408xf32, #tpu.memory_space<vmem_shared>> -> memref<1024xf32, #tpu.memory_space<vmem_shared>>
      tpu.enqueue_dma source(%arg7 : memref<1024xf32, #tpu.memory_space<vmem>>) target(%dma_start3A_1131 : memref<1024xf32, #tpu.memory_space<vmem_shared>>) target_semaphore(%run_scoped3A : memref<!tpu.dma_semaphore, #tpu.memory_space<semaphore_mem>>)
      %dma_wait3A_1132 = tpu.memref_slice %arg12[%mul3A_271] : memref<17408xf32, #tpu.memory_space<vmem_shared>> -> memref<1024xf32, #tpu.memory_space<vmem_shared>>
      %dma_wait3A_1133 = tpu.memref_slice %arg12[%mul3A_271] : memref<17408xf32, #tpu.memory_space<vmem_shared>> -> memref<1024xf32, #tpu.memory_space<vmem_shared>>
      tpu.wait_dma2 semaphore(%run_scoped3A : memref<!tpu.dma_semaphore, #tpu.memory_space<semaphore_mem>>) src(%arg7 : memref<1024xf32, #tpu.memory_space<vmem>>) dst(%dma_wait3A_1133 : memref<1024xf32, #tpu.memory_space<vmem_shared>>)
      tpu.yield
    }) : () -> ()
    %barrier3A = arith.constant 0 : index
    tpu.barrier barrier_id(%barrier3A)
    "tpu.region"() ({
      %run_scoped3A = tpu.sem_alloc : memref<!tpu.dma_semaphore, #tpu.memory_space<semaphore_mem>>
      %dma_start3A_1130 = arith.constant 0 : i32
      %dma_start3A_1131 = tpu.memref_slice %arg12[%dma_start3A_1130] : memref<17408xf32, #tpu.memory_space<vmem_shared>> -> memref<16384xf32, #tpu.memory_space<vmem_shared>>
      %dma_start3A_1132 = arith.constant 0 : i32
      %dma_start3A_1133 = tpu.memref_slice %arg12[%dma_start3A_1132] : memref<17408xf32, #tpu.memory_space<vmem_shared>> -> memref<16384xf32, #tpu.memory_space<vmem_shared>>
      tpu.enqueue_dma source(%dma_start3A_1133 : memref<16384xf32, #tpu.memory_space<vmem_shared>>) target(%arg8 : memref<16384xf32, #tpu.memory_space<vmem>>) target_semaphore(%run_scoped3A : memref<!tpu.dma_semaphore, #tpu.memory_space<semaphore_mem>>)
      %dma_wait3A_1134 = arith.constant 0 : i32
      %dma_wait3A_1135 = tpu.memref_slice %arg12[%dma_wait3A_1134] : memref<17408xf32, #tpu.memory_space<vmem_shared>> -> memref<16384xf32, #tpu.memory_space<vmem_shared>>
      %dma_wait3A_1136 = arith.constant 0 : i32
      %dma_wait3A_1137 = tpu.memref_slice %arg12[%dma_wait3A_1136] : memref<17408xf32, #tpu.memory_space<vmem_shared>> -> memref<16384xf32, #tpu.memory_space<vmem_shared>>
      tpu.wait_dma2 semaphore(%run_scoped3A : memref<!tpu.dma_semaphore, #tpu.memory_space<semaphore_mem>>) src(%dma_wait3A_1137 : memref<16384xf32, #tpu.memory_space<vmem_shared>>) dst(%arg8 : memref<16384xf32, #tpu.memory_space<vmem>>)
      tpu.yield
    }) : () -> ()
    %broadcast_in_dim3A_272 = arith.constant 1.000000e-16 : f32
    %broadcast_in_dim3A_273 = vector.broadcast %broadcast_in_dim3A_272 : f32 to vector<16xf32>
    %swap3A_274 = arith.constant 0 : index
    %swap3A_275 = tpu.vector_load %arg11[%swap3A_274] {strides = array<i32>} : memref<64xf32, #tpu.memory_space<vmem>>, vector<16xf32>,
    tpu.vector_store %arg11[%swap3A_274], %broadcast_in_dim3A_273 {strides = array<i32>} : memref<64xf32, #tpu.memory_space<vmem>>, vector<16xf32>,
    %broadcast_in_dim3A_276 = arith.constant 1.000000e-16 : f32
    %broadcast_in_dim3A_277 = vector.broadcast %broadcast_in_dim3A_276 : f32 to vector<16xf32>
    %swap3A_278 = arith.constant 16 : index
    %swap3A_279 = tpu.vector_load %arg11[%swap3A_278] {strides = array<i32>} : memref<64xf32, #tpu.memory_space<vmem>>, vector<16xf32>,
    tpu.vector_store %arg11[%swap3A_278], %broadcast_in_dim3A_277 {strides = array<i32>} : memref<64xf32, #tpu.memory_space<vmem>>, vector<16xf32>,
    %broadcast_in_dim3A_280 = arith.constant 1.000000e-16 : f32
    %broadcast_in_dim3A_281 = vector.broadcast %broadcast_in_dim3A_280 : f32 to vector<16xf32>
    %swap3A_282 = arith.constant 32 : index
    %swap3A_283 = tpu.vector_load %arg11[%swap3A_282] {strides = array<i32>} : memref<64xf32, #tpu.memory_space<vmem>>, vector<16xf32>,
    tpu.vector_store %arg11[%swap3A_282], %broadcast_in_dim3A_281 {strides = array<i32>} : memref<64xf32, #tpu.memory_space<vmem>>, vector<16xf32>,
    %broadcast_in_dim3A_284 = arith.constant 1.000000e-16 : f32
    %broadcast_in_dim3A_285 = vector.broadcast %broadcast_in_dim3A_284 : f32 to vector<16xf32>
    %swap3A_286 = arith.constant 48 : index
    %swap3A_287 = tpu.vector_load %arg11[%swap3A_286] {strides = array<i32>} : memref<64xf32, #tpu.memory_space<vmem>>, vector<16xf32>,
    tpu.vector_store %arg11[%swap3A_286], %broadcast_in_dim3A_285 {strides = array<i32>} : memref<64xf32, #tpu.memory_space<vmem>>, vector<16xf32>,
    %get3A = arith.constant 0 : index
    %get3A_288 = tpu.vector_load %arg11[%get3A] {strides = array<i32>} : memref<64xf32, #tpu.memory_space<vmem>>, vector<16xf32>,
    %mul3A_289 = arith.constant 64 : i32
    %mul3A_290 = arith.muli %arg1, %mul3A_289 : i32
    %add3A_291 = arith.constant 0 : i32
    %add3A_292 = arith.addi %add3A_291, %mul3A_290 : i32
    %add3A_293 = arith.constant 0 : i32
    %add3A_294 = arith.addi %add3A_292, %add3A_293 : i32
    %get3A_295 = arith.index_cast %add3A_294 : i32 to index
    %get3A_296 = tpu.vector_load %arg8[%get3A_295] {strides = array<i32>} : memref<16384xf32, #tpu.memory_space<vmem>>, vector<16xf32>,
    %add3A_297 = arith.addf %get3A_288, %get3A_296 : vector<16xf32>
    %swap3A_298 = arith.constant 0 : index
    %swap3A_299 = tpu.vector_load %arg11[%swap3A_298] {strides = array<i32>} : memref<64xf32, #tpu.memory_space<vmem>>, vector<16xf32>,
    tpu.vector_store %arg11[%swap3A_298], %add3A_297 {strides = array<i32>} : memref<64xf32, #tpu.memory_space<vmem>>, vector<16xf32>,
    %get3A_300 = arith.constant 16 : index
    %get3A_301 = tpu.vector_load %arg11[%get3A_300] {strides = array<i32>} : memref<64xf32, #tpu.memory_space<vmem>>, vector<16xf32>,
    %mul3A_302 = arith.constant 64 : i32
    %mul3A_303 = arith.muli %arg1, %mul3A_302 : i32
    %add3A_304 = arith.constant 0 : i32
    %add3A_305 = arith.addi %add3A_304, %mul3A_303 : i32
    %add3A_306 = arith.constant 16 : i32
    %add3A_307 = arith.addi %add3A_305, %add3A_306 : i32
    %get3A_308 = arith.index_cast %add3A_307 : i32 to index
    %get3A_309 = tpu.vector_load %arg8[%get3A_308] {strides = array<i32>} : memref<16384xf32, #tpu.memory_space<vmem>>, vector<16xf32>,
    %add3A_310 = arith.addf %get3A_301, %get3A_309 : vector<16xf32>
    %swap3A_311 = arith.constant 16 : index
    %swap3A_312 = tpu.vector_load %arg11[%swap3A_311] {strides = array<i32>} : memref<64xf32, #tpu.memory_space<vmem>>, vector<16xf32>,
    tpu.vector_store %arg11[%swap3A_311], %add3A_310 {strides = array<i32>} : memref<64xf32, #tpu.memory_space<vmem>>, vector<16xf32>,
    %get3A_313 = arith.constant 32 : index
    %get3A_314 = tpu.vector_load %arg11[%get3A_313] {strides = array<i32>} : memref<64xf32, #tpu.memory_space<vmem>>, vector<16xf32>,
    %mul3A_315 = arith.constant 64 : i32
    %mul3A_316 = arith.muli %arg1, %mul3A_315 : i32
    %add3A_317 = arith.constant 0 : i32
    %add3A_318 = arith.addi %add3A_317, %mul3A_316 : i32
    %add3A_319 = arith.constant 32 : i32
    %add3A_320 = arith.addi %add3A_318, %add3A_319 : i32
    %get3A_321 = arith.index_cast %add3A_320 : i32 to index
    %get3A_322 = tpu.vector_load %arg8[%get3A_321] {strides = array<i32>} : memref<16384xf32, #tpu.memory_space<vmem>>, vector<16xf32>,
    %add3A_323 = arith.addf %get3A_314, %get3A_322 : vector<16xf32>
    %swap3A_324 = arith.constant 32 : index
    %swap3A_325 = tpu.vector_load %arg11[%swap3A_324] {strides = array<i32>} : memref<64xf32, #tpu.memory_space<vmem>>, vector<16xf32>,
    tpu.vector_store %arg11[%swap3A_324], %add3A_323 {strides = array<i32>} : memref<64xf32, #tpu.memory_space<vmem>>, vector<16xf32>,
    %get3A_326 = arith.constant 48 : index
    %get3A_327 = tpu.vector_load %arg11[%get3A_326] {strides = array<i32>} : memref<64xf32, #tpu.memory_space<vmem>>, vector<16xf32>,
    %mul3A_328 = arith.constant 64 : i32
    %mul3A_329 = arith.muli %arg1, %mul3A_328 : i32
    %add3A_330 = arith.constant 0 : i32
    %add3A_331 = arith.addi %add3A_330, %mul3A_329 : i32
    %add3A_332 = arith.constant 48 : i32
    %add3A_333 = arith.addi %add3A_331, %add3A_332 : i32
    %get3A_334 = arith.index_cast %add3A_333 : i32 to index
    %get3A_335 = tpu.vector_load %arg8[%get3A_334] {strides = array<i32>} : memref<16384xf32, #tpu.memory_space<vmem>>, vector<16xf32>,
    %add3A_336 = arith.addf %get3A_327, %get3A_335 : vector<16xf32>
    %swap3A_337 = arith.constant 48 : index
    %swap3A_338 = tpu.vector_load %arg11[%swap3A_337] {strides = array<i32>} : memref<64xf32, #tpu.memory_space<vmem>>, vector<16xf32>,
    tpu.vector_store %arg11[%swap3A_337], %add3A_336 {strides = array<i32>} : memref<64xf32, #tpu.memory_space<vmem>>, vector<16xf32>,
    %get3A_339 = arith.constant 0 : index
    %get3A_340 = tpu.vector_load %arg11[%get3A_339] {strides = array<i32>} : memref<64xf32, #tpu.memory_space<vmem>>, vector<16xf32>,
    %mul3A_341 = arith.constant 64 : i32
    %mul3A_342 = arith.muli %arg1, %mul3A_341 : i32
    %add3A_343 = arith.constant 1024 : i32
    %add3A_344 = arith.addi %add3A_343, %mul3A_342 : i32
    %add3A_345 = arith.constant 0 : i32
    %add3A_346 = arith.addi %add3A_344, %add3A_345 : i32
    %get3A_347 = arith.index_cast %add3A_346 : i32 to index
    %get3A_348 = tpu.vector_load %arg8[%get3A_347] {strides = array<i32>} : memref<16384xf32, #tpu.memory_space<vmem>>, vector<16xf32>,
    %add3A_349 = arith.addf %get3A_340, %get3A_348 : vector<16xf32>
    %swap3A_350 = arith.constant 0 : index
    %swap3A_351 = tpu.vector_load %arg11[%swap3A_350] {strides = array<i32>} : memref<64xf32, #tpu.memory_space<vmem>>, vector<16xf32>,
    tpu.vector_store %arg11[%swap3A_350], %add3A_349 {strides = array<i32>} : memref<64xf32, #tpu.memory_space<vmem>>, vector<16xf32>,
    %get3A_352 = arith.constant 16 : index
    %get3A_353 = tpu.vector_load %arg11[%get3A_352] {strides = array<i32>} : memref<64xf32, #tpu.memory_space<vmem>>, vector<16xf32>,
    %mul3A_354 = arith.constant 64 : i32
    %mul3A_355 = arith.muli %arg1, %mul3A_354 : i32
    %add3A_356 = arith.constant 1024 : i32
    %add3A_357 = arith.addi %add3A_356, %mul3A_355 : i32
    %add3A_358 = arith.constant 16 : i32
    %add3A_359 = arith.addi %add3A_357, %add3A_358 : i32
    %get3A_360 = arith.index_cast %add3A_359 : i32 to index
    %get3A_361 = tpu.vector_load %arg8[%get3A_360] {strides = array<i32>} : memref<16384xf32, #tpu.memory_space<vmem>>, vector<16xf32>,
    %add3A_362 = arith.addf %get3A_353, %get3A_361 : vector<16xf32>
    %swap3A_363 = arith.constant 16 : index
    %swap3A_364 = tpu.vector_load %arg11[%swap3A_363] {strides = array<i32>} : memref<64xf32, #tpu.memory_space<vmem>>, vector<16xf32>,
    tpu.vector_store %arg11[%swap3A_363], %add3A_362 {strides = array<i32>} : memref<64xf32, #tpu.memory_space<vmem>>, vector<16xf32>,
    %get3A_365 = arith.constant 32 : index
    %get3A_366 = tpu.vector_load %arg11[%get3A_365] {strides = array<i32>} : memref<64xf32, #tpu.memory_space<vmem>>, vector<16xf32>,
    %mul3A_367 = arith.constant 64 : i32
    %mul3A_368 = arith.muli %arg1, %mul3A_367 : i32
    %add3A_369 = arith.constant 1024 : i32
    %add3A_370 = arith.addi %add3A_369, %mul3A_368 : i32
    %add3A_371 = arith.constant 32 : i32
    %add3A_372 = arith.addi %add3A_370, %add3A_371 : i32
    %get3A_373 = arith.index_cast %add3A_372 : i32 to index
    %get3A_374 = tpu.vector_load %arg8[%get3A_373] {strides = array<i32>} : memref<16384xf32, #tpu.memory_space<vmem>>, vector<16xf32>,
    %add3A_375 = arith.addf %get3A_366, %get3A_374 : vector<16xf32>
    %swap3A_376 = arith.constant 32 : index
    %swap3A_377 = tpu.vector_load %arg11[%swap3A_376] {strides = array<i32>} : memref<64xf32, #tpu.memory_space<vmem>>, vector<16xf32>,
    tpu.vector_store %arg11[%swap3A_376], %add3A_375 {strides = array<i32>} : memref<64xf32, #tpu.memory_space<vmem>>, vector<16xf32>,
    %get3A_378 = arith.constant 48 : index
    %get3A_379 = tpu.vector_load %arg11[%get3A_378] {strides = array<i32>} : memref<64xf32, #tpu.memory_space<vmem>>, vector<16xf32>,
    %mul3A_380 = arith.constant 64 : i32
    %mul3A_381 = arith.muli %arg1, %mul3A_380 : i32
    %add3A_382 = arith.constant 1024 : i32
    %add3A_383 = arith.addi %add3A_382, %mul3A_381 : i32
    %add3A_384 = arith.constant 48 : i32
    %add3A_385 = arith.addi %add3A_383, %add3A_384 : i32
    %get3A_386 = arith.index_cast %add3A_385 : i32 to index
    %get3A_387 = tpu.vector_load %arg8[%get3A_386] {strides = array<i32>} : memref<16384xf32, #tpu.memory_space<vmem>>, vector<16xf32>,
    %add3A_388 = arith.addf %get3A_379, %get3A_387 : vector<16xf32>
    %swap3A_389 = arith.constant 48 : index
    %swap3A_390 = tpu.vector_load %arg11[%swap3A_389] {strides = array<i32>} : memref<64xf32, #tpu.memory_space<vmem>>, vector<16xf32>,
    tpu.vector_store %arg11[%swap3A_389], %add3A_388 {strides = array<i32>} : memref<64xf32, #tpu.memory_space<vmem>>, vector<16xf32>,
    %get3A_391 = arith.constant 0 : index
    %get3A_392 = tpu.vector_load %arg11[%get3A_391] {strides = array<i32>} : memref<64xf32, #tpu.memory_space<vmem>>, vector<16xf32>,
    %mul3A_393 = arith.constant 64 : i32
    %mul3A_394 = arith.muli %arg1, %mul3A_393 : i32
    %add3A_395 = arith.constant 2048 : i32
    %add3A_396 = arith.addi %add3A_395, %mul3A_394 : i32
    %add3A_397 = arith.constant 0 : i32
    %add3A_398 = arith.addi %add3A_396, %add3A_397 : i32
    %get3A_399 = arith.index_cast %add3A_398 : i32 to index
    %get3A_400 = tpu.vector_load %arg8[%get3A_399] {strides = array<i32>} : memref<16384xf32, #tpu.memory_space<vmem>>, vector<16xf32>,
    %add3A_401 = arith.addf %get3A_392, %get3A_400 : vector<16xf32>
    %swap3A_402 = arith.constant 0 : index
    %swap3A_403 = tpu.vector_load %arg11[%swap3A_402] {strides = array<i32>} : memref<64xf32, #tpu.memory_space<vmem>>, vector<16xf32>,
    tpu.vector_store %arg11[%swap3A_402], %add3A_401 {strides = array<i32>} : memref<64xf32, #tpu.memory_space<vmem>>, vector<16xf32>,
    %get3A_404 = arith.constant 16 : index
    %get3A_405 = tpu.vector_load %arg11[%get3A_404] {strides = array<i32>} : memref<64xf32, #tpu.memory_space<vmem>>, vector<16xf32>,
    %mul3A_406 = arith.constant 64 : i32
    %mul3A_407 = arith.muli %arg1, %mul3A_406 : i32
    %add3A_408 = arith.constant 2048 : i32
    %add3A_409 = arith.addi %add3A_408, %mul3A_407 : i32
    %add3A_410 = arith.constant 16 : i32
    %add3A_411 = arith.addi %add3A_409, %add3A_410 : i32
    %get3A_412 = arith.index_cast %add3A_411 : i32 to index
    %get3A_413 = tpu.vector_load %arg8[%get3A_412] {strides = array<i32>} : memref<16384xf32, #tpu.memory_space<vmem>>, vector<16xf32>,
    %add3A_414 = arith.addf %get3A_405, %get3A_413 : vector<16xf32>
    %swap3A_415 = arith.constant 16 : index
    %swap3A_416 = tpu.vector_load %arg11[%swap3A_415] {strides = array<i32>} : memref<64xf32, #tpu.memory_space<vmem>>, vector<16xf32>,
    tpu.vector_store %arg11[%swap3A_415], %add3A_414 {strides = array<i32>} : memref<64xf32, #tpu.memory_space<vmem>>, vector<16xf32>,
    %get3A_417 = arith.constant 32 : index
    %get3A_418 = tpu.vector_load %arg11[%get3A_417] {strides = array<i32>} : memref<64xf32, #tpu.memory_space<vmem>>, vector<16xf32>,
    %mul3A_419 = arith.constant 64 : i32
    %mul3A_420 = arith.muli %arg1, %mul3A_419 : i32
    %add3A_421 = arith.constant 2048 : i32
    %add3A_422 = arith.addi %add3A_421, %mul3A_420 : i32
    %add3A_423 = arith.constant 32 : i32
    %add3A_424 = arith.addi %add3A_422, %add3A_423 : i32
    %get3A_425 = arith.index_cast %add3A_424 : i32 to index
    %get3A_426 = tpu.vector_load %arg8[%get3A_425] {strides = array<i32>} : memref<16384xf32, #tpu.memory_space<vmem>>, vector<16xf32>,
    %add3A_427 = arith.addf %get3A_418, %get3A_426 : vector<16xf32>
    %swap3A_428 = arith.constant 32 : index
    %swap3A_429 = tpu.vector_load %arg11[%swap3A_428] {strides = array<i32>} : memref<64xf32, #tpu.memory_space<vmem>>, vector<16xf32>,
    tpu.vector_store %arg11[%swap3A_428], %add3A_427 {strides = array<i32>} : memref<64xf32, #tpu.memory_space<vmem>>, vector<16xf32>,
    %get3A_430 = arith.constant 48 : index
    %get3A_431 = tpu.vector_load %arg11[%get3A_430] {strides = array<i32>} : memref<64xf32, #tpu.memory_space<vmem>>, vector<16xf32>,
    %mul3A_432 = arith.constant 64 : i32
    %mul3A_433 = arith.muli %arg1, %mul3A_432 : i32
    %add3A_434 = arith.constant 2048 : i32
    %add3A_435 = arith.addi %add3A_434, %mul3A_433 : i32
    %add3A_436 = arith.constant 48 : i32
    %add3A_437 = arith.addi %add3A_435, %add3A_436 : i32
    %get3A_438 = arith.index_cast %add3A_437 : i32 to index
    %get3A_439 = tpu.vector_load %arg8[%get3A_438] {strides = array<i32>} : memref<16384xf32, #tpu.memory_space<vmem>>, vector<16xf32>,
    %add3A_440 = arith.addf %get3A_431, %get3A_439 : vector<16xf32>
    %swap3A_441 = arith.constant 48 : index
    %swap3A_442 = tpu.vector_load %arg11[%swap3A_441] {strides = array<i32>} : memref<64xf32, #tpu.memory_space<vmem>>, vector<16xf32>,
    tpu.vector_store %arg11[%swap3A_441], %add3A_440 {strides = array<i32>} : memref<64xf32, #tpu.memory_space<vmem>>, vector<16xf32>,
    %get3A_443 = arith.constant 0 : index
    %get3A_444 = tpu.vector_load %arg11[%get3A_443] {strides = array<i32>} : memref<64xf32, #tpu.memory_space<vmem>>, vector<16xf32>,
    %mul3A_445 = arith.constant 64 : i32
    %mul3A_446 = arith.muli %arg1, %mul3A_445 : i32
    %add3A_447 = arith.constant 3072 : i32
    %add3A_448 = arith.addi %add3A_447, %mul3A_446 : i32
    %add3A_449 = arith.constant 0 : i32
    %add3A_450 = arith.addi %add3A_448, %add3A_449 : i32
    %get3A_451 = arith.index_cast %add3A_450 : i32 to index
    %get3A_452 = tpu.vector_load %arg8[%get3A_451] {strides = array<i32>} : memref<16384xf32, #tpu.memory_space<vmem>>, vector<16xf32>,
    %add3A_453 = arith.addf %get3A_444, %get3A_452 : vector<16xf32>
    %swap3A_454 = arith.constant 0 : index
    %swap3A_455 = tpu.vector_load %arg11[%swap3A_454] {strides = array<i32>} : memref<64xf32, #tpu.memory_space<vmem>>, vector<16xf32>,
    tpu.vector_store %arg11[%swap3A_454], %add3A_453 {strides = array<i32>} : memref<64xf32, #tpu.memory_space<vmem>>, vector<16xf32>,
    %get3A_456 = arith.constant 16 : index
    %get3A_457 = tpu.vector_load %arg11[%get3A_456] {strides = array<i32>} : memref<64xf32, #tpu.memory_space<vmem>>, vector<16xf32>,
    %mul3A_458 = arith.constant 64 : i32
    %mul3A_459 = arith.muli %arg1, %mul3A_458 : i32
    %add3A_460 = arith.constant 3072 : i32
    %add3A_461 = arith.addi %add3A_460, %mul3A_459 : i32
    %add3A_462 = arith.constant 16 : i32
    %add3A_463 = arith.addi %add3A_461, %add3A_462 : i32
    %get3A_464 = arith.index_cast %add3A_463 : i32 to index
    %get3A_465 = tpu.vector_load %arg8[%get3A_464] {strides = array<i32>} : memref<16384xf32, #tpu.memory_space<vmem>>, vector<16xf32>,
    %add3A_466 = arith.addf %get3A_457, %get3A_465 : vector<16xf32>
    %swap3A_467 = arith.constant 16 : index
    %swap3A_468 = tpu.vector_load %arg11[%swap3A_467] {strides = array<i32>} : memref<64xf32, #tpu.memory_space<vmem>>, vector<16xf32>,
    tpu.vector_store %arg11[%swap3A_467], %add3A_466 {strides = array<i32>} : memref<64xf32, #tpu.memory_space<vmem>>, vector<16xf32>,
    %get3A_469 = arith.constant 32 : index
    %get3A_470 = tpu.vector_load %arg11[%get3A_469] {strides = array<i32>} : memref<64xf32, #tpu.memory_space<vmem>>, vector<16xf32>,
    %mul3A_471 = arith.constant 64 : i32
    %mul3A_472 = arith.muli %arg1, %mul3A_471 : i32
    %add3A_473 = arith.constant 3072 : i32
    %add3A_474 = arith.addi %add3A_473, %mul3A_472 : i32
    %add3A_475 = arith.constant 32 : i32
    %add3A_476 = arith.addi %add3A_474, %add3A_475 : i32
    %get3A_477 = arith.index_cast %add3A_476 : i32 to index
    %get3A_478 = tpu.vector_load %arg8[%get3A_477] {strides = array<i32>} : memref<16384xf32, #tpu.memory_space<vmem>>, vector<16xf32>,
    %add3A_479 = arith.addf %get3A_470, %get3A_478 : vector<16xf32>
    %swap3A_480 = arith.constant 32 : index
    %swap3A_481 = tpu.vector_load %arg11[%swap3A_480] {strides = array<i32>} : memref<64xf32, #tpu.memory_space<vmem>>, vector<16xf32>,
    tpu.vector_store %arg11[%swap3A_480], %add3A_479 {strides = array<i32>} : memref<64xf32, #tpu.memory_space<vmem>>, vector<16xf32>,
    %get3A_482 = arith.constant 48 : index
    %get3A_483 = tpu.vector_load %arg11[%get3A_482] {strides = array<i32>} : memref<64xf32, #tpu.memory_space<vmem>>, vector<16xf32>,
    %mul3A_484 = arith.constant 64 : i32
    %mul3A_485 = arith.muli %arg1, %mul3A_484 : i32
    %add3A_486 = arith.constant 3072 : i32
    %add3A_487 = arith.addi %add3A_486, %mul3A_485 : i32
    %add3A_488 = arith.constant 48 : i32
    %add3A_489 = arith.addi %add3A_487, %add3A_488 : i32
    %get3A_490 = arith.index_cast %add3A_489 : i32 to index
    %get3A_491 = tpu.vector_load %arg8[%get3A_490] {strides = array<i32>} : memref<16384xf32, #tpu.memory_space<vmem>>, vector<16xf32>,
    %add3A_492 = arith.addf %get3A_483, %get3A_491 : vector<16xf32>
    %swap3A_493 = arith.constant 48 : index
    %swap3A_494 = tpu.vector_load %arg11[%swap3A_493] {strides = array<i32>} : memref<64xf32, #tpu.memory_space<vmem>>, vector<16xf32>,
    tpu.vector_store %arg11[%swap3A_493], %add3A_492 {strides = array<i32>} : memref<64xf32, #tpu.memory_space<vmem>>, vector<16xf32>,
    %get3A_495 = arith.constant 0 : index
    %get3A_496 = tpu.vector_load %arg11[%get3A_495] {strides = array<i32>} : memref<64xf32, #tpu.memory_space<vmem>>, vector<16xf32>,
    %mul3A_497 = arith.constant 64 : i32
    %mul3A_498 = arith.muli %arg1, %mul3A_497 : i32
    %add3A_499 = arith.constant 4096 : i32
    %add3A_500 = arith.addi %add3A_499, %mul3A_498 : i32
    %add3A_501 = arith.constant 0 : i32
    %add3A_502 = arith.addi %add3A_500, %add3A_501 : i32
    %get3A_503 = arith.index_cast %add3A_502 : i32 to index
    %get3A_504 = tpu.vector_load %arg8[%get3A_503] {strides = array<i32>} : memref<16384xf32, #tpu.memory_space<vmem>>, vector<16xf32>,
    %add3A_505 = arith.addf %get3A_496, %get3A_504 : vector<16xf32>
    %swap3A_506 = arith.constant 0 : index
    %swap3A_507 = tpu.vector_load %arg11[%swap3A_506] {strides = array<i32>} : memref<64xf32, #tpu.memory_space<vmem>>, vector<16xf32>,
    tpu.vector_store %arg11[%swap3A_506], %add3A_505 {strides = array<i32>} : memref<64xf32, #tpu.memory_space<vmem>>, vector<16xf32>,
    %get3A_508 = arith.constant 16 : index
    %get3A_509 = tpu.vector_load %arg11[%get3A_508] {strides = array<i32>} : memref<64xf32, #tpu.memory_space<vmem>>, vector<16xf32>,
    %mul3A_510 = arith.constant 64 : i32
    %mul3A_511 = arith.muli %arg1, %mul3A_510 : i32
    %add3A_512 = arith.constant 4096 : i32
    %add3A_513 = arith.addi %add3A_512, %mul3A_511 : i32
    %add3A_514 = arith.constant 16 : i32
    %add3A_515 = arith.addi %add3A_513, %add3A_514 : i32
    %get3A_516 = arith.index_cast %add3A_515 : i32 to index
    %get3A_517 = tpu.vector_load %arg8[%get3A_516] {strides = array<i32>} : memref<16384xf32, #tpu.memory_space<vmem>>, vector<16xf32>,
    %add3A_518 = arith.addf %get3A_509, %get3A_517 : vector<16xf32>
    %swap3A_519 = arith.constant 16 : index
    %swap3A_520 = tpu.vector_load %arg11[%swap3A_519] {strides = array<i32>} : memref<64xf32, #tpu.memory_space<vmem>>, vector<16xf32>,
    tpu.vector_store %arg11[%swap3A_519], %add3A_518 {strides = array<i32>} : memref<64xf32, #tpu.memory_space<vmem>>, vector<16xf32>,
    %get3A_521 = arith.constant 32 : index
    %get3A_522 = tpu.vector_load %arg11[%get3A_521] {strides = array<i32>} : memref<64xf32, #tpu.memory_space<vmem>>, vector<16xf32>,
    %mul3A_523 = arith.constant 64 : i32
    %mul3A_524 = arith.muli %arg1, %mul3A_523 : i32
    %add3A_525 = arith.constant 4096 : i32
    %add3A_526 = arith.addi %add3A_525, %mul3A_524 : i32
    %add3A_527 = arith.constant 32 : i32
    %add3A_528 = arith.addi %add3A_526, %add3A_527 : i32
    %get3A_529 = arith.index_cast %add3A_528 : i32 to index
    %get3A_530 = tpu.vector_load %arg8[%get3A_529] {strides = array<i32>} : memref<16384xf32, #tpu.memory_space<vmem>>, vector<16xf32>,
    %add3A_531 = arith.addf %get3A_522, %get3A_530 : vector<16xf32>
    %swap3A_532 = arith.constant 32 : index
    %swap3A_533 = tpu.vector_load %arg11[%swap3A_532] {strides = array<i32>} : memref<64xf32, #tpu.memory_space<vmem>>, vector<16xf32>,
    tpu.vector_store %arg11[%swap3A_532], %add3A_531 {strides = array<i32>} : memref<64xf32, #tpu.memory_space<vmem>>, vector<16xf32>,
    %get3A_534 = arith.constant 48 : index
    %get3A_535 = tpu.vector_load %arg11[%get3A_534] {strides = array<i32>} : memref<64xf32, #tpu.memory_space<vmem>>, vector<16xf32>,
    %mul3A_536 = arith.constant 64 : i32
    %mul3A_537 = arith.muli %arg1, %mul3A_536 : i32
    %add3A_538 = arith.constant 4096 : i32
    %add3A_539 = arith.addi %add3A_538, %mul3A_537 : i32
    %add3A_540 = arith.constant 48 : i32
    %add3A_541 = arith.addi %add3A_539, %add3A_540 : i32
    %get3A_542 = arith.index_cast %add3A_541 : i32 to index
    %get3A_543 = tpu.vector_load %arg8[%get3A_542] {strides = array<i32>} : memref<16384xf32, #tpu.memory_space<vmem>>, vector<16xf32>,
    %add3A_544 = arith.addf %get3A_535, %get3A_543 : vector<16xf32>
    %swap3A_545 = arith.constant 48 : index
    %swap3A_546 = tpu.vector_load %arg11[%swap3A_545] {strides = array<i32>} : memref<64xf32, #tpu.memory_space<vmem>>, vector<16xf32>,
    tpu.vector_store %arg11[%swap3A_545], %add3A_544 {strides = array<i32>} : memref<64xf32, #tpu.memory_space<vmem>>, vector<16xf32>,
    %get3A_547 = arith.constant 0 : index
    %get3A_548 = tpu.vector_load %arg11[%get3A_547] {strides = array<i32>} : memref<64xf32, #tpu.memory_space<vmem>>, vector<16xf32>,
    %mul3A_549 = arith.constant 64 : i32
    %mul3A_550 = arith.muli %arg1, %mul3A_549 : i32
    %add3A_551 = arith.constant 5120 : i32
    %add3A_552 = arith.addi %add3A_551, %mul3A_550 : i32
    %add3A_553 = arith.constant 0 : i32
    %add3A_554 = arith.addi %add3A_552, %add3A_553 : i32
    %get3A_555 = arith.index_cast %add3A_554 : i32 to index
    %get3A_556 = tpu.vector_load %arg8[%get3A_555] {strides = array<i32>} : memref<16384xf32, #tpu.memory_space<vmem>>, vector<16xf32>,
    %add3A_557 = arith.addf %get3A_548, %get3A_556 : vector<16xf32>
    %swap3A_558 = arith.constant 0 : index
    %swap3A_559 = tpu.vector_load %arg11[%swap3A_558] {strides = array<i32>} : memref<64xf32, #tpu.memory_space<vmem>>, vector<16xf32>,
    tpu.vector_store %arg11[%swap3A_558], %add3A_557 {strides = array<i32>} : memref<64xf32, #tpu.memory_space<vmem>>, vector<16xf32>,
    %get3A_560 = arith.constant 16 : index
    %get3A_561 = tpu.vector_load %arg11[%get3A_560] {strides = array<i32>} : memref<64xf32, #tpu.memory_space<vmem>>, vector<16xf32>,
    %mul3A_562 = arith.constant 64 : i32
    %mul3A_563 = arith.muli %arg1, %mul3A_562 : i32
    %add3A_564 = arith.constant 5120 : i32
    %add3A_565 = arith.addi %add3A_564, %mul3A_563 : i32
    %add3A_566 = arith.constant 16 : i32
    %add3A_567 = arith.addi %add3A_565, %add3A_566 : i32
    %get3A_568 = arith.index_cast %add3A_567 : i32 to index
    %get3A_569 = tpu.vector_load %arg8[%get3A_568] {strides = array<i32>} : memref<16384xf32, #tpu.memory_space<vmem>>, vector<16xf32>,
    %add3A_570 = arith.addf %get3A_561, %get3A_569 : vector<16xf32>
    %swap3A_571 = arith.constant 16 : index
    %swap3A_572 = tpu.vector_load %arg11[%swap3A_571] {strides = array<i32>} : memref<64xf32, #tpu.memory_space<vmem>>, vector<16xf32>,
    tpu.vector_store %arg11[%swap3A_571], %add3A_570 {strides = array<i32>} : memref<64xf32, #tpu.memory_space<vmem>>, vector<16xf32>,
    %get3A_573 = arith.constant 32 : index
    %get3A_574 = tpu.vector_load %arg11[%get3A_573] {strides = array<i32>} : memref<64xf32, #tpu.memory_space<vmem>>, vector<16xf32>,
    %mul3A_575 = arith.constant 64 : i32
    %mul3A_576 = arith.muli %arg1, %mul3A_575 : i32
    %add3A_577 = arith.constant 5120 : i32
    %add3A_578 = arith.addi %add3A_577, %mul3A_576 : i32
    %add3A_579 = arith.constant 32 : i32
    %add3A_580 = arith.addi %add3A_578, %add3A_579 : i32
    %get3A_581 = arith.index_cast %add3A_580 : i32 to index
    %get3A_582 = tpu.vector_load %arg8[%get3A_581] {strides = array<i32>} : memref<16384xf32, #tpu.memory_space<vmem>>, vector<16xf32>,
    %add3A_583 = arith.addf %get3A_574, %get3A_582 : vector<16xf32>
    %swap3A_584 = arith.constant 32 : index
    %swap3A_585 = tpu.vector_load %arg11[%swap3A_584] {strides = array<i32>} : memref<64xf32, #tpu.memory_space<vmem>>, vector<16xf32>,
    tpu.vector_store %arg11[%swap3A_584], %add3A_583 {strides = array<i32>} : memref<64xf32, #tpu.memory_space<vmem>>, vector<16xf32>,
    %get3A_586 = arith.constant 48 : index
    %get3A_587 = tpu.vector_load %arg11[%get3A_586] {strides = array<i32>} : memref<64xf32, #tpu.memory_space<vmem>>, vector<16xf32>,
    %mul3A_588 = arith.constant 64 : i32
    %mul3A_589 = arith.muli %arg1, %mul3A_588 : i32
    %add3A_590 = arith.constant 5120 : i32
    %add3A_591 = arith.addi %add3A_590, %mul3A_589 : i32
    %add3A_592 = arith.constant 48 : i32
    %add3A_593 = arith.addi %add3A_591, %add3A_592 : i32
    %get3A_594 = arith.index_cast %add3A_593 : i32 to index
    %get3A_595 = tpu.vector_load %arg8[%get3A_594] {strides = array<i32>} : memref<16384xf32, #tpu.memory_space<vmem>>, vector<16xf32>,
    %add3A_596 = arith.addf %get3A_587, %get3A_595 : vector<16xf32>
    %swap3A_597 = arith.constant 48 : index
    %swap3A_598 = tpu.vector_load %arg11[%swap3A_597] {strides = array<i32>} : memref<64xf32, #tpu.memory_space<vmem>>, vector<16xf32>,
    tpu.vector_store %arg11[%swap3A_597], %add3A_596 {strides = array<i32>} : memref<64xf32, #tpu.memory_space<vmem>>, vector<16xf32>,
    %get3A_599 = arith.constant 0 : index
    %get3A_600 = tpu.vector_load %arg11[%get3A_599] {strides = array<i32>} : memref<64xf32, #tpu.memory_space<vmem>>, vector<16xf32>,
    %mul3A_601 = arith.constant 64 : i32
    %mul3A_602 = arith.muli %arg1, %mul3A_601 : i32
    %add3A_603 = arith.constant 6144 : i32
    %add3A_604 = arith.addi %add3A_603, %mul3A_602 : i32
    %add3A_605 = arith.constant 0 : i32
    %add3A_606 = arith.addi %add3A_604, %add3A_605 : i32
    %get3A_607 = arith.index_cast %add3A_606 : i32 to index
    %get3A_608 = tpu.vector_load %arg8[%get3A_607] {strides = array<i32>} : memref<16384xf32, #tpu.memory_space<vmem>>, vector<16xf32>,
    %add3A_609 = arith.addf %get3A_600, %get3A_608 : vector<16xf32>
    %swap3A_610 = arith.constant 0 : index
    %swap3A_611 = tpu.vector_load %arg11[%swap3A_610] {strides = array<i32>} : memref<64xf32, #tpu.memory_space<vmem>>, vector<16xf32>,
    tpu.vector_store %arg11[%swap3A_610], %add3A_609 {strides = array<i32>} : memref<64xf32, #tpu.memory_space<vmem>>, vector<16xf32>,
    %get3A_612 = arith.constant 16 : index
    %get3A_613 = tpu.vector_load %arg11[%get3A_612] {strides = array<i32>} : memref<64xf32, #tpu.memory_space<vmem>>, vector<16xf32>,
    %mul3A_614 = arith.constant 64 : i32
    %mul3A_615 = arith.muli %arg1, %mul3A_614 : i32
    %add3A_616 = arith.constant 6144 : i32
    %add3A_617 = arith.addi %add3A_616, %mul3A_615 : i32
    %add3A_618 = arith.constant 16 : i32
    %add3A_619 = arith.addi %add3A_617, %add3A_618 : i32
    %get3A_620 = arith.index_cast %add3A_619 : i32 to index
    %get3A_621 = tpu.vector_load %arg8[%get3A_620] {strides = array<i32>} : memref<16384xf32, #tpu.memory_space<vmem>>, vector<16xf32>,
    %add3A_622 = arith.addf %get3A_613, %get3A_621 : vector<16xf32>
    %swap3A_623 = arith.constant 16 : index
    %swap3A_624 = tpu.vector_load %arg11[%swap3A_623] {strides = array<i32>} : memref<64xf32, #tpu.memory_space<vmem>>, vector<16xf32>,
    tpu.vector_store %arg11[%swap3A_623], %add3A_622 {strides = array<i32>} : memref<64xf32, #tpu.memory_space<vmem>>, vector<16xf32>,
    %get3A_625 = arith.constant 32 : index
    %get3A_626 = tpu.vector_load %arg11[%get3A_625] {strides = array<i32>} : memref<64xf32, #tpu.memory_space<vmem>>, vector<16xf32>,
    %mul3A_627 = arith.constant 64 : i32
    %mul3A_628 = arith.muli %arg1, %mul3A_627 : i32
    %add3A_629 = arith.constant 6144 : i32
    %add3A_630 = arith.addi %add3A_629, %mul3A_628 : i32
    %add3A_631 = arith.constant 32 : i32
    %add3A_632 = arith.addi %add3A_630, %add3A_631 : i32
    %get3A_633 = arith.index_cast %add3A_632 : i32 to index
    %get3A_634 = tpu.vector_load %arg8[%get3A_633] {strides = array<i32>} : memref<16384xf32, #tpu.memory_space<vmem>>, vector<16xf32>,
    %add3A_635 = arith.addf %get3A_626, %get3A_634 : vector<16xf32>
    %swap3A_636 = arith.constant 32 : index
    %swap3A_637 = tpu.vector_load %arg11[%swap3A_636] {strides = array<i32>} : memref<64xf32, #tpu.memory_space<vmem>>, vector<16xf32>,
    tpu.vector_store %arg11[%swap3A_636], %add3A_635 {strides = array<i32>} : memref<64xf32, #tpu.memory_space<vmem>>, vector<16xf32>,
    %get3A_638 = arith.constant 48 : index
    %get3A_639 = tpu.vector_load %arg11[%get3A_638] {strides = array<i32>} : memref<64xf32, #tpu.memory_space<vmem>>, vector<16xf32>,
    %mul3A_640 = arith.constant 64 : i32
    %mul3A_641 = arith.muli %arg1, %mul3A_640 : i32
    %add3A_642 = arith.constant 6144 : i32
    %add3A_643 = arith.addi %add3A_642, %mul3A_641 : i32
    %add3A_644 = arith.constant 48 : i32
    %add3A_645 = arith.addi %add3A_643, %add3A_644 : i32
    %get3A_646 = arith.index_cast %add3A_645 : i32 to index
    %get3A_647 = tpu.vector_load %arg8[%get3A_646] {strides = array<i32>} : memref<16384xf32, #tpu.memory_space<vmem>>, vector<16xf32>,
    %add3A_648 = arith.addf %get3A_639, %get3A_647 : vector<16xf32>
    %swap3A_649 = arith.constant 48 : index
    %swap3A_650 = tpu.vector_load %arg11[%swap3A_649] {strides = array<i32>} : memref<64xf32, #tpu.memory_space<vmem>>, vector<16xf32>,
    tpu.vector_store %arg11[%swap3A_649], %add3A_648 {strides = array<i32>} : memref<64xf32, #tpu.memory_space<vmem>>, vector<16xf32>,
    %get3A_651 = arith.constant 0 : index
    %get3A_652 = tpu.vector_load %arg11[%get3A_651] {strides = array<i32>} : memref<64xf32, #tpu.memory_space<vmem>>, vector<16xf32>,
    %mul3A_653 = arith.constant 64 : i32
    %mul3A_654 = arith.muli %arg1, %mul3A_653 : i32
    %add3A_655 = arith.constant 7168 : i32
    %add3A_656 = arith.addi %add3A_655, %mul3A_654 : i32
    %add3A_657 = arith.constant 0 : i32
    %add3A_658 = arith.addi %add3A_656, %add3A_657 : i32
    %get3A_659 = arith.index_cast %add3A_658 : i32 to index
    %get3A_660 = tpu.vector_load %arg8[%get3A_659] {strides = array<i32>} : memref<16384xf32, #tpu.memory_space<vmem>>, vector<16xf32>,
    %add3A_661 = arith.addf %get3A_652, %get3A_660 : vector<16xf32>
    %swap3A_662 = arith.constant 0 : index
    %swap3A_663 = tpu.vector_load %arg11[%swap3A_662] {strides = array<i32>} : memref<64xf32, #tpu.memory_space<vmem>>, vector<16xf32>,
    tpu.vector_store %arg11[%swap3A_662], %add3A_661 {strides = array<i32>} : memref<64xf32, #tpu.memory_space<vmem>>, vector<16xf32>,
    %get3A_664 = arith.constant 16 : index
    %get3A_665 = tpu.vector_load %arg11[%get3A_664] {strides = array<i32>} : memref<64xf32, #tpu.memory_space<vmem>>, vector<16xf32>,
    %mul3A_666 = arith.constant 64 : i32
    %mul3A_667 = arith.muli %arg1, %mul3A_666 : i32
    %add3A_668 = arith.constant 7168 : i32
    %add3A_669 = arith.addi %add3A_668, %mul3A_667 : i32
    %add3A_670 = arith.constant 16 : i32
    %add3A_671 = arith.addi %add3A_669, %add3A_670 : i32
    %get3A_672 = arith.index_cast %add3A_671 : i32 to index
    %get3A_673 = tpu.vector_load %arg8[%get3A_672] {strides = array<i32>} : memref<16384xf32, #tpu.memory_space<vmem>>, vector<16xf32>,
    %add3A_674 = arith.addf %get3A_665, %get3A_673 : vector<16xf32>
    %swap3A_675 = arith.constant 16 : index
    %swap3A_676 = tpu.vector_load %arg11[%swap3A_675] {strides = array<i32>} : memref<64xf32, #tpu.memory_space<vmem>>, vector<16xf32>,
    tpu.vector_store %arg11[%swap3A_675], %add3A_674 {strides = array<i32>} : memref<64xf32, #tpu.memory_space<vmem>>, vector<16xf32>,
    %get3A_677 = arith.constant 32 : index
    %get3A_678 = tpu.vector_load %arg11[%get3A_677] {strides = array<i32>} : memref<64xf32, #tpu.memory_space<vmem>>, vector<16xf32>,
    %mul3A_679 = arith.constant 64 : i32
    %mul3A_680 = arith.muli %arg1, %mul3A_679 : i32
    %add3A_681 = arith.constant 7168 : i32
    %add3A_682 = arith.addi %add3A_681, %mul3A_680 : i32
    %add3A_683 = arith.constant 32 : i32
    %add3A_684 = arith.addi %add3A_682, %add3A_683 : i32
    %get3A_685 = arith.index_cast %add3A_684 : i32 to index
    %get3A_686 = tpu.vector_load %arg8[%get3A_685] {strides = array<i32>} : memref<16384xf32, #tpu.memory_space<vmem>>, vector<16xf32>,
    %add3A_687 = arith.addf %get3A_678, %get3A_686 : vector<16xf32>
    %swap3A_688 = arith.constant 32 : index
    %swap3A_689 = tpu.vector_load %arg11[%swap3A_688] {strides = array<i32>} : memref<64xf32, #tpu.memory_space<vmem>>, vector<16xf32>,
    tpu.vector_store %arg11[%swap3A_688], %add3A_687 {strides = array<i32>} : memref<64xf32, #tpu.memory_space<vmem>>, vector<16xf32>,
    %get3A_690 = arith.constant 48 : index
    %get3A_691 = tpu.vector_load %arg11[%get3A_690] {strides = array<i32>} : memref<64xf32, #tpu.memory_space<vmem>>, vector<16xf32>,
    %mul3A_692 = arith.constant 64 : i32
    %mul3A_693 = arith.muli %arg1, %mul3A_692 : i32
    %add3A_694 = arith.constant 7168 : i32
    %add3A_695 = arith.addi %add3A_694, %mul3A_693 : i32
    %add3A_696 = arith.constant 48 : i32
    %add3A_697 = arith.addi %add3A_695, %add3A_696 : i32
    %get3A_698 = arith.index_cast %add3A_697 : i32 to index
    %get3A_699 = tpu.vector_load %arg8[%get3A_698] {strides = array<i32>} : memref<16384xf32, #tpu.memory_space<vmem>>, vector<16xf32>,
    %add3A_700 = arith.addf %get3A_691, %get3A_699 : vector<16xf32>
    %swap3A_701 = arith.constant 48 : index
    %swap3A_702 = tpu.vector_load %arg11[%swap3A_701] {strides = array<i32>} : memref<64xf32, #tpu.memory_space<vmem>>, vector<16xf32>,
    tpu.vector_store %arg11[%swap3A_701], %add3A_700 {strides = array<i32>} : memref<64xf32, #tpu.memory_space<vmem>>, vector<16xf32>,
    %get3A_703 = arith.constant 0 : index
    %get3A_704 = tpu.vector_load %arg11[%get3A_703] {strides = array<i32>} : memref<64xf32, #tpu.memory_space<vmem>>, vector<16xf32>,
    %mul3A_705 = arith.constant 64 : i32
    %mul3A_706 = arith.muli %arg1, %mul3A_705 : i32
    %add3A_707 = arith.constant 8192 : i32
    %add3A_708 = arith.addi %add3A_707, %mul3A_706 : i32
    %add3A_709 = arith.constant 0 : i32
    %add3A_710 = arith.addi %add3A_708, %add3A_709 : i32
    %get3A_711 = arith.index_cast %add3A_710 : i32 to index
    %get3A_712 = tpu.vector_load %arg8[%get3A_711] {strides = array<i32>} : memref<16384xf32, #tpu.memory_space<vmem>>, vector<16xf32>,
    %add3A_713 = arith.addf %get3A_704, %get3A_712 : vector<16xf32>
    %swap3A_714 = arith.constant 0 : index
    %swap3A_715 = tpu.vector_load %arg11[%swap3A_714] {strides = array<i32>} : memref<64xf32, #tpu.memory_space<vmem>>, vector<16xf32>,
    tpu.vector_store %arg11[%swap3A_714], %add3A_713 {strides = array<i32>} : memref<64xf32, #tpu.memory_space<vmem>>, vector<16xf32>,
    %get3A_716 = arith.constant 16 : index
    %get3A_717 = tpu.vector_load %arg11[%get3A_716] {strides = array<i32>} : memref<64xf32, #tpu.memory_space<vmem>>, vector<16xf32>,
    %mul3A_718 = arith.constant 64 : i32
    %mul3A_719 = arith.muli %arg1, %mul3A_718 : i32
    %add3A_720 = arith.constant 8192 : i32
    %add3A_721 = arith.addi %add3A_720, %mul3A_719 : i32
    %add3A_722 = arith.constant 16 : i32
    %add3A_723 = arith.addi %add3A_721, %add3A_722 : i32
    %get3A_724 = arith.index_cast %add3A_723 : i32 to index
    %get3A_725 = tpu.vector_load %arg8[%get3A_724] {strides = array<i32>} : memref<16384xf32, #tpu.memory_space<vmem>>, vector<16xf32>,
    %add3A_726 = arith.addf %get3A_717, %get3A_725 : vector<16xf32>
    %swap3A_727 = arith.constant 16 : index
    %swap3A_728 = tpu.vector_load %arg11[%swap3A_727] {strides = array<i32>} : memref<64xf32, #tpu.memory_space<vmem>>, vector<16xf32>,
    tpu.vector_store %arg11[%swap3A_727], %add3A_726 {strides = array<i32>} : memref<64xf32, #tpu.memory_space<vmem>>, vector<16xf32>,
    %get3A_729 = arith.constant 32 : index
    %get3A_730 = tpu.vector_load %arg11[%get3A_729] {strides = array<i32>} : memref<64xf32, #tpu.memory_space<vmem>>, vector<16xf32>,
    %mul3A_731 = arith.constant 64 : i32
    %mul3A_732 = arith.muli %arg1, %mul3A_731 : i32
    %add3A_733 = arith.constant 8192 : i32
    %add3A_734 = arith.addi %add3A_733, %mul3A_732 : i32
    %add3A_735 = arith.constant 32 : i32
    %add3A_736 = arith.addi %add3A_734, %add3A_735 : i32
    %get3A_737 = arith.index_cast %add3A_736 : i32 to index
    %get3A_738 = tpu.vector_load %arg8[%get3A_737] {strides = array<i32>} : memref<16384xf32, #tpu.memory_space<vmem>>, vector<16xf32>,
    %add3A_739 = arith.addf %get3A_730, %get3A_738 : vector<16xf32>
    %swap3A_740 = arith.constant 32 : index
    %swap3A_741 = tpu.vector_load %arg11[%swap3A_740] {strides = array<i32>} : memref<64xf32, #tpu.memory_space<vmem>>, vector<16xf32>,
    tpu.vector_store %arg11[%swap3A_740], %add3A_739 {strides = array<i32>} : memref<64xf32, #tpu.memory_space<vmem>>, vector<16xf32>,
    %get3A_742 = arith.constant 48 : index
    %get3A_743 = tpu.vector_load %arg11[%get3A_742] {strides = array<i32>} : memref<64xf32, #tpu.memory_space<vmem>>, vector<16xf32>,
    %mul3A_744 = arith.constant 64 : i32
    %mul3A_745 = arith.muli %arg1, %mul3A_744 : i32
    %add3A_746 = arith.constant 8192 : i32
    %add3A_747 = arith.addi %add3A_746, %mul3A_745 : i32
    %add3A_748 = arith.constant 48 : i32
    %add3A_749 = arith.addi %add3A_747, %add3A_748 : i32
    %get3A_750 = arith.index_cast %add3A_749 : i32 to index
    %get3A_751 = tpu.vector_load %arg8[%get3A_750] {strides = array<i32>} : memref<16384xf32, #tpu.memory_space<vmem>>, vector<16xf32>,
    %add3A_752 = arith.addf %get3A_743, %get3A_751 : vector<16xf32>
    %swap3A_753 = arith.constant 48 : index
    %swap3A_754 = tpu.vector_load %arg11[%swap3A_753] {strides = array<i32>} : memref<64xf32, #tpu.memory_space<vmem>>, vector<16xf32>,
    tpu.vector_store %arg11[%swap3A_753], %add3A_752 {strides = array<i32>} : memref<64xf32, #tpu.memory_space<vmem>>, vector<16xf32>,
    %get3A_755 = arith.constant 0 : index
    %get3A_756 = tpu.vector_load %arg11[%get3A_755] {strides = array<i32>} : memref<64xf32, #tpu.memory_space<vmem>>, vector<16xf32>,
    %mul3A_757 = arith.constant 64 : i32
    %mul3A_758 = arith.muli %arg1, %mul3A_757 : i32
    %add3A_759 = arith.constant 9216 : i32
    %add3A_760 = arith.addi %add3A_759, %mul3A_758 : i32
    %add3A_761 = arith.constant 0 : i32
    %add3A_762 = arith.addi %add3A_760, %add3A_761 : i32
    %get3A_763 = arith.index_cast %add3A_762 : i32 to index
    %get3A_764 = tpu.vector_load %arg8[%get3A_763] {strides = array<i32>} : memref<16384xf32, #tpu.memory_space<vmem>>, vector<16xf32>,
    %add3A_765 = arith.addf %get3A_756, %get3A_764 : vector<16xf32>
    %swap3A_766 = arith.constant 0 : index
    %swap3A_767 = tpu.vector_load %arg11[%swap3A_766] {strides = array<i32>} : memref<64xf32, #tpu.memory_space<vmem>>, vector<16xf32>,
    tpu.vector_store %arg11[%swap3A_766], %add3A_765 {strides = array<i32>} : memref<64xf32, #tpu.memory_space<vmem>>, vector<16xf32>,
    %get3A_768 = arith.constant 16 : index
    %get3A_769 = tpu.vector_load %arg11[%get3A_768] {strides = array<i32>} : memref<64xf32, #tpu.memory_space<vmem>>, vector<16xf32>,
    %mul3A_770 = arith.constant 64 : i32
    %mul3A_771 = arith.muli %arg1, %mul3A_770 : i32
    %add3A_772 = arith.constant 9216 : i32
    %add3A_773 = arith.addi %add3A_772, %mul3A_771 : i32
    %add3A_774 = arith.constant 16 : i32
    %add3A_775 = arith.addi %add3A_773, %add3A_774 : i32
    %get3A_776 = arith.index_cast %add3A_775 : i32 to index
    %get3A_777 = tpu.vector_load %arg8[%get3A_776] {strides = array<i32>} : memref<16384xf32, #tpu.memory_space<vmem>>, vector<16xf32>,
    %add3A_778 = arith.addf %get3A_769, %get3A_777 : vector<16xf32>
    %swap3A_779 = arith.constant 16 : index
    %swap3A_780 = tpu.vector_load %arg11[%swap3A_779] {strides = array<i32>} : memref<64xf32, #tpu.memory_space<vmem>>, vector<16xf32>,
    tpu.vector_store %arg11[%swap3A_779], %add3A_778 {strides = array<i32>} : memref<64xf32, #tpu.memory_space<vmem>>, vector<16xf32>,
    %get3A_781 = arith.constant 32 : index
    %get3A_782 = tpu.vector_load %arg11[%get3A_781] {strides = array<i32>} : memref<64xf32, #tpu.memory_space<vmem>>, vector<16xf32>,
    %mul3A_783 = arith.constant 64 : i32
    %mul3A_784 = arith.muli %arg1, %mul3A_783 : i32
    %add3A_785 = arith.constant 9216 : i32
    %add3A_786 = arith.addi %add3A_785, %mul3A_784 : i32
    %add3A_787 = arith.constant 32 : i32
    %add3A_788 = arith.addi %add3A_786, %add3A_787 : i32
    %get3A_789 = arith.index_cast %add3A_788 : i32 to index
    %get3A_790 = tpu.vector_load %arg8[%get3A_789] {strides = array<i32>} : memref<16384xf32, #tpu.memory_space<vmem>>, vector<16xf32>,
    %add3A_791 = arith.addf %get3A_782, %get3A_790 : vector<16xf32>
    %swap3A_792 = arith.constant 32 : index
    %swap3A_793 = tpu.vector_load %arg11[%swap3A_792] {strides = array<i32>} : memref<64xf32, #tpu.memory_space<vmem>>, vector<16xf32>,
    tpu.vector_store %arg11[%swap3A_792], %add3A_791 {strides = array<i32>} : memref<64xf32, #tpu.memory_space<vmem>>, vector<16xf32>,
    %get3A_794 = arith.constant 48 : index
    %get3A_795 = tpu.vector_load %arg11[%get3A_794] {strides = array<i32>} : memref<64xf32, #tpu.memory_space<vmem>>, vector<16xf32>,
    %mul3A_796 = arith.constant 64 : i32
    %mul3A_797 = arith.muli %arg1, %mul3A_796 : i32
    %add3A_798 = arith.constant 9216 : i32
    %add3A_799 = arith.addi %add3A_798, %mul3A_797 : i32
    %add3A_800 = arith.constant 48 : i32
    %add3A_801 = arith.addi %add3A_799, %add3A_800 : i32
    %get3A_802 = arith.index_cast %add3A_801 : i32 to index
    %get3A_803 = tpu.vector_load %arg8[%get3A_802] {strides = array<i32>} : memref<16384xf32, #tpu.memory_space<vmem>>, vector<16xf32>,
    %add3A_804 = arith.addf %get3A_795, %get3A_803 : vector<16xf32>
    %swap3A_805 = arith.constant 48 : index
    %swap3A_806 = tpu.vector_load %arg11[%swap3A_805] {strides = array<i32>} : memref<64xf32, #tpu.memory_space<vmem>>, vector<16xf32>,
    tpu.vector_store %arg11[%swap3A_805], %add3A_804 {strides = array<i32>} : memref<64xf32, #tpu.memory_space<vmem>>, vector<16xf32>,
    %get3A_807 = arith.constant 0 : index
    %get3A_808 = tpu.vector_load %arg11[%get3A_807] {strides = array<i32>} : memref<64xf32, #tpu.memory_space<vmem>>, vector<16xf32>,
    %mul3A_809 = arith.constant 64 : i32
    %mul3A_810 = arith.muli %arg1, %mul3A_809 : i32
    %add3A_811 = arith.constant 10240 : i32
    %add3A_812 = arith.addi %add3A_811, %mul3A_810 : i32
    %add3A_813 = arith.constant 0 : i32
    %add3A_814 = arith.addi %add3A_812, %add3A_813 : i32
    %get3A_815 = arith.index_cast %add3A_814 : i32 to index
    %get3A_816 = tpu.vector_load %arg8[%get3A_815] {strides = array<i32>} : memref<16384xf32, #tpu.memory_space<vmem>>, vector<16xf32>,
    %add3A_817 = arith.addf %get3A_808, %get3A_816 : vector<16xf32>
    %swap3A_818 = arith.constant 0 : index
    %swap3A_819 = tpu.vector_load %arg11[%swap3A_818] {strides = array<i32>} : memref<64xf32, #tpu.memory_space<vmem>>, vector<16xf32>,
    tpu.vector_store %arg11[%swap3A_818], %add3A_817 {strides = array<i32>} : memref<64xf32, #tpu.memory_space<vmem>>, vector<16xf32>,
    %get3A_820 = arith.constant 16 : index
    %get3A_821 = tpu.vector_load %arg11[%get3A_820] {strides = array<i32>} : memref<64xf32, #tpu.memory_space<vmem>>, vector<16xf32>,
    %mul3A_822 = arith.constant 64 : i32
    %mul3A_823 = arith.muli %arg1, %mul3A_822 : i32
    %add3A_824 = arith.constant 10240 : i32
    %add3A_825 = arith.addi %add3A_824, %mul3A_823 : i32
    %add3A_826 = arith.constant 16 : i32
    %add3A_827 = arith.addi %add3A_825, %add3A_826 : i32
    %get3A_828 = arith.index_cast %add3A_827 : i32 to index
    %get3A_829 = tpu.vector_load %arg8[%get3A_828] {strides = array<i32>} : memref<16384xf32, #tpu.memory_space<vmem>>, vector<16xf32>,
    %add3A_830 = arith.addf %get3A_821, %get3A_829 : vector<16xf32>
    %swap3A_831 = arith.constant 16 : index
    %swap3A_832 = tpu.vector_load %arg11[%swap3A_831] {strides = array<i32>} : memref<64xf32, #tpu.memory_space<vmem>>, vector<16xf32>,
    tpu.vector_store %arg11[%swap3A_831], %add3A_830 {strides = array<i32>} : memref<64xf32, #tpu.memory_space<vmem>>, vector<16xf32>,
    %get3A_833 = arith.constant 32 : index
    %get3A_834 = tpu.vector_load %arg11[%get3A_833] {strides = array<i32>} : memref<64xf32, #tpu.memory_space<vmem>>, vector<16xf32>,
    %mul3A_835 = arith.constant 64 : i32
    %mul3A_836 = arith.muli %arg1, %mul3A_835 : i32
    %add3A_837 = arith.constant 10240 : i32
    %add3A_838 = arith.addi %add3A_837, %mul3A_836 : i32
    %add3A_839 = arith.constant 32 : i32
    %add3A_840 = arith.addi %add3A_838, %add3A_839 : i32
    %get3A_841 = arith.index_cast %add3A_840 : i32 to index
    %get3A_842 = tpu.vector_load %arg8[%get3A_841] {strides = array<i32>} : memref<16384xf32, #tpu.memory_space<vmem>>, vector<16xf32>,
    %add3A_843 = arith.addf %get3A_834, %get3A_842 : vector<16xf32>
    %swap3A_844 = arith.constant 32 : index
    %swap3A_845 = tpu.vector_load %arg11[%swap3A_844] {strides = array<i32>} : memref<64xf32, #tpu.memory_space<vmem>>, vector<16xf32>,
    tpu.vector_store %arg11[%swap3A_844], %add3A_843 {strides = array<i32>} : memref<64xf32, #tpu.memory_space<vmem>>, vector<16xf32>,
    %get3A_846 = arith.constant 48 : index
    %get3A_847 = tpu.vector_load %arg11[%get3A_846] {strides = array<i32>} : memref<64xf32, #tpu.memory_space<vmem>>, vector<16xf32>,
    %mul3A_848 = arith.constant 64 : i32
    %mul3A_849 = arith.muli %arg1, %mul3A_848 : i32
    %add3A_850 = arith.constant 10240 : i32
    %add3A_851 = arith.addi %add3A_850, %mul3A_849 : i32
    %add3A_852 = arith.constant 48 : i32
    %add3A_853 = arith.addi %add3A_851, %add3A_852 : i32
    %get3A_854 = arith.index_cast %add3A_853 : i32 to index
    %get3A_855 = tpu.vector_load %arg8[%get3A_854] {strides = array<i32>} : memref<16384xf32, #tpu.memory_space<vmem>>, vector<16xf32>,
    %add3A_856 = arith.addf %get3A_847, %get3A_855 : vector<16xf32>
    %swap3A_857 = arith.constant 48 : index
    %swap3A_858 = tpu.vector_load %arg11[%swap3A_857] {strides = array<i32>} : memref<64xf32, #tpu.memory_space<vmem>>, vector<16xf32>,
    tpu.vector_store %arg11[%swap3A_857], %add3A_856 {strides = array<i32>} : memref<64xf32, #tpu.memory_space<vmem>>, vector<16xf32>,
    %get3A_859 = arith.constant 0 : index
    %get3A_860 = tpu.vector_load %arg11[%get3A_859] {strides = array<i32>} : memref<64xf32, #tpu.memory_space<vmem>>, vector<16xf32>,
    %mul3A_861 = arith.constant 64 : i32
    %mul3A_862 = arith.muli %arg1, %mul3A_861 : i32
    %add3A_863 = arith.constant 11264 : i32
    %add3A_864 = arith.addi %add3A_863, %mul3A_862 : i32
    %add3A_865 = arith.constant 0 : i32
    %add3A_866 = arith.addi %add3A_864, %add3A_865 : i32
    %get3A_867 = arith.index_cast %add3A_866 : i32 to index
    %get3A_868 = tpu.vector_load %arg8[%get3A_867] {strides = array<i32>} : memref<16384xf32, #tpu.memory_space<vmem>>, vector<16xf32>,
    %add3A_869 = arith.addf %get3A_860, %get3A_868 : vector<16xf32>
    %swap3A_870 = arith.constant 0 : index
    %swap3A_871 = tpu.vector_load %arg11[%swap3A_870] {strides = array<i32>} : memref<64xf32, #tpu.memory_space<vmem>>, vector<16xf32>,
    tpu.vector_store %arg11[%swap3A_870], %add3A_869 {strides = array<i32>} : memref<64xf32, #tpu.memory_space<vmem>>, vector<16xf32>,
    %get3A_872 = arith.constant 16 : index
    %get3A_873 = tpu.vector_load %arg11[%get3A_872] {strides = array<i32>} : memref<64xf32, #tpu.memory_space<vmem>>, vector<16xf32>,
    %mul3A_874 = arith.constant 64 : i32
    %mul3A_875 = arith.muli %arg1, %mul3A_874 : i32
    %add3A_876 = arith.constant 11264 : i32
    %add3A_877 = arith.addi %add3A_876, %mul3A_875 : i32
    %add3A_878 = arith.constant 16 : i32
    %add3A_879 = arith.addi %add3A_877, %add3A_878 : i32
    %get3A_880 = arith.index_cast %add3A_879 : i32 to index
    %get3A_881 = tpu.vector_load %arg8[%get3A_880] {strides = array<i32>} : memref<16384xf32, #tpu.memory_space<vmem>>, vector<16xf32>,
    %add3A_882 = arith.addf %get3A_873, %get3A_881 : vector<16xf32>
    %swap3A_883 = arith.constant 16 : index
    %swap3A_884 = tpu.vector_load %arg11[%swap3A_883] {strides = array<i32>} : memref<64xf32, #tpu.memory_space<vmem>>, vector<16xf32>,
    tpu.vector_store %arg11[%swap3A_883], %add3A_882 {strides = array<i32>} : memref<64xf32, #tpu.memory_space<vmem>>, vector<16xf32>,
    %get3A_885 = arith.constant 32 : index
    %get3A_886 = tpu.vector_load %arg11[%get3A_885] {strides = array<i32>} : memref<64xf32, #tpu.memory_space<vmem>>, vector<16xf32>,
    %mul3A_887 = arith.constant 64 : i32
    %mul3A_888 = arith.muli %arg1, %mul3A_887 : i32
    %add3A_889 = arith.constant 11264 : i32
    %add3A_890 = arith.addi %add3A_889, %mul3A_888 : i32
    %add3A_891 = arith.constant 32 : i32
    %add3A_892 = arith.addi %add3A_890, %add3A_891 : i32
    %get3A_893 = arith.index_cast %add3A_892 : i32 to index
    %get3A_894 = tpu.vector_load %arg8[%get3A_893] {strides = array<i32>} : memref<16384xf32, #tpu.memory_space<vmem>>, vector<16xf32>,
    %add3A_895 = arith.addf %get3A_886, %get3A_894 : vector<16xf32>
    %swap3A_896 = arith.constant 32 : index
    %swap3A_897 = tpu.vector_load %arg11[%swap3A_896] {strides = array<i32>} : memref<64xf32, #tpu.memory_space<vmem>>, vector<16xf32>,
    tpu.vector_store %arg11[%swap3A_896], %add3A_895 {strides = array<i32>} : memref<64xf32, #tpu.memory_space<vmem>>, vector<16xf32>,
    %get3A_898 = arith.constant 48 : index
    %get3A_899 = tpu.vector_load %arg11[%get3A_898] {strides = array<i32>} : memref<64xf32, #tpu.memory_space<vmem>>, vector<16xf32>,
    %mul3A_900 = arith.constant 64 : i32
    %mul3A_901 = arith.muli %arg1, %mul3A_900 : i32
    %add3A_902 = arith.constant 11264 : i32
    %add3A_903 = arith.addi %add3A_902, %mul3A_901 : i32
    %add3A_904 = arith.constant 48 : i32
    %add3A_905 = arith.addi %add3A_903, %add3A_904 : i32
    %get3A_906 = arith.index_cast %add3A_905 : i32 to index
    %get3A_907 = tpu.vector_load %arg8[%get3A_906] {strides = array<i32>} : memref<16384xf32, #tpu.memory_space<vmem>>, vector<16xf32>,
    %add3A_908 = arith.addf %get3A_899, %get3A_907 : vector<16xf32>
    %swap3A_909 = arith.constant 48 : index
    %swap3A_910 = tpu.vector_load %arg11[%swap3A_909] {strides = array<i32>} : memref<64xf32, #tpu.memory_space<vmem>>, vector<16xf32>,
    tpu.vector_store %arg11[%swap3A_909], %add3A_908 {strides = array<i32>} : memref<64xf32, #tpu.memory_space<vmem>>, vector<16xf32>,
    %get3A_911 = arith.constant 0 : index
    %get3A_912 = tpu.vector_load %arg11[%get3A_911] {strides = array<i32>} : memref<64xf32, #tpu.memory_space<vmem>>, vector<16xf32>,
    %mul3A_913 = arith.constant 64 : i32
    %mul3A_914 = arith.muli %arg1, %mul3A_913 : i32
    %add3A_915 = arith.constant 12288 : i32
    %add3A_916 = arith.addi %add3A_915, %mul3A_914 : i32
    %add3A_917 = arith.constant 0 : i32
    %add3A_918 = arith.addi %add3A_916, %add3A_917 : i32
    %get3A_919 = arith.index_cast %add3A_918 : i32 to index
    %get3A_920 = tpu.vector_load %arg8[%get3A_919] {strides = array<i32>} : memref<16384xf32, #tpu.memory_space<vmem>>, vector<16xf32>,
    %add3A_921 = arith.addf %get3A_912, %get3A_920 : vector<16xf32>
    %swap3A_922 = arith.constant 0 : index
    %swap3A_923 = tpu.vector_load %arg11[%swap3A_922] {strides = array<i32>} : memref<64xf32, #tpu.memory_space<vmem>>, vector<16xf32>,
    tpu.vector_store %arg11[%swap3A_922], %add3A_921 {strides = array<i32>} : memref<64xf32, #tpu.memory_space<vmem>>, vector<16xf32>,
    %get3A_924 = arith.constant 16 : index
    %get3A_925 = tpu.vector_load %arg11[%get3A_924] {strides = array<i32>} : memref<64xf32, #tpu.memory_space<vmem>>, vector<16xf32>,
    %mul3A_926 = arith.constant 64 : i32
    %mul3A_927 = arith.muli %arg1, %mul3A_926 : i32
    %add3A_928 = arith.constant 12288 : i32
    %add3A_929 = arith.addi %add3A_928, %mul3A_927 : i32
    %add3A_930 = arith.constant 16 : i32
    %add3A_931 = arith.addi %add3A_929, %add3A_930 : i32
    %get3A_932 = arith.index_cast %add3A_931 : i32 to index
    %get3A_933 = tpu.vector_load %arg8[%get3A_932] {strides = array<i32>} : memref<16384xf32, #tpu.memory_space<vmem>>, vector<16xf32>,
    %add3A_934 = arith.addf %get3A_925, %get3A_933 : vector<16xf32>
    %swap3A_935 = arith.constant 16 : index
    %swap3A_936 = tpu.vector_load %arg11[%swap3A_935] {strides = array<i32>} : memref<64xf32, #tpu.memory_space<vmem>>, vector<16xf32>,
    tpu.vector_store %arg11[%swap3A_935], %add3A_934 {strides = array<i32>} : memref<64xf32, #tpu.memory_space<vmem>>, vector<16xf32>,
    %get3A_937 = arith.constant 32 : index
    %get3A_938 = tpu.vector_load %arg11[%get3A_937] {strides = array<i32>} : memref<64xf32, #tpu.memory_space<vmem>>, vector<16xf32>,
    %mul3A_939 = arith.constant 64 : i32
    %mul3A_940 = arith.muli %arg1, %mul3A_939 : i32
    %add3A_941 = arith.constant 12288 : i32
    %add3A_942 = arith.addi %add3A_941, %mul3A_940 : i32
    %add3A_943 = arith.constant 32 : i32
    %add3A_944 = arith.addi %add3A_942, %add3A_943 : i32
    %get3A_945 = arith.index_cast %add3A_944 : i32 to index
    %get3A_946 = tpu.vector_load %arg8[%get3A_945] {strides = array<i32>} : memref<16384xf32, #tpu.memory_space<vmem>>, vector<16xf32>,
    %add3A_947 = arith.addf %get3A_938, %get3A_946 : vector<16xf32>
    %swap3A_948 = arith.constant 32 : index
    %swap3A_949 = tpu.vector_load %arg11[%swap3A_948] {strides = array<i32>} : memref<64xf32, #tpu.memory_space<vmem>>, vector<16xf32>,
    tpu.vector_store %arg11[%swap3A_948], %add3A_947 {strides = array<i32>} : memref<64xf32, #tpu.memory_space<vmem>>, vector<16xf32>,
    %get3A_950 = arith.constant 48 : index
    %get3A_951 = tpu.vector_load %arg11[%get3A_950] {strides = array<i32>} : memref<64xf32, #tpu.memory_space<vmem>>, vector<16xf32>,
    %mul3A_952 = arith.constant 64 : i32
    %mul3A_953 = arith.muli %arg1, %mul3A_952 : i32
    %add3A_954 = arith.constant 12288 : i32
    %add3A_955 = arith.addi %add3A_954, %mul3A_953 : i32
    %add3A_956 = arith.constant 48 : i32
    %add3A_957 = arith.addi %add3A_955, %add3A_956 : i32
    %get3A_958 = arith.index_cast %add3A_957 : i32 to index
    %get3A_959 = tpu.vector_load %arg8[%get3A_958] {strides = array<i32>} : memref<16384xf32, #tpu.memory_space<vmem>>, vector<16xf32>,
    %add3A_960 = arith.addf %get3A_951, %get3A_959 : vector<16xf32>
    %swap3A_961 = arith.constant 48 : index
    %swap3A_962 = tpu.vector_load %arg11[%swap3A_961] {strides = array<i32>} : memref<64xf32, #tpu.memory_space<vmem>>, vector<16xf32>,
    tpu.vector_store %arg11[%swap3A_961], %add3A_960 {strides = array<i32>} : memref<64xf32, #tpu.memory_space<vmem>>, vector<16xf32>,
    %get3A_963 = arith.constant 0 : index
    %get3A_964 = tpu.vector_load %arg11[%get3A_963] {strides = array<i32>} : memref<64xf32, #tpu.memory_space<vmem>>, vector<16xf32>,
    %mul3A_965 = arith.constant 64 : i32
    %mul3A_966 = arith.muli %arg1, %mul3A_965 : i32
    %add3A_967 = arith.constant 13312 : i32
    %add3A_968 = arith.addi %add3A_967, %mul3A_966 : i32
    %add3A_969 = arith.constant 0 : i32
    %add3A_970 = arith.addi %add3A_968, %add3A_969 : i32
    %get3A_971 = arith.index_cast %add3A_970 : i32 to index
    %get3A_972 = tpu.vector_load %arg8[%get3A_971] {strides = array<i32>} : memref<16384xf32, #tpu.memory_space<vmem>>, vector<16xf32>,
    %add3A_973 = arith.addf %get3A_964, %get3A_972 : vector<16xf32>
    %swap3A_974 = arith.constant 0 : index
    %swap3A_975 = tpu.vector_load %arg11[%swap3A_974] {strides = array<i32>} : memref<64xf32, #tpu.memory_space<vmem>>, vector<16xf32>,
    tpu.vector_store %arg11[%swap3A_974], %add3A_973 {strides = array<i32>} : memref<64xf32, #tpu.memory_space<vmem>>, vector<16xf32>,
    %get3A_976 = arith.constant 16 : index
    %get3A_977 = tpu.vector_load %arg11[%get3A_976] {strides = array<i32>} : memref<64xf32, #tpu.memory_space<vmem>>, vector<16xf32>,
    %mul3A_978 = arith.constant 64 : i32
    %mul3A_979 = arith.muli %arg1, %mul3A_978 : i32
    %add3A_980 = arith.constant 13312 : i32
    %add3A_981 = arith.addi %add3A_980, %mul3A_979 : i32
    %add3A_982 = arith.constant 16 : i32
    %add3A_983 = arith.addi %add3A_981, %add3A_982 : i32
    %get3A_984 = arith.index_cast %add3A_983 : i32 to index
    %get3A_985 = tpu.vector_load %arg8[%get3A_984] {strides = array<i32>} : memref<16384xf32, #tpu.memory_space<vmem>>, vector<16xf32>,
    %add3A_986 = arith.addf %get3A_977, %get3A_985 : vector<16xf32>
    %swap3A_987 = arith.constant 16 : index
    %swap3A_988 = tpu.vector_load %arg11[%swap3A_987] {strides = array<i32>} : memref<64xf32, #tpu.memory_space<vmem>>, vector<16xf32>,
    tpu.vector_store %arg11[%swap3A_987], %add3A_986 {strides = array<i32>} : memref<64xf32, #tpu.memory_space<vmem>>, vector<16xf32>,
    %get3A_989 = arith.constant 32 : index
    %get3A_990 = tpu.vector_load %arg11[%get3A_989] {strides = array<i32>} : memref<64xf32, #tpu.memory_space<vmem>>, vector<16xf32>,
    %mul3A_991 = arith.constant 64 : i32
    %mul3A_992 = arith.muli %arg1, %mul3A_991 : i32
    %add3A_993 = arith.constant 13312 : i32
    %add3A_994 = arith.addi %add3A_993, %mul3A_992 : i32
    %add3A_995 = arith.constant 32 : i32
    %add3A_996 = arith.addi %add3A_994, %add3A_995 : i32
    %get3A_997 = arith.index_cast %add3A_996 : i32 to index
    %get3A_998 = tpu.vector_load %arg8[%get3A_997] {strides = array<i32>} : memref<16384xf32, #tpu.memory_space<vmem>>, vector<16xf32>,
    %add3A_999 = arith.addf %get3A_990, %get3A_998 : vector<16xf32>
    %swap3A_1000 = arith.constant 32 : index
    %swap3A_1001 = tpu.vector_load %arg11[%swap3A_1000] {strides = array<i32>} : memref<64xf32, #tpu.memory_space<vmem>>, vector<16xf32>,
    tpu.vector_store %arg11[%swap3A_1000], %add3A_999 {strides = array<i32>} : memref<64xf32, #tpu.memory_space<vmem>>, vector<16xf32>,
    %get3A_1002 = arith.constant 48 : index
    %get3A_1003 = tpu.vector_load %arg11[%get3A_1002] {strides = array<i32>} : memref<64xf32, #tpu.memory_space<vmem>>, vector<16xf32>,
    %mul3A_1004 = arith.constant 64 : i32
    %mul3A_1005 = arith.muli %arg1, %mul3A_1004 : i32
    %add3A_1006 = arith.constant 13312 : i32
    %add3A_1007 = arith.addi %add3A_1006, %mul3A_1005 : i32
    %add3A_1008 = arith.constant 48 : i32
    %add3A_1009 = arith.addi %add3A_1007, %add3A_1008 : i32
    %get3A_1010 = arith.index_cast %add3A_1009 : i32 to index
    %get3A_1011 = tpu.vector_load %arg8[%get3A_1010] {strides = array<i32>} : memref<16384xf32, #tpu.memory_space<vmem>>, vector<16xf32>,
    %add3A_1012 = arith.addf %get3A_1003, %get3A_1011 : vector<16xf32>
    %swap3A_1013 = arith.constant 48 : index
    %swap3A_1014 = tpu.vector_load %arg11[%swap3A_1013] {strides = array<i32>} : memref<64xf32, #tpu.memory_space<vmem>>, vector<16xf32>,
    tpu.vector_store %arg11[%swap3A_1013], %add3A_1012 {strides = array<i32>} : memref<64xf32, #tpu.memory_space<vmem>>, vector<16xf32>,
    %get3A_1015 = arith.constant 0 : index
    %get3A_1016 = tpu.vector_load %arg11[%get3A_1015] {strides = array<i32>} : memref<64xf32, #tpu.memory_space<vmem>>, vector<16xf32>,
    %mul3A_1017 = arith.constant 64 : i32
    %mul3A_1018 = arith.muli %arg1, %mul3A_1017 : i32
    %add3A_1019 = arith.constant 14336 : i32
    %add3A_1020 = arith.addi %add3A_1019, %mul3A_1018 : i32
    %add3A_1021 = arith.constant 0 : i32
    %add3A_1022 = arith.addi %add3A_1020, %add3A_1021 : i32
    %get3A_1023 = arith.index_cast %add3A_1022 : i32 to index
    %get3A_1024 = tpu.vector_load %arg8[%get3A_1023] {strides = array<i32>} : memref<16384xf32, #tpu.memory_space<vmem>>, vector<16xf32>,
    %add3A_1025 = arith.addf %get3A_1016, %get3A_1024 : vector<16xf32>
    %swap3A_1026 = arith.constant 0 : index
    %swap3A_1027 = tpu.vector_load %arg11[%swap3A_1026] {strides = array<i32>} : memref<64xf32, #tpu.memory_space<vmem>>, vector<16xf32>,
    tpu.vector_store %arg11[%swap3A_1026], %add3A_1025 {strides = array<i32>} : memref<64xf32, #tpu.memory_space<vmem>>, vector<16xf32>,
    %get3A_1028 = arith.constant 16 : index
    %get3A_1029 = tpu.vector_load %arg11[%get3A_1028] {strides = array<i32>} : memref<64xf32, #tpu.memory_space<vmem>>, vector<16xf32>,
    %mul3A_1030 = arith.constant 64 : i32
    %mul3A_1031 = arith.muli %arg1, %mul3A_1030 : i32
    %add3A_1032 = arith.constant 14336 : i32
    %add3A_1033 = arith.addi %add3A_1032, %mul3A_1031 : i32
    %add3A_1034 = arith.constant 16 : i32
    %add3A_1035 = arith.addi %add3A_1033, %add3A_1034 : i32
    %get3A_1036 = arith.index_cast %add3A_1035 : i32 to index
    %get3A_1037 = tpu.vector_load %arg8[%get3A_1036] {strides = array<i32>} : memref<16384xf32, #tpu.memory_space<vmem>>, vector<16xf32>,
    %add3A_1038 = arith.addf %get3A_1029, %get3A_1037 : vector<16xf32>
    %swap3A_1039 = arith.constant 16 : index
    %swap3A_1040 = tpu.vector_load %arg11[%swap3A_1039] {strides = array<i32>} : memref<64xf32, #tpu.memory_space<vmem>>, vector<16xf32>,
    tpu.vector_store %arg11[%swap3A_1039], %add3A_1038 {strides = array<i32>} : memref<64xf32, #tpu.memory_space<vmem>>, vector<16xf32>,
    %get3A_1041 = arith.constant 32 : index
    %get3A_1042 = tpu.vector_load %arg11[%get3A_1041] {strides = array<i32>} : memref<64xf32, #tpu.memory_space<vmem>>, vector<16xf32>,
    %mul3A_1043 = arith.constant 64 : i32
    %mul3A_1044 = arith.muli %arg1, %mul3A_1043 : i32
    %add3A_1045 = arith.constant 14336 : i32
    %add3A_1046 = arith.addi %add3A_1045, %mul3A_1044 : i32
    %add3A_1047 = arith.constant 32 : i32
    %add3A_1048 = arith.addi %add3A_1046, %add3A_1047 : i32
    %get3A_1049 = arith.index_cast %add3A_1048 : i32 to index
    %get3A_1050 = tpu.vector_load %arg8[%get3A_1049] {strides = array<i32>} : memref<16384xf32, #tpu.memory_space<vmem>>, vector<16xf32>,
    %add3A_1051 = arith.addf %get3A_1042, %get3A_1050 : vector<16xf32>
    %swap3A_1052 = arith.constant 32 : index
    %swap3A_1053 = tpu.vector_load %arg11[%swap3A_1052] {strides = array<i32>} : memref<64xf32, #tpu.memory_space<vmem>>, vector<16xf32>,
    tpu.vector_store %arg11[%swap3A_1052], %add3A_1051 {strides = array<i32>} : memref<64xf32, #tpu.memory_space<vmem>>, vector<16xf32>,
    %get3A_1054 = arith.constant 48 : index
    %get3A_1055 = tpu.vector_load %arg11[%get3A_1054] {strides = array<i32>} : memref<64xf32, #tpu.memory_space<vmem>>, vector<16xf32>,
    %mul3A_1056 = arith.constant 64 : i32
    %mul3A_1057 = arith.muli %arg1, %mul3A_1056 : i32
    %add3A_1058 = arith.constant 14336 : i32
    %add3A_1059 = arith.addi %add3A_1058, %mul3A_1057 : i32
    %add3A_1060 = arith.constant 48 : i32
    %add3A_1061 = arith.addi %add3A_1059, %add3A_1060 : i32
    %get3A_1062 = arith.index_cast %add3A_1061 : i32 to index
    %get3A_1063 = tpu.vector_load %arg8[%get3A_1062] {strides = array<i32>} : memref<16384xf32, #tpu.memory_space<vmem>>, vector<16xf32>,
    %add3A_1064 = arith.addf %get3A_1055, %get3A_1063 : vector<16xf32>
    %swap3A_1065 = arith.constant 48 : index
    %swap3A_1066 = tpu.vector_load %arg11[%swap3A_1065] {strides = array<i32>} : memref<64xf32, #tpu.memory_space<vmem>>, vector<16xf32>,
    tpu.vector_store %arg11[%swap3A_1065], %add3A_1064 {strides = array<i32>} : memref<64xf32, #tpu.memory_space<vmem>>, vector<16xf32>,
    %get3A_1067 = arith.constant 0 : index
    %get3A_1068 = tpu.vector_load %arg11[%get3A_1067] {strides = array<i32>} : memref<64xf32, #tpu.memory_space<vmem>>, vector<16xf32>,
    %mul3A_1069 = arith.constant 64 : i32
    %mul3A_1070 = arith.muli %arg1, %mul3A_1069 : i32
    %add3A_1071 = arith.constant 15360 : i32
    %add3A_1072 = arith.addi %add3A_1071, %mul3A_1070 : i32
    %add3A_1073 = arith.constant 0 : i32
    %add3A_1074 = arith.addi %add3A_1072, %add3A_1073 : i32
    %get3A_1075 = arith.index_cast %add3A_1074 : i32 to index
    %get3A_1076 = tpu.vector_load %arg8[%get3A_1075] {strides = array<i32>} : memref<16384xf32, #tpu.memory_space<vmem>>, vector<16xf32>,
    %add3A_1077 = arith.addf %get3A_1068, %get3A_1076 : vector<16xf32>
    %swap3A_1078 = arith.constant 0 : index
    %swap3A_1079 = tpu.vector_load %arg11[%swap3A_1078] {strides = array<i32>} : memref<64xf32, #tpu.memory_space<vmem>>, vector<16xf32>,
    tpu.vector_store %arg11[%swap3A_1078], %add3A_1077 {strides = array<i32>} : memref<64xf32, #tpu.memory_space<vmem>>, vector<16xf32>,
    %get3A_1080 = arith.constant 16 : index
    %get3A_1081 = tpu.vector_load %arg11[%get3A_1080] {strides = array<i32>} : memref<64xf32, #tpu.memory_space<vmem>>, vector<16xf32>,
    %mul3A_1082 = arith.constant 64 : i32
    %mul3A_1083 = arith.muli %arg1, %mul3A_1082 : i32
    %add3A_1084 = arith.constant 15360 : i32
    %add3A_1085 = arith.addi %add3A_1084, %mul3A_1083 : i32
    %add3A_1086 = arith.constant 16 : i32
    %add3A_1087 = arith.addi %add3A_1085, %add3A_1086 : i32
    %get3A_1088 = arith.index_cast %add3A_1087 : i32 to index
    %get3A_1089 = tpu.vector_load %arg8[%get3A_1088] {strides = array<i32>} : memref<16384xf32, #tpu.memory_space<vmem>>, vector<16xf32>,
    %add3A_1090 = arith.addf %get3A_1081, %get3A_1089 : vector<16xf32>
    %swap3A_1091 = arith.constant 16 : index
    %swap3A_1092 = tpu.vector_load %arg11[%swap3A_1091] {strides = array<i32>} : memref<64xf32, #tpu.memory_space<vmem>>, vector<16xf32>,
    tpu.vector_store %arg11[%swap3A_1091], %add3A_1090 {strides = array<i32>} : memref<64xf32, #tpu.memory_space<vmem>>, vector<16xf32>,
    %get3A_1093 = arith.constant 32 : index
    %get3A_1094 = tpu.vector_load %arg11[%get3A_1093] {strides = array<i32>} : memref<64xf32, #tpu.memory_space<vmem>>, vector<16xf32>,
    %mul3A_1095 = arith.constant 64 : i32
    %mul3A_1096 = arith.muli %arg1, %mul3A_1095 : i32
    %add3A_1097 = arith.constant 15360 : i32
    %add3A_1098 = arith.addi %add3A_1097, %mul3A_1096 : i32
    %add3A_1099 = arith.constant 32 : i32
    %add3A_1100 = arith.addi %add3A_1098, %add3A_1099 : i32
    %get3A_1101 = arith.index_cast %add3A_1100 : i32 to index
    %get3A_1102 = tpu.vector_load %arg8[%get3A_1101] {strides = array<i32>} : memref<16384xf32, #tpu.memory_space<vmem>>, vector<16xf32>,
    %add3A_1103 = arith.addf %get3A_1094, %get3A_1102 : vector<16xf32>
    %swap3A_1104 = arith.constant 32 : index
    %swap3A_1105 = tpu.vector_load %arg11[%swap3A_1104] {strides = array<i32>} : memref<64xf32, #tpu.memory_space<vmem>>, vector<16xf32>,
    tpu.vector_store %arg11[%swap3A_1104], %add3A_1103 {strides = array<i32>} : memref<64xf32, #tpu.memory_space<vmem>>, vector<16xf32>,
    %get3A_1106 = arith.constant 48 : index
    %get3A_1107 = tpu.vector_load %arg11[%get3A_1106] {strides = array<i32>} : memref<64xf32, #tpu.memory_space<vmem>>, vector<16xf32>,
    %mul3A_1108 = arith.constant 64 : i32
    %mul3A_1109 = arith.muli %arg1, %mul3A_1108 : i32
    %add3A_1110 = arith.constant 15360 : i32
    %add3A_1111 = arith.addi %add3A_1110, %mul3A_1109 : i32
    %add3A_1112 = arith.constant 48 : i32
    %add3A_1113 = arith.addi %add3A_1111, %add3A_1112 : i32
    %get3A_1114 = arith.index_cast %add3A_1113 : i32 to index
    %get3A_1115 = tpu.vector_load %arg8[%get3A_1114] {strides = array<i32>} : memref<16384xf32, #tpu.memory_space<vmem>>, vector<16xf32>,
    %add3A_1116 = arith.addf %get3A_1107, %get3A_1115 : vector<16xf32>
    %swap3A_1117 = arith.constant 48 : index
    %swap3A_1118 = tpu.vector_load %arg11[%swap3A_1117] {strides = array<i32>} : memref<64xf32, #tpu.memory_space<vmem>>, vector<16xf32>,
    tpu.vector_store %arg11[%swap3A_1117], %add3A_1116 {strides = array<i32>} : memref<64xf32, #tpu.memory_space<vmem>>, vector<16xf32>,
    %mul3A_1119 = arith.constant 64 : i32
    %mul3A_1120 = arith.muli %arg1, %mul3A_1119 : i32
    %add3A_1121 = arith.constant 16384 : i32
    %add3A_1122 = arith.addi %add3A_1121, %mul3A_1120 : i32
    "tpu.region"() ({
      %run_scoped3A = tpu.sem_alloc : memref<!tpu.dma_semaphore, #tpu.memory_space<semaphore_mem>>
      %dma_start3A_1130 = tpu.memref_slice %arg12[%add3A_1122] : memref<17408xf32, #tpu.memory_space<vmem_shared>> -> memref<64xf32, #tpu.memory_space<vmem_shared>>
      %dma_start3A_1131 = tpu.memref_slice %arg12[%add3A_1122] : memref<17408xf32, #tpu.memory_space<vmem_shared>> -> memref<64xf32, #tpu.memory_space<vmem_shared>>
      tpu.enqueue_dma source(%arg11 : memref<64xf32, #tpu.memory_space<vmem>>) target(%dma_start3A_1131 : memref<64xf32, #tpu.memory_space<vmem_shared>>) target_semaphore(%run_scoped3A : memref<!tpu.dma_semaphore, #tpu.memory_space<semaphore_mem>>)
      %dma_wait3A_1132 = tpu.memref_slice %arg12[%add3A_1122] : memref<17408xf32, #tpu.memory_space<vmem_shared>> -> memref<64xf32, #tpu.memory_space<vmem_shared>>
      %dma_wait3A_1133 = tpu.memref_slice %arg12[%add3A_1122] : memref<17408xf32, #tpu.memory_space<vmem_shared>> -> memref<64xf32, #tpu.memory_space<vmem_shared>>
      tpu.wait_dma2 semaphore(%run_scoped3A : memref<!tpu.dma_semaphore, #tpu.memory_space<semaphore_mem>>) src(%arg11 : memref<64xf32, #tpu.memory_space<vmem>>) dst(%dma_wait3A_1133 : memref<64xf32, #tpu.memory_space<vmem_shared>>)
      tpu.yield
    }) : () -> ()
    %barrier3A_1123 = arith.constant 0 : index
    tpu.barrier barrier_id(%barrier3A_1123)
    "tpu.region"() ({
      %run_scoped3A = tpu.sem_alloc : memref<!tpu.dma_semaphore, #tpu.memory_space<semaphore_mem>>
      %dma_start3A_1130 = arith.constant 16384 : i32
      %dma_start3A_1131 = tpu.memref_slice %arg12[%dma_start3A_1130] : memref<17408xf32, #tpu.memory_space<vmem_shared>> -> memref<1024xf32, #tpu.memory_space<vmem_shared>>
      %dma_start3A_1132 = arith.constant 16384 : i32
      %dma_start3A_1133 = tpu.memref_slice %arg12[%dma_start3A_1132] : memref<17408xf32, #tpu.memory_space<vmem_shared>> -> memref<1024xf32, #tpu.memory_space<vmem_shared>>
      tpu.enqueue_dma source(%dma_start3A_1133 : memref<1024xf32, #tpu.memory_space<vmem_shared>>) target(%arg9 : memref<1024xf32, #tpu.memory_space<vmem>>) target_semaphore(%run_scoped3A : memref<!tpu.dma_semaphore, #tpu.memory_space<semaphore_mem>>)
      %dma_wait3A_1134 = arith.constant 16384 : i32
      %dma_wait3A_1135 = tpu.memref_slice %arg12[%dma_wait3A_1134] : memref<17408xf32, #tpu.memory_space<vmem_shared>> -> memref<1024xf32, #tpu.memory_space<vmem_shared>>
      %dma_wait3A_1136 = arith.constant 16384 : i32
      %dma_wait3A_1137 = tpu.memref_slice %arg12[%dma_wait3A_1136] : memref<17408xf32, #tpu.memory_space<vmem_shared>> -> memref<1024xf32, #tpu.memory_space<vmem_shared>>
      tpu.wait_dma2 semaphore(%run_scoped3A : memref<!tpu.dma_semaphore, #tpu.memory_space<semaphore_mem>>) src(%dma_wait3A_1137 : memref<1024xf32, #tpu.memory_space<vmem_shared>>) dst(%arg9 : memref<1024xf32, #tpu.memory_space<vmem>>)
      tpu.yield
    }) : () -> ()
    %mul3A_1124 = arith.constant 3200 : i32
    %mul3A_1125 = arith.muli %arg0, %mul3A_1124 : i32
    %parallel_loop3A = arith.constant 0 : i32
    %parallel_loop3A_1126 = arith.constant 200 : i32
    %parallel_loop3A_1127 = arith.constant 4 : i32
    scf.for %parallel_loop3A_1130 = %parallel_loop3A to %parallel_loop3A_1126 step %parallel_loop3A_1127  : i32 {
      %parallel_loop3A_1131 = arith.constant 0 : i32
      %parallel_loop3A_1132 = arith.addi %parallel_loop3A_1130, %parallel_loop3A_1131 : i32
      %parallel_loop3A_1133 = arith.constant 16 : i32
      %parallel_loop3A_1134 = arith.muli %parallel_loop3A_1132, %parallel_loop3A_1133 : i32
      %parallel_loop3A_1135 = arith.addi %mul3A_1125, %parallel_loop3A_1134 : i32
      %parallel_loop3A_1136 = arith.index_cast %parallel_loop3A_1135 : i32 to index
      %parallel_loop3A_1137 = tpu.vector_load %arg6[%parallel_loop3A_1136] {strides = array<i32>} : memref<6400xi32, #tpu.memory_space<vmem>>, vector<16xi32>,
      %parallel_loop3A_1138 = tpu.vector_load_idx %arg9[%parallel_loop3A_1137] : memref<1024xf32, #tpu.memory_space<vmem>>[vector<16xi32>], vector<16xf32>,
      %parallel_loop3A_1139 = arith.addi %mul3A_1125, %parallel_loop3A_1134 : i32
      %parallel_loop3A_1140 = arith.index_cast %parallel_loop3A_1139 : i32 to index
      %parallel_loop3A_1141 = tpu.vector_load %arg5[%parallel_loop3A_1140] {strides = array<i32>} : memref<6400xf32, #tpu.memory_space<vmem>>, vector<16xf32>,
      %parallel_loop3A_1142 = arith.divf %parallel_loop3A_1141, %parallel_loop3A_1138 : vector<16xf32>
      %parallel_loop3A_1143 = arith.index_cast %parallel_loop3A_1134 : i32 to index
      %parallel_loop3A_1144 = tpu.vector_load %arg10[%parallel_loop3A_1143] {strides = array<i32>} : memref<3200xf32, #tpu.memory_space<vmem>>, vector<16xf32>,
      tpu.vector_store %arg10[%parallel_loop3A_1143], %parallel_loop3A_1142 {strides = array<i32>} : memref<3200xf32, #tpu.memory_space<vmem>>, vector<16xf32>,
      %parallel_loop3A_1145 = arith.constant 1 : i32
      %parallel_loop3A_1146 = arith.addi %parallel_loop3A_1130, %parallel_loop3A_1145 : i32
      %parallel_loop3A_1147 = arith.constant 16 : i32
      %parallel_loop3A_1148 = arith.muli %parallel_loop3A_1146, %parallel_loop3A_1147 : i32
      %parallel_loop3A_1149 = arith.addi %mul3A_1125, %parallel_loop3A_1148 : i32
      %parallel_loop3A_1150 = arith.index_cast %parallel_loop3A_1149 : i32 to index
      %parallel_loop3A_1151 = tpu.vector_load %arg6[%parallel_loop3A_1150] {strides = array<i32>} : memref<6400xi32, #tpu.memory_space<vmem>>, vector<16xi32>,
      %parallel_loop3A_1152 = tpu.vector_load_idx %arg9[%parallel_loop3A_1151] : memref<1024xf32, #tpu.memory_space<vmem>>[vector<16xi32>], vector<16xf32>,
      %parallel_loop3A_1153 = arith.addi %mul3A_1125, %parallel_loop3A_1148 : i32
      %parallel_loop3A_1154 = arith.index_cast %parallel_loop3A_1153 : i32 to index
      %parallel_loop3A_1155 = tpu.vector_load %arg5[%parallel_loop3A_1154] {strides = array<i32>} : memref<6400xf32, #tpu.memory_space<vmem>>, vector<16xf32>,
      %parallel_loop3A_1156 = arith.divf %parallel_loop3A_1155, %parallel_loop3A_1152 : vector<16xf32>
      %parallel_loop3A_1157 = arith.index_cast %parallel_loop3A_1148 : i32 to index
      %parallel_loop3A_1158 = tpu.vector_load %arg10[%parallel_loop3A_1157] {strides = array<i32>} : memref<3200xf32, #tpu.memory_space<vmem>>, vector<16xf32>,
      tpu.vector_store %arg10[%parallel_loop3A_1157], %parallel_loop3A_1156 {strides = array<i32>} : memref<3200xf32, #tpu.memory_space<vmem>>, vector<16xf32>,
      %parallel_loop3A_1159 = arith.constant 2 : i32
      %parallel_loop3A_1160 = arith.addi %parallel_loop3A_1130, %parallel_loop3A_1159 : i32
      %parallel_loop3A_1161 = arith.constant 16 : i32
      %parallel_loop3A_1162 = arith.muli %parallel_loop3A_1160, %parallel_loop3A_1161 : i32
      %parallel_loop3A_1163 = arith.addi %mul3A_1125, %parallel_loop3A_1162 : i32
      %parallel_loop3A_1164 = arith.index_cast %parallel_loop3A_1163 : i32 to index
      %parallel_loop3A_1165 = tpu.vector_load %arg6[%parallel_loop3A_1164] {strides = array<i32>} : memref<6400xi32, #tpu.memory_space<vmem>>, vector<16xi32>,
      %parallel_loop3A_1166 = tpu.vector_load_idx %arg9[%parallel_loop3A_1165] : memref<1024xf32, #tpu.memory_space<vmem>>[vector<16xi32>], vector<16xf32>,
      %parallel_loop3A_1167 = arith.addi %mul3A_1125, %parallel_loop3A_1162 : i32
      %parallel_loop3A_1168 = arith.index_cast %parallel_loop3A_1167 : i32 to index
      %parallel_loop3A_1169 = tpu.vector_load %arg5[%parallel_loop3A_1168] {strides = array<i32>} : memref<6400xf32, #tpu.memory_space<vmem>>, vector<16xf32>,
      %parallel_loop3A_1170 = arith.divf %parallel_loop3A_1169, %parallel_loop3A_1166 : vector<16xf32>
      %parallel_loop3A_1171 = arith.index_cast %parallel_loop3A_1162 : i32 to index
      %parallel_loop3A_1172 = tpu.vector_load %arg10[%parallel_loop3A_1171] {strides = array<i32>} : memref<3200xf32, #tpu.memory_space<vmem>>, vector<16xf32>,
      tpu.vector_store %arg10[%parallel_loop3A_1171], %parallel_loop3A_1170 {strides = array<i32>} : memref<3200xf32, #tpu.memory_space<vmem>>, vector<16xf32>,
      %parallel_loop3A_1173 = arith.constant 3 : i32
      %parallel_loop3A_1174 = arith.addi %parallel_loop3A_1130, %parallel_loop3A_1173 : i32
      %parallel_loop3A_1175 = arith.constant 16 : i32
      %parallel_loop3A_1176 = arith.muli %parallel_loop3A_1174, %parallel_loop3A_1175 : i32
      %parallel_loop3A_1177 = arith.addi %mul3A_1125, %parallel_loop3A_1176 : i32
      %parallel_loop3A_1178 = arith.index_cast %parallel_loop3A_1177 : i32 to index
      %parallel_loop3A_1179 = tpu.vector_load %arg6[%parallel_loop3A_1178] {strides = array<i32>} : memref<6400xi32, #tpu.memory_space<vmem>>, vector<16xi32>,
      %parallel_loop3A_1180 = tpu.vector_load_idx %arg9[%parallel_loop3A_1179] : memref<1024xf32, #tpu.memory_space<vmem>>[vector<16xi32>], vector<16xf32>,
      %parallel_loop3A_1181 = arith.addi %mul3A_1125, %parallel_loop3A_1176 : i32
      %parallel_loop3A_1182 = arith.index_cast %parallel_loop3A_1181 : i32 to index
      %parallel_loop3A_1183 = tpu.vector_load %arg5[%parallel_loop3A_1182] {strides = array<i32>} : memref<6400xf32, #tpu.memory_space<vmem>>, vector<16xf32>,
      %parallel_loop3A_1184 = arith.divf %parallel_loop3A_1183, %parallel_loop3A_1180 : vector<16xf32>
      %parallel_loop3A_1185 = arith.index_cast %parallel_loop3A_1176 : i32 to index
      %parallel_loop3A_1186 = tpu.vector_load %arg10[%parallel_loop3A_1185] {strides = array<i32>} : memref<3200xf32, #tpu.memory_space<vmem>>, vector<16xf32>,
      tpu.vector_store %arg10[%parallel_loop3A_1185], %parallel_loop3A_1184 {strides = array<i32>} : memref<3200xf32, #tpu.memory_space<vmem>>, vector<16xf32>,
    } {sc.loop_unroll_factor = 1 : i64, sc.parallel_access}
    %mul3A_1128 = arith.constant 3200 : i32
    %mul3A_1129 = arith.muli %add3A, %mul3A_1128 : i32
    "tpu.region"() ({
      %run_scoped3A = tpu.sem_alloc : memref<!tpu.dma_semaphore, #tpu.memory_space<semaphore_mem>>
      %dma_start3A_1130 = tpu.memref_slice %arg4[%mul3A_1129] : memref<102400xf32, #tpu.memory_space<hbm>> -> memref<3200xf32, #tpu.memory_space<hbm>>
      %dma_start3A_1131 = tpu.memref_slice %arg4[%mul3A_1129] : memref<102400xf32, #tpu.memory_space<hbm>> -> memref<3200xf32, #tpu.memory_space<hbm>>
      tpu.enqueue_dma source(%arg10 : memref<3200xf32, #tpu.memory_space<vmem>>) target(%dma_start3A_1131 : memref<3200xf32, #tpu.memory_space<hbm>>) target_semaphore(%run_scoped3A : memref<!tpu.dma_semaphore, #tpu.memory_space<semaphore_mem>>)
      %dma_wait3A_1132 = tpu.memref_slice %arg4[%mul3A_1129] : memref<102400xf32, #tpu.memory_space<hbm>> -> memref<3200xf32, #tpu.memory_space<hbm>>
      %dma_wait3A_1133 = tpu.memref_slice %arg4[%mul3A_1129] : memref<102400xf32, #tpu.memory_space<hbm>> -> memref<3200xf32, #tpu.memory_space<hbm>>
      tpu.wait_dma2 semaphore(%run_scoped3A : memref<!tpu.dma_semaphore, #tpu.memory_space<semaphore_mem>>) src(%arg10 : memref<3200xf32, #tpu.memory_space<vmem>>) dst(%dma_wait3A_1133 : memref<3200xf32, #tpu.memory_space<hbm>>)
      tpu.yield
    }) : () -> ()
    return
  }
}

module attributes {stable_mosaic.version = 14 : i64} {
  func.func @_tc_logits(%arg0: i32, %arg1: memref<64x5120xf32, #tpu.memory_space<vmem>>, %arg2: memref<1x1x5120xi32, #tpu.memory_space<vmem>>, %arg3: memref<1024x3xf32, #tpu.memory_space<vmem>>, %arg4: memref<3x64xf32, #tpu.memory_space<vmem>>, %arg5: memref<1x64xf32, #tpu.memory_space<vmem>>, %arg6: memref<64x128xf32, #tpu.memory_space<vmem>>, %arg7: memref<1x64xf32, #tpu.memory_space<vmem>>, %arg8: memref<1x64xf32, #tpu.memory_space<vmem>>, %arg9: memref<1x1x5120xf32, #tpu.memory_space<vmem>>, %arg10: memref<1024x64xf32, #tpu.memory_space<vmem>>, %arg11: memref<64x5120xf32, #tpu.memory_space<vmem>>) attributes {dimension_semantics = [#tpu.dimension_semantics<arbitrary>], iteration_bounds = array<i64: 20>, scalar_prefetch = 0 : i64, scratch_operands = 2 : i64, tpu.core_type = #tpu.core_type<tc>, window_params = [{transform_indices = @transform_0, window_bounds = array<i64: 64, 5120>}, {transform_indices = @transform_1, window_bounds = array<i64: 1, 1, 5120>}, {pipeline_mode = #tpu.pipeline_mode<synchronous>, transform_indices = @transform_2, window_bounds = array<i64: 1024, 3>}, {pipeline_mode = #tpu.pipeline_mode<synchronous>, transform_indices = @transform_3, window_bounds = array<i64: 3, 64>}, {pipeline_mode = #tpu.pipeline_mode<synchronous>, transform_indices = @transform_4, window_bounds = array<i64: 1, 64>}, {pipeline_mode = #tpu.pipeline_mode<synchronous>, transform_indices = @transform_5, window_bounds = array<i64: 64, 128>}, {pipeline_mode = #tpu.pipeline_mode<synchronous>, transform_indices = @transform_6, window_bounds = array<i64: 1, 64>}, {pipeline_mode = #tpu.pipeline_mode<synchronous>, transform_indices = @transform_7, window_bounds = array<i64: 1, 64>}, {transform_indices = @transform_8, window_bounds = array<i64: 1, 1, 5120>}]} {
    %eq3A = arith.constant 0 : i32
    %eq3A_0 = arith.cmpi eq, %arg0, %eq3A : i32
    %convert_element_type3A = arith.extui %eq3A_0 : i1 to i32
    %cond3A = arith.constant 0 : i32
    %cond3A_1 = arith.cmpi ne, %convert_element_type3A, %cond3A : i32
    scf.if %cond3A_1 {
      %get3A_42 = arith.constant 0 : index
      %get3A_43 = arith.constant 0 : index
      %get3A_44 = vector.load %arg3[%get3A_42, %get3A_43] : memref<1024x3xf32, #tpu.memory_space<vmem>>, vector<1024x3xf32>
      %slice3A_45 = vector.extract_strided_slice %get3A_44 {offsets = [0, 0], sizes = [1024, 1], strides = [1, 1]} : vector<1024x3xf32> to vector<1024x1xf32>
      %get3A_46 = arith.constant 0 : index
      %get3A_47 = arith.constant 0 : index
      %get3A_48 = vector.load %arg4[%get3A_46, %get3A_47] : memref<3x64xf32, #tpu.memory_space<vmem>>, vector<1x64xf32>
      %mul3A = vector.broadcast %slice3A_45 : vector<1024x1xf32> to vector<1024x64xf32>
      %mul3A_49 = vector.broadcast %get3A_48 : vector<1x64xf32> to vector<1024x64xf32>
      %mul3A_50 = arith.mulf %mul3A, %mul3A_49 : vector<1024x64xf32>
      %slice3A_51 = vector.extract_strided_slice %get3A_44 {offsets = [0, 1], sizes = [1024, 1], strides = [1, 1]} : vector<1024x3xf32> to vector<1024x1xf32>
      %get3A_52 = arith.constant 1 : index
      %get3A_53 = arith.constant 0 : index
      %get3A_54 = vector.load %arg4[%get3A_52, %get3A_53] : memref<3x64xf32, #tpu.memory_space<vmem>>, vector<1x64xf32>
      %mul3A_55 = vector.broadcast %slice3A_51 : vector<1024x1xf32> to vector<1024x64xf32>
      %mul3A_56 = vector.broadcast %get3A_54 : vector<1x64xf32> to vector<1024x64xf32>
      %mul3A_57 = arith.mulf %mul3A_55, %mul3A_56 : vector<1024x64xf32>
      %add3A_58 = arith.addf %mul3A_50, %mul3A_57 : vector<1024x64xf32>
      %slice3A_59 = vector.extract_strided_slice %get3A_44 {offsets = [0, 2], sizes = [1024, 1], strides = [1, 1]} : vector<1024x3xf32> to vector<1024x1xf32>
      %get3A_60 = arith.constant 2 : index
      %get3A_61 = arith.constant 0 : index
      %get3A_62 = vector.load %arg4[%get3A_60, %get3A_61] : memref<3x64xf32, #tpu.memory_space<vmem>>, vector<1x64xf32>
      %mul3A_63 = vector.broadcast %slice3A_59 : vector<1024x1xf32> to vector<1024x64xf32>
      %mul3A_64 = vector.broadcast %get3A_62 : vector<1x64xf32> to vector<1024x64xf32>
      %mul3A_65 = arith.mulf %mul3A_63, %mul3A_64 : vector<1024x64xf32>
      %add3A_66 = arith.addf %add3A_58, %mul3A_65 : vector<1024x64xf32>
      %get3A_67 = arith.constant 0 : index
      %get3A_68 = arith.constant 0 : index
      %get3A_69 = vector.load %arg5[%get3A_67, %get3A_68] : memref<1x64xf32, #tpu.memory_space<vmem>>, vector<1x64xf32>
      %add3A_70 = vector.broadcast %get3A_69 : vector<1x64xf32> to vector<1024x64xf32>
      %add3A_71 = arith.addf %add3A_66, %add3A_70 : vector<1024x64xf32>
      %get3A_72 = arith.constant 0 : index
      %get3A_73 = arith.constant 64 : index
      %get3A_74 = vector.load %arg6[%get3A_72, %get3A_73] : memref<64x128xf32, #tpu.memory_space<vmem>>, vector<64x64xf32>
      %dot_general3A_75 = arith.constant dense<0.000000e+00> : vector<1024x64xf32>
      %dot_general3A_76 = tpu.matmul %add3A_71, %get3A_74, %dot_general3A_75 {dimension_numbers = #tpu.dot_dimension_numbers<[1], [1], [0], [0], [0, 0, 1, 0], [], []>, transpose_lhs_hint = false} : vector<1024x64xf32>, vector<64x64xf32>, vector<1024x64xf32> -> vector<1024x64xf32>
      %get3A_77 = arith.constant 0 : index
      %get3A_78 = arith.constant 0 : index
      %get3A_79 = vector.load %arg7[%get3A_77, %get3A_78] : memref<1x64xf32, #tpu.memory_space<vmem>>, vector<1x64xf32>
      %add3A_80 = vector.broadcast %get3A_79 : vector<1x64xf32> to vector<1024x64xf32>
      %add3A_81 = arith.addf %dot_general3A_76, %add3A_80 : vector<1024x64xf32>
      %swap3A = arith.constant 0 : index
      %swap3A_82 = arith.constant 0 : index
      %swap3A_83 = vector.load %arg10[%swap3A, %swap3A_82] : memref<1024x64xf32, #tpu.memory_space<vmem>>, vector<1024x64xf32>
      tpu.vector_store %arg10[%swap3A, %swap3A_82], %add3A_81 {strides = array<i32>} : memref<1024x64xf32, #tpu.memory_space<vmem>>, vector<1024x64xf32>,
    } else {
    }
    %get3A = arith.constant 0 : index
    %get3A_2 = arith.constant 0 : index
    %get3A_3 = arith.constant 0 : index
    %get3A_4 = vector.load %arg2[%get3A, %get3A_2, %get3A_3] : memref<1x1x5120xi32, #tpu.memory_space<vmem>>, vector<1x1x5120xi32>
    %get3A_5 = vector.shape_cast %get3A_4 : vector<1x1x5120xi32> to vector<1x5120xi32>
    %slice3A = vector.extract_strided_slice %get3A_5 {offsets = [0, 0], sizes = [1, 1], strides = [1, 1]} : vector<1x5120xi32> to vector<1x1xi32>
    %squeeze3A = vector.extract %slice3A[0, 0] : i32 from vector<1x1xi32>
    %slice3A_6 = vector.extract_strided_slice %get3A_5 {offsets = [0, 5119], sizes = [1, 1], strides = [1, 1]} : vector<1x5120xi32> to vector<1x1xi32>
    %squeeze3A_7 = vector.extract %slice3A_6[0, 0] : i32 from vector<1x1xi32>
    %sub3A = arith.subi %squeeze3A_7, %squeeze3A : i32
    %jit3A = arith.constant 64 : i32
    %div3A = arith.divsi %sub3A, %jit3A : i32
    %sign3A = arith.constant 0 : i32
    %sign3A_8 = arith.cmpi sgt, %sub3A, %sign3A : i32
    %sign3A_9 = arith.extui %sign3A_8 : i1 to i32
    %sign3A_10 = arith.constant 0 : i32
    %sign3A_11 = arith.cmpi slt, %sub3A, %sign3A_10 : i32
    %sign3A_12 = arith.extui %sign3A_11 : i1 to i32
    %sign3A_13 = arith.subi %sign3A_9, %sign3A_12 : i32
    %sign3A_14 = arith.constant 0 : i32
    %sign3A_15 = arith.cmpi sgt, %jit3A, %sign3A_14 : i32
    %sign3A_16 = arith.extui %sign3A_15 : i1 to i32
    %sign3A_17 = arith.constant 0 : i32
    %sign3A_18 = arith.cmpi slt, %jit3A, %sign3A_17 : i32
    %sign3A_19 = arith.extui %sign3A_18 : i1 to i32
    %sign3A_20 = arith.subi %sign3A_16, %sign3A_19 : i32
    %ne3A = arith.cmpi ne, %sign3A_13, %sign3A_20 : i32
    %rem3A = arith.remsi %sub3A, %jit3A : i32
    %ne3A_21 = arith.constant 0 : i32
    %ne3A_22 = arith.cmpi ne, %rem3A, %ne3A_21 : i32
    %and3A = arith.andi %ne3A, %ne3A_22 : i1
    %sub3A_23 = arith.constant 1 : i32
    %sub3A_24 = arith.subi %div3A, %sub3A_23 : i32
    %select_n3A = arith.select %and3A, %sub3A_24, %div3A : i32
    %add3A = arith.constant 1 : i32
    %add3A_25 = arith.addi %select_n3A, %add3A : i32
    %iota3A = tpu.iota {dimensions = array<i32: 0>} : vector<64x5120xi32>
    %get3A_26 = arith.constant 0 : index
    %get3A_27 = arith.constant 0 : index
    %get3A_28 = vector.load %arg6[%get3A_26, %get3A_27] : memref<64x128xf32, #tpu.memory_space<vmem>>, vector<64x64xf32>
    %get3A_29 = arith.constant 0 : index
    %get3A_30 = arith.constant 0 : index
    %get3A_31 = vector.load %arg1[%get3A_29, %get3A_30] : memref<64x5120xf32, #tpu.memory_space<vmem>>, vector<64x5120xf32>
    %dot_general3A = arith.constant dense<0.000000e+00> : vector<64x5120xf32>
    %dot_general3A_32 = tpu.matmul %get3A_28, %get3A_31, %dot_general3A {dimension_numbers = #tpu.dot_dimension_numbers<[1], [0], [0], [1], [0, 0, 1, 1], [], []>, transpose_lhs_hint = false} : vector<64x64xf32>, vector<64x5120xf32>, vector<64x5120xf32> -> vector<64x5120xf32>
    %eq3A_33 = arith.constant 1 : i32
    %eq3A_34 = arith.cmpi eq, %add3A_25, %eq3A_33 : i32
    %convert_element_type3A_35 = arith.extui %eq3A_34 : i1 to i32
    %cond3A_36 = arith.constant 0 : i32
    %cond3A_37 = arith.cmpi ne, %convert_element_type3A_35, %cond3A_36 : i32
    scf.if %cond3A_37 {
      %add3A_42 = arith.constant 0 : i32
      %add3A_43 = arith.addi %squeeze3A, %add3A_42 : i32
      %min3A = arith.constant 960 : i32
      %min3A_44 = arith.minsi %add3A_43, %min3A : i32
      %sub3A_45 = vector.broadcast %min3A_44 : i32 to vector<1x5120xi32>
      %sub3A_46 = arith.subi %get3A_5, %sub3A_45 : vector<1x5120xi32>
      %eq3A_47 = vector.broadcast %sub3A_46 : vector<1x5120xi32> to vector<64x5120xi32>
      %eq3A_48 = arith.cmpi eq, %eq3A_47, %iota3A : vector<64x5120xi32>
      %jit3A_49 = arith.constant 1.000000e+00 : f32
      %jit3A_50 = arith.constant 0.000000e+00 : f32
      %broadcast_in_dim3A = vector.broadcast %jit3A_49 : f32 to vector<64x5120xf32>
      %broadcast_in_dim3A_51 = vector.broadcast %jit3A_50 : f32 to vector<64x5120xf32>
      %select_n3A_52 = arith.select %eq3A_48, %broadcast_in_dim3A, %broadcast_in_dim3A_51 : vector<64x5120xi1>, vector<64x5120xf32>
      %get3A_53 = arith.index_cast %min3A_44 : i32 to index
      %get3A_54 = arith.constant 0 : index
      %get3A_55 = vector.load %arg10[%get3A_53, %get3A_54] : memref<1024x64xf32, #tpu.memory_space<vmem>>, vector<64x64xf32>
      %dot_general3A_56 = arith.constant dense<0.000000e+00> : vector<64x5120xf32>
      %dot_general3A_57 = tpu.matmul %get3A_55, %select_n3A_52, %dot_general3A_56 {dimension_numbers = #tpu.dot_dimension_numbers<[0], [0], [1], [1], [0, 1, 1, 1], [], []>, transpose_lhs_hint = true} : vector<64x64xf32>, vector<64x5120xf32>, vector<64x5120xf32> -> vector<64x5120xf32>
      %add3A_58 = arith.addf %dot_general3A_32, %dot_general3A_57 : vector<64x5120xf32>
      %abs3A = math.absf %add3A_58 : vector<64x5120xf32>
      %mul3A = arith.constant -1.44269502 : f32
      %mul3A_59 = vector.broadcast %mul3A : f32 to vector<64x5120xf32>
      %mul3A_60 = arith.mulf %abs3A, %mul3A_59 : vector<64x5120xf32>
      %exp23A = math.exp2 %mul3A_60 : vector<64x5120xf32>
      %max3A = arith.constant 0.000000e+00 : f32
      %max3A_61 = vector.broadcast %max3A : f32 to vector<64x5120xf32>
      %max3A_62 = arith.maximumf %add3A_58, %max3A_61 : vector<64x5120xf32>
      %log1p3A = math.log1p %exp23A : vector<64x5120xf32>
      %add3A_63 = arith.addf %max3A_62, %log1p3A : vector<64x5120xf32>
      %get3A_64 = arith.constant 0 : index
      %get3A_65 = arith.constant 0 : index
      %get3A_66 = vector.load %arg8[%get3A_64, %get3A_65] : memref<1x64xf32, #tpu.memory_space<vmem>>, vector<1x64xf32>
      %dot_general3A_67 = arith.constant dense<0.000000e+00> : vector<1x5120xf32>
      %dot_general3A_68 = tpu.matmul %get3A_66, %add3A_63, %dot_general3A_67 {dimension_numbers = #tpu.dot_dimension_numbers<[1], [0], [0], [1], [0, 0, 1, 1], [], []>, transpose_lhs_hint = false} : vector<1x64xf32>, vector<64x5120xf32>, vector<1x5120xf32> -> vector<1x5120xf32>
      %iota3A_69 = tpu.iota {dimensions = array<i32: 1>} : vector<1x5120xi32>
      %mul3A_70 = arith.constant 5120 : i32
      %mul3A_71 = arith.muli %arg0, %mul3A_70 : i32
      %add3A_72 = vector.broadcast %mul3A_71 : i32 to vector<1x5120xi32>
      %add3A_73 = arith.addi %iota3A_69, %add3A_72 : vector<1x5120xi32>
      %lt3A = arith.constant 100000 : i32
      %lt3A_74 = vector.broadcast %lt3A : i32 to vector<1x5120xi32>
      %lt3A_75 = arith.cmpi slt, %add3A_73, %lt3A_74 : vector<1x5120xi32>
      %jit3A_76 = arith.constant -1.000000e+30 : f32
      %broadcast_in_dim3A_77 = vector.broadcast %jit3A_76 : f32 to vector<1x5120xf32>
      %select_n3A_78 = arith.select %lt3A_75, %dot_general3A_68, %broadcast_in_dim3A_77 : vector<1x5120xi1>, vector<1x5120xf32>
      %broadcast_in_dim3A_79 = vector.shape_cast %select_n3A_78 : vector<1x5120xf32> to vector<1x1x5120xf32>
      %swap3A = arith.constant 0 : index
      %swap3A_80 = arith.constant 0 : index
      %swap3A_81 = arith.constant 0 : index
      %swap3A_82 = vector.load %arg9[%swap3A, %swap3A_80, %swap3A_81] : memref<1x1x5120xf32, #tpu.memory_space<vmem>>, vector<1x1x5120xf32>
      tpu.vector_store %arg9[%swap3A, %swap3A_80, %swap3A_81], %broadcast_in_dim3A_79 {strides = array<i32>} : memref<1x1x5120xf32, #tpu.memory_space<vmem>>, vector<1x1x5120xf32>,
    } else {
    }
    %gt3A = arith.constant 1 : i32
    %gt3A_38 = arith.cmpi sgt, %add3A_25, %gt3A : i32
    %convert_element_type3A_39 = arith.extui %gt3A_38 : i1 to i32
    %cond3A_40 = arith.constant 0 : i32
    %cond3A_41 = arith.cmpi ne, %convert_element_type3A_39, %cond3A_40 : i32
    scf.if %cond3A_41 {
      %broadcast_in_dim3A = arith.constant 0.000000e+00 : f32
      %broadcast_in_dim3A_42 = vector.broadcast %broadcast_in_dim3A : f32 to vector<64x5120xf32>
      %swap3A = arith.constant 0 : index
      %swap3A_43 = arith.constant 0 : index
      %swap3A_44 = vector.load %arg11[%swap3A, %swap3A_43] : memref<64x5120xf32, #tpu.memory_space<vmem>>, vector<64x5120xf32>
      tpu.vector_store %arg11[%swap3A, %swap3A_43], %broadcast_in_dim3A_42 {strides = array<i32>} : memref<64x5120xf32, #tpu.memory_space<vmem>>, vector<64x5120xf32>,
      %while3A = arith.constant 0 : i32
      %while3A_45 = arith.constant 0 : i32
      %while3A_46 = arith.subi %add3A_25, %while3A_45 : i32
      %while3A_47 = arith.addi %while3A_45, %while3A_46 : i32
      %while3A_48 = arith.constant 1 : i32
      %while3A_49 = arith.divsi %while3A_46, %while3A_48 : i32
      %while3A_50 = arith.muli %while3A_49, %while3A_48 : i32
      %while3A_51 = arith.addi %while3A_45, %while3A_50 : i32
      %while3A_52 = arith.constant 1 : i32
      scf.for %while3A_83 = %while3A_45 to %while3A_51 step %while3A_52  : i32 {
        %mul3A_84 = arith.constant 64 : i32
        %mul3A_85 = arith.muli %while3A_83, %mul3A_84 : i32
        %add3A_86 = arith.addi %squeeze3A, %mul3A_85 : i32
        %min3A = arith.constant 960 : i32
        %min3A_87 = arith.minsi %add3A_86, %min3A : i32
        %sub3A_88 = vector.broadcast %min3A_87 : i32 to vector<1x5120xi32>
        %sub3A_89 = arith.subi %get3A_5, %sub3A_88 : vector<1x5120xi32>
        %eq3A_90 = vector.broadcast %sub3A_89 : vector<1x5120xi32> to vector<64x5120xi32>
        %eq3A_91 = arith.cmpi eq, %eq3A_90, %iota3A : vector<64x5120xi32>
        %ge3A = vector.broadcast %add3A_86 : i32 to vector<1x5120xi32>
        %ge3A_92 = arith.cmpi sge, %get3A_5, %ge3A : vector<1x5120xi32>
        %and3A_93 = vector.broadcast %ge3A_92 : vector<1x5120xi1> to vector<64x5120xi1>
        %and3A_94 = arith.andi %eq3A_91, %and3A_93 : vector<64x5120xi1>
        %jit3A_95 = arith.constant 1.000000e+00 : f32
        %jit3A_96 = arith.constant 0.000000e+00 : f32
        %broadcast_in_dim3A_97 = vector.broadcast %jit3A_95 : f32 to vector<64x5120xf32>
        %broadcast_in_dim3A_98 = vector.broadcast %jit3A_96 : f32 to vector<64x5120xf32>
        %select_n3A_99 = arith.select %and3A_94, %broadcast_in_dim3A_97, %broadcast_in_dim3A_98 : vector<64x5120xi1>, vector<64x5120xf32>
        %get3A_100 = arith.constant 0 : index
        %get3A_101 = arith.constant 0 : index
        %get3A_102 = vector.load %arg11[%get3A_100, %get3A_101] : memref<64x5120xf32, #tpu.memory_space<vmem>>, vector<64x5120xf32>
        %get3A_103 = arith.index_cast %min3A_87 : i32 to index
        %get3A_104 = arith.constant 0 : index
        %get3A_105 = vector.load %arg10[%get3A_103, %get3A_104] : memref<1024x64xf32, #tpu.memory_space<vmem>>, vector<64x64xf32>
        %dot_general3A_106 = arith.constant dense<0.000000e+00> : vector<64x5120xf32>
        %dot_general3A_107 = tpu.matmul %get3A_105, %select_n3A_99, %dot_general3A_106 {dimension_numbers = #tpu.dot_dimension_numbers<[0], [0], [1], [1], [0, 1, 1, 1], [], []>, transpose_lhs_hint = true} : vector<64x64xf32>, vector<64x5120xf32>, vector<64x5120xf32> -> vector<64x5120xf32>
        %add3A_108 = arith.addf %get3A_102, %dot_general3A_107 : vector<64x5120xf32>
        %swap3A_109 = arith.constant 0 : index
        %swap3A_110 = arith.constant 0 : index
        %swap3A_111 = vector.load %arg11[%swap3A_109, %swap3A_110] : memref<64x5120xf32, #tpu.memory_space<vmem>>, vector<64x5120xf32>
        tpu.vector_store %arg11[%swap3A_109, %swap3A_110], %add3A_108 {strides = array<i32>} : memref<64x5120xf32, #tpu.memory_space<vmem>>, vector<64x5120xf32>,
      }
      %while3A_53 = arith.constant 1 : i32
      scf.for %while3A_83 = %while3A_51 to %while3A_47 step %while3A_53  : i32 {
        %mul3A_84 = arith.constant 64 : i32
        %mul3A_85 = arith.muli %while3A_83, %mul3A_84 : i32
        %add3A_86 = arith.addi %squeeze3A, %mul3A_85 : i32
        %min3A = arith.constant 960 : i32
        %min3A_87 = arith.minsi %add3A_86, %min3A : i32
        %sub3A_88 = vector.broadcast %min3A_87 : i32 to vector<1x5120xi32>
        %sub3A_89 = arith.subi %get3A_5, %sub3A_88 : vector<1x5120xi32>
        %eq3A_90 = vector.broadcast %sub3A_89 : vector<1x5120xi32> to vector<64x5120xi32>
        %eq3A_91 = arith.cmpi eq, %eq3A_90, %iota3A : vector<64x5120xi32>
        %ge3A = vector.broadcast %add3A_86 : i32 to vector<1x5120xi32>
        %ge3A_92 = arith.cmpi sge, %get3A_5, %ge3A : vector<1x5120xi32>
        %and3A_93 = vector.broadcast %ge3A_92 : vector<1x5120xi1> to vector<64x5120xi1>
        %and3A_94 = arith.andi %eq3A_91, %and3A_93 : vector<64x5120xi1>
        %jit3A_95 = arith.constant 1.000000e+00 : f32
        %jit3A_96 = arith.constant 0.000000e+00 : f32
        %broadcast_in_dim3A_97 = vector.broadcast %jit3A_95 : f32 to vector<64x5120xf32>
        %broadcast_in_dim3A_98 = vector.broadcast %jit3A_96 : f32 to vector<64x5120xf32>
        %select_n3A_99 = arith.select %and3A_94, %broadcast_in_dim3A_97, %broadcast_in_dim3A_98 : vector<64x5120xi1>, vector<64x5120xf32>
        %get3A_100 = arith.constant 0 : index
        %get3A_101 = arith.constant 0 : index
        %get3A_102 = vector.load %arg11[%get3A_100, %get3A_101] : memref<64x5120xf32, #tpu.memory_space<vmem>>, vector<64x5120xf32>
        %get3A_103 = arith.index_cast %min3A_87 : i32 to index
        %get3A_104 = arith.constant 0 : index
        %get3A_105 = vector.load %arg10[%get3A_103, %get3A_104] : memref<1024x64xf32, #tpu.memory_space<vmem>>, vector<64x64xf32>
        %dot_general3A_106 = arith.constant dense<0.000000e+00> : vector<64x5120xf32>
        %dot_general3A_107 = tpu.matmul %get3A_105, %select_n3A_99, %dot_general3A_106 {dimension_numbers = #tpu.dot_dimension_numbers<[0], [0], [1], [1], [0, 1, 1, 1], [], []>, transpose_lhs_hint = true} : vector<64x64xf32>, vector<64x5120xf32>, vector<64x5120xf32> -> vector<64x5120xf32>
        %add3A_108 = arith.addf %get3A_102, %dot_general3A_107 : vector<64x5120xf32>
        %swap3A_109 = arith.constant 0 : index
        %swap3A_110 = arith.constant 0 : index
        %swap3A_111 = vector.load %arg11[%swap3A_109, %swap3A_110] : memref<64x5120xf32, #tpu.memory_space<vmem>>, vector<64x5120xf32>
        tpu.vector_store %arg11[%swap3A_109, %swap3A_110], %add3A_108 {strides = array<i32>} : memref<64x5120xf32, #tpu.memory_space<vmem>>, vector<64x5120xf32>,
      }
      %get3A_54 = arith.constant 0 : index
      %get3A_55 = arith.constant 0 : index
      %get3A_56 = vector.load %arg11[%get3A_54, %get3A_55] : memref<64x5120xf32, #tpu.memory_space<vmem>>, vector<64x5120xf32>
      %add3A_57 = arith.addf %dot_general3A_32, %get3A_56 : vector<64x5120xf32>
      %abs3A = math.absf %add3A_57 : vector<64x5120xf32>
      %mul3A = arith.constant -1.44269502 : f32
      %mul3A_58 = vector.broadcast %mul3A : f32 to vector<64x5120xf32>
      %mul3A_59 = arith.mulf %abs3A, %mul3A_58 : vector<64x5120xf32>
      %exp23A = math.exp2 %mul3A_59 : vector<64x5120xf32>
      %max3A = arith.constant 0.000000e+00 : f32
      %max3A_60 = vector.broadcast %max3A : f32 to vector<64x5120xf32>
      %max3A_61 = arith.maximumf %add3A_57, %max3A_60 : vector<64x5120xf32>
      %log1p3A = math.log1p %exp23A : vector<64x5120xf32>
      %add3A_62 = arith.addf %max3A_61, %log1p3A : vector<64x5120xf32>
      %get3A_63 = arith.constant 0 : index
      %get3A_64 = arith.constant 0 : index
      %get3A_65 = vector.load %arg8[%get3A_63, %get3A_64] : memref<1x64xf32, #tpu.memory_space<vmem>>, vector<1x64xf32>
      %dot_general3A_66 = arith.constant dense<0.000000e+00> : vector<1x5120xf32>
      %dot_general3A_67 = tpu.matmul %get3A_65, %add3A_62, %dot_general3A_66 {dimension_numbers = #tpu.dot_dimension_numbers<[1], [0], [0], [1], [0, 0, 1, 1], [], []>, transpose_lhs_hint = false} : vector<1x64xf32>, vector<64x5120xf32>, vector<1x5120xf32> -> vector<1x5120xf32>
      %iota3A_68 = tpu.iota {dimensions = array<i32: 1>} : vector<1x5120xi32>
      %mul3A_69 = arith.constant 5120 : i32
      %mul3A_70 = arith.muli %arg0, %mul3A_69 : i32
      %add3A_71 = vector.broadcast %mul3A_70 : i32 to vector<1x5120xi32>
      %add3A_72 = arith.addi %iota3A_68, %add3A_71 : vector<1x5120xi32>
      %lt3A = arith.constant 100000 : i32
      %lt3A_73 = vector.broadcast %lt3A : i32 to vector<1x5120xi32>
      %lt3A_74 = arith.cmpi slt, %add3A_72, %lt3A_73 : vector<1x5120xi32>
      %jit3A_75 = arith.constant -1.000000e+30 : f32
      %broadcast_in_dim3A_76 = vector.broadcast %jit3A_75 : f32 to vector<1x5120xf32>
      %select_n3A_77 = arith.select %lt3A_74, %dot_general3A_67, %broadcast_in_dim3A_76 : vector<1x5120xi1>, vector<1x5120xf32>
      %broadcast_in_dim3A_78 = vector.shape_cast %select_n3A_77 : vector<1x5120xf32> to vector<1x1x5120xf32>
      %swap3A_79 = arith.constant 0 : index
      %swap3A_80 = arith.constant 0 : index
      %swap3A_81 = arith.constant 0 : index
      %swap3A_82 = vector.load %arg9[%swap3A_79, %swap3A_80, %swap3A_81] : memref<1x1x5120xf32, #tpu.memory_space<vmem>>, vector<1x1x5120xf32>
      tpu.vector_store %arg9[%swap3A_79, %swap3A_80, %swap3A_81], %broadcast_in_dim3A_78 {strides = array<i32>} : memref<1x1x5120xf32, #tpu.memory_space<vmem>>, vector<1x1x5120xf32>,
    } else {
    }
    return
  }
  func.func @transform_0(%arg0: i32) -> (i32, i32) {
    %c0_i32 = arith.constant 0 : i32
    %c0_i32_0 = arith.constant 0 : i32
    return %c0_i32, %arg0 : i32, i32
  }
  func.func @transform_1(%arg0: i32) -> (i32, i32, i32) {
    %c0_i32 = arith.constant 0 : i32
    %c0_i32_0 = arith.constant 0 : i32
    %c0_i32_1 = arith.constant 0 : i32
    return %arg0, %c0_i32, %c0_i32_0 : i32, i32, i32
  }
  func.func @transform_2(%arg0: i32) -> (i32, i32) {
    %c0_i32 = arith.constant 0 : i32
    %c0_i32_0 = arith.constant 0 : i32
    %c0_i32_1 = arith.constant 0 : i32
    return %c0_i32, %c0_i32_0 : i32, i32
  }
  func.func @transform_3(%arg0: i32) -> (i32, i32) {
    %c0_i32 = arith.constant 0 : i32
    %c0_i32_0 = arith.constant 0 : i32
    %c0_i32_1 = arith.constant 0 : i32
    return %c0_i32, %c0_i32_0 : i32, i32
  }
  func.func @transform_4(%arg0: i32) -> (i32, i32) {
    %c0_i32 = arith.constant 0 : i32
    %c0_i32_0 = arith.constant 0 : i32
    %c0_i32_1 = arith.constant 0 : i32
    return %c0_i32, %c0_i32_0 : i32, i32
  }
  func.func @transform_5(%arg0: i32) -> (i32, i32) {
    %c0_i32 = arith.constant 0 : i32
    %c0_i32_0 = arith.constant 0 : i32
    %c0_i32_1 = arith.constant 0 : i32
    return %c0_i32, %c0_i32_0 : i32, i32
  }
  func.func @transform_6(%arg0: i32) -> (i32, i32) {
    %c0_i32 = arith.constant 0 : i32
    %c0_i32_0 = arith.constant 0 : i32
    %c0_i32_1 = arith.constant 0 : i32
    return %c0_i32, %c0_i32_0 : i32, i32
  }
  func.func @transform_7(%arg0: i32) -> (i32, i32) {
    %c0_i32 = arith.constant 0 : i32
    %c0_i32_0 = arith.constant 0 : i32
    %c0_i32_1 = arith.constant 0 : i32
    return %c0_i32, %c0_i32_0 : i32, i32
  }
  func.func @transform_8(%arg0: i32) -> (i32, i32, i32) {
    %c0_i32 = arith.constant 0 : i32
    %c0_i32_0 = arith.constant 0 : i32
    %c0_i32_1 = arith.constant 0 : i32
    return %arg0, %c0_i32, %c0_i32_0 : i32, i32, i32
  }
}

</mosaic_0001>

<sc_bundles>
// kernel: kernel.4.cloned.1.call-start
scs
__scs_entry_jumppad:
0x0: {  	(pc) =	sbr.rel $0x88, $3  }
0x1: {  	(tag) =	ssettag $0x0;
	lr =	simm.s32 $0x1  }
0x2: {  	[smem:$0x3F99] =	sst lr;
	_ =	strace $0xD0000000  }
0x3: {  	_ = 	snop  }
0x4: {  	_ = 	snop  }
0x5: {  	_ = 	snop  }
0x6: {  	_ = 	snop  }
0x7: {  	_ = 	snop  }
__scs_overlays_trampoline_lowered:
0x8: {  	[smem:$0x3FA8] =	sst s0  }
0x9: {  	[smem:$0x3FA9] =	sst s1  }
0xa: {  	[smem:$0x3FAA] =	sst s2  }
0xb: {  	[smem:$0x3FAB] =	sst s3  }
0xc: {  	[smem:$0x3FAC] =	sst s4  }
0xd: {  	[smem:$0x3FAD] =	sst s5  }
0xe: {  	[smem:$0x3FAE] =	sst s6  }
0xf: {  	[smem:$0x3FAF] =	sst s7  }
0x10: {  	[smem:$0x3FB0] =	sst s8  }
0x11: {  	[smem:$0x3FB1] =	sst s9;
	s0 =	simm.s32 @!p0 $0x0  }
0x12: {  	s1 =	sld [smem:$0x3F97];
	s0 =	simm.s32 @p0 $0x1  }
0x13: {  	[smem:$0x3FB2] =	sst s0;
	s0 =	simm.s32 @!p1 $0x0  }
0x14: {  	s2 =	sld [smem:$0x3F96];
	s0 =	simm.s32 @p1 $0x1  }
0x15: {  	[smem:$0x3FB3] =	sst s0;
	s0 =	simm.s32 @!p2 $0x0  }
0x16: {  	s3 =	sld [smem:$0x3FDB];
	s0 =	simm.s32 @p2 $0x1  }
0x17: {  	s4 =	simm.s32 $0x1BF5;
	[smem:$0x3FB5] =	sst s0  }
0x18: {  	s0 =	sld [smem:$0x3F98];
	_ =	swait.ge [sflag:s4], $0x0  }
0x19: {  	s7 =	sld [smem:$0x3F99]  }
0x1a: {  	s8 =	sadd.s32 $0xFFFFE003, lr  }
0x1b: {  	s9 =	sadd.s32 $0xFFFFFEF7, lr;
	s5 =	simm.s32 $0xFFFFFFFF;
	p2 =	slt.u32 s8, $0xFFFFF086  }
0x1c: {  	p1 =	slt.u32 s9, $0xF7A;
	s5 =	simm.s32 @!p2 $0x0  }
0x1d: {  	s5 =	simm.s32 @p1 $0x1;
	p0 =	seq.s32 s7, s2  }
0x1e: {  	s7 =	smul.u32 @!p0 $0xF7A, s2;
	p2 =	seq.s32 @!p0 s5, $0x0  }
0x1f: {  	s9 =	smul.u32 $0xF7A, s1;
	s8 =	simm.s32 @!p0 $0x1BF5;
	p2 =	por !p2, p0  }
0x20: {  	[sflag:s8] =	ssyncset.s32 @!p0 $0xFFFFF086;
	s6 =	sadd.s32 @!p0 s3, s7;
	s7 =	simm.s32 @!p0 $0x108  }
0x21: {  	s3 =	sadd.s32 s3, s9;
	s6 =	sadd.s32 @!p0 $0x88, s6;
	s7 =	simm.s32 @p2 $0x1082  }
0x22: {  	[simem:s7], [sflag:s8] =	dma.local @!p0 [hbm:s6], $0xF7A  }
0x23: {  	s9 =	sor.u32 $0xD0000000, s2;
	s6 =	simm.s32 $0x108;
	_ =	swait.ge @!p0 [sflag:s8], $0x0  }
0x24: {  	s3 =	sadd.s32 $0x88, s3;
	s6 =	simm.s32 @!p1 $0x1082;
	[sflag:s4] =	ssyncset.s32 $0xFFFFF086  }
0x25: {  	[simem:s6], [sflag:s4] =	dma.local [hbm:s3], $0xF7A  }
0x26: {  	[smem:$0x3F99] =	sst s1;
	(tag) =	ssettag s2;
	_ =	strace s9  }
0x27: {  	s1 =	sld [smem:$0x3FA9]  }
0x28: {  	s2 =	sld [smem:$0x3FAA]  }
0x29: {  	s4 =	sld [smem:$0x3FAC]  }
0x2a: {  	p0 =	seq.s32 s5, $0x0;
	s5 =	sld [smem:$0x3FAD]  }
0x2b: {  	s6 =	sld [smem:$0x3FAE]  }
0x2c: {  	s7 =	sld [smem:$0x3FAF]  }
0x2d: {  	s3 =	simm.s32 $0x108;
	s8 =	sld [smem:$0x3FB0]  }
0x2e: {  	s3 =	simm.s32 @!p0 $0x1082;
	s9 =	sld [smem:$0x3FB1]  }
0x2f: {  	lr =	sadd.s32 s0, s3;
	s0 =	sld [smem:$0x3FA8]  }
0x30: {  	s3 =	sld [smem:$0x3FAB]  }
0x31: {  	[smem:$0x3FB4] =	sst s10  }
0x32: {  	s10 =	sld [smem:$0x3FB2];
	_ =	sdelay $0x3  }
0x33: {  	p0 =	seq.s32 s10, $0x1;
	s10 =	sld [smem:$0x3FB4];
	_ =	sdelay $0x3  }
0x34: {  	[smem:$0x3FB4] =	sst s10  }
0x35: {  	s10 =	sld [smem:$0x3FB3];
	_ =	sdelay $0x3  }
0x36: {  	p1 =	seq.s32 s10, $0x1;
	s10 =	sld [smem:$0x3FB4];
	_ =	sdelay $0x3  }
0x37: {  	[smem:$0x3FB4] =	sst s10  }
0x38: {  	s10 =	sld [smem:$0x3FB5]  }
0x39: {  	_ = 	snop;
	(pc) =	sbr.ind lr, $3  }
0x3a: {  	_ = 	snop  }
0x3b: {  	_ = 	snop  }
0x3c: {  	p2 =	seq.s32 s10, $0x1;
	s10 =	sld [smem:$0x3FB4]  }
0x3d: {  	_ =	shalt  }
0x3e: {  	_ =	shalt  }
0x3f: {  	_ =	shalt  }
0x40: {  	_ =	shalt  }
0x41: {  	_ =	shalt  }
0x42: {  	_ =	shalt  }
0x43: {  	_ =	shalt  }
0x44: {  	_ =	shalt  }
0x45: {  	_ =	shalt  }
0x46: {  	_ =	shalt  }
0x47: {  	_ =	shalt  }
0x48: {  	_ =	shalt  }
0x49: {  	_ =	shalt  }
0x4a: {  	_ =	shalt  }
0x4b: {  	_ =	shalt  }
0x4c: {  	_ =	shalt  }
0x4d: {  	_ =	shalt  }
0x4e: {  	_ =	shalt  }
0x4f: {  	_ =	shalt  }
0x50: {  	_ =	shalt  }
0x51: {  	_ =	shalt  }
0x52: {  	_ =	shalt  }
0x53: {  	_ =	shalt  }
0x54: {  	_ =	shalt  }
0x55: {  	_ =	shalt  }
0x56: {  	_ =	shalt  }
0x57: {  	_ =	shalt  }
0x58: {  	_ =	shalt  }
0x59: {  	_ =	shalt  }
0x5a: {  	_ =	shalt  }
0x5b: {  	_ =	shalt  }
0x5c: {  	_ =	shalt  }
0x5d: {  	_ =	shalt  }
0x5e: {  	_ =	shalt  }
0x5f: {  	_ =	shalt  }
0x60: {  	_ =	shalt  }
0x61: {  	_ =	shalt  }
0x62: {  	_ =	shalt  }
0x63: {  	_ =	shalt  }
0x64: {  	_ =	shalt  }
0x65: {  	_ =	shalt  }
0x66: {  	_ =	shalt  }
0x67: {  	_ =	shalt  }
0x68: {  	_ =	shalt  }
0x69: {  	_ =	shalt  }
0x6a: {  	_ =	shalt  }
0x6b: {  	_ =	shalt  }
0x6c: {  	_ =	shalt  }
0x6d: {  	_ =	shalt  }
0x6e: {  	_ =	shalt  }
0x6f: {  	_ =	shalt  }
0x70: {  	_ =	shalt  }
0x71: {  	_ =	shalt  }
0x72: {  	_ =	shalt  }
0x73: {  	_ =	shalt  }
0x74: {  	_ =	shalt  }
0x75: {  	_ =	shalt  }
0x76: {  	_ =	shalt  }
0x77: {  	_ =	shalt  }
0x78: {  	_ =	shalt  }
0x79: {  	_ =	shalt  }
0x7a: {  	_ =	shalt  }
0x7b: {  	_ =	shalt  }
0x7c: {  	_ =	shalt  }
0x7d: {  	_ =	shalt  }
0x7e: {  	_ =	shalt  }
0x7f: {  	_ =	shalt  }
0x80: {  	_ =	shalt  }
0x81: {  	_ =	shalt  }
0x82: {  	_ =	shalt  }
0x83: {  	_ =	shalt  }
0x84: {  	_ =	shalt  }
0x85: {  	_ =	shalt  }
0x86: {  	_ =	shalt  }
0x87: {  	_ =	shalt  }
.Lfunc_end0:
.L_simem_size_0:
called_computation_lowered:
.L_overlay_start_0:
0x88: {  	s2 =	sld [smem:$0x3FD9]  }
0x89: {  	s3 =	sld [smem:$0x3FFE];
	_ =	sdelay $0x1  }
0x8a: {  	s1 =	srdreg.scid  }
0x8b: {  	s0 =	sand.u32 $0x1, s1  }
0x8c: {  	s16 =	sshll.u32 s0, $0xA;
	s2 =	sadd.s32 s3, s2  }
0x8d: {  	s2 =	sadd.s32 s2, s16  }
0x8e: {  	[smem:$0x3FC0] =	sst s2  }
0x8f: {  	_ = 	snop  }
0x90: {  	(tm) =	ssettm $0x1  }
0x91: {  	s17 =	sld [smem:$0x3FFB];
	_ =	sdelay $0x3  }
0x92: {  	_ =	strace s17  }
0x93: {  	s2 =	sld [smem:$0x3FFC];
	_ =	sdelay $0x3  }
0x94: {  	_ =	strace s2  }
0x95: {  	s2 =	sld [smem:$0x3FFD];
	_ =	sdelay $0x3  }
0x96: {  	_ =	strace s2  }
0x97: {  	_ =	strace $0x8FFFFFFF  }
0x98: {  	s18 =	sld [smem:$0x3FDB];
	_ =	sdelay $0x1  }
0x99: {  	s19 =	simm.s32 $_scs_section_size  }
0x9a: {  	s4 =	simm.s32 $_size__tile_overlayer_lowered;
	s5 =	simm.s32 $_tile_overlayer_lowered  }
0x9b: {  	s22 =	simm.s32 $0x1BFF;
	s21 =	sshll.u32 s5, $0x1;
	s2 =	sadd.s32 s19, s18  }
0x9c: {  	s6 =	simm.s32 $0x0;
	s20 =	sshll.u32 s4, $0x1;
	s4 =	sadd.s32 s21, s2  }
0x9d: {  	[timem:s6], [sflag:s22] =	dma.local [hbm:s4], s20  }
0x9e: {  	_ =	swait.ge [sflag:s22], s20  }
0x9f: {  	s3 =	ssub.s32 $0x0, s20;
	[sflag:s22] =	ssyncset.done $0x0  }
0xa0: {  	[sflag:s22] =	ssyncadd.s32 s3;
	_ =	sdelay $0x1  }
0xa1: {  	s23 =	simm.s32 $0x1B8B  }
0xa2: {  	_ =	swait.ge [sflag:s23], $0x1  }
0xa3: {  	[sflag:s23] =	ssyncset.done $0x0  }
0xa4: {  	s25 =	simm.s32 $0x1B8E;
	s24 =	sld [smem:$0x3FFE];
	[sflag:s23] =	ssyncadd.s32 $0xFFFFFFFF  }
0xa5: {  	s26 =	simm.s32 $execute0_lowered;
	[smem:$0x3FD2] =	sst s25  }
0xa6: {  	s4 =	sshll.u32 s26, $0x1;
	_ =	strace $0x80000046;
	[dreg:$0x1] =	wrdreg $0xFFFFFFFF  }
0xa7: {  	s28 =	simm.s32 $_size_execute0_lowered;
	s2 =	sadd.s32 s2, s4;
	[dreg:$0x0] =	wrdreg $0x0  }
0xa8: {  	s4 =	sshll.u32 s28, $0x1;
	[dreg:$0x2] =	wrdreg s2  }
0xa9: {  	[dreg:$0x3] =	wrdreg s4  }
0xaa: {  	[dreg:$0x4] =	wrdreg $0xC0  }
0xab: {  	_ =	task [dreg:s6], $0x5FFFF  }
0xac: {  	[dreg:$0x1] =	wrdreg $0xFFFFFFFF  }
0xad: {  	[dreg:$0x0] =	wrdreg $0x60  }
0xae: {  	[dreg:$0x2] =	wrdreg s24  }
0xaf: {  	[dreg:$0x3] =	wrdreg $0x87000  }
0xb0: {  	[dreg:$0x4] =	wrdreg $0x9  }
0xb1: {  	_ =	task.clear_ibuf [dreg:s6], $0x5FFFF;
	_ =	strace $0x90000046  }
0xb2: {  	s29 =	simm.s32 $0x9;
	_ =	strace $0x80000048  }
0xb3: {  	_ =	swait.ge [sflag:s29], $0x1  }
0xb4: {  	[sflag:s29] =	ssyncadd.s32 $0xFFFFFFFF  }
0xb5: {  	_ =	strace $0x90000048  }
0xb6: {  	_ =	sfence  }
0xb7: {  	s30 =	sld [smem:$0x0];
	_ =	sdelay $0x2  }
0xb8: {  	s31 =	sshll.u32 s1, $0xD;
	s1 =	sshrl.u32 s1, $0x2  }
0xb9: {  	s3 =	sand.u32 $0x4000, s31;
	s1 =	sadd.s32 s1, s30  }
0xba: {  	s0 =	sor.u32 s3, s0;
	s1 =	sshll.u32 s1, $0x11  }
0xbb: {  	s0 =	sor.u32 s1, s0  }
0xbc: {  	s0 =	sadd.s32 $0x8F2B, s0  }
0xbd: {  	[sflag:s0] =	ssyncadd.remote.s32 $0x1  }
0xbe: {  	_ =	sfence.sel $0xFFFF  }
0xbf: {  	[dreg:$0x0] =	wrdreg $0xFFFFFFFF;
	(pc) =	sbr.abs _section_cstart, $3  }
0xc0: {  	[dreg:$0x1] =	wrdreg $0xFFFFFFFF  }
0xc1: {  	_ =	task.clear_ibuf [dreg:s6], $0x2FFFF;
	_ =	strace $0x9FFFFFFF  }
0xc2: {  	(tm) =	ssettm $0x7FFFFFFF  }
0xc3: {  	_ =	shalt  }
tec
execute0_lowered:
.L_overlay_start_1:
0x0: {  	(tag) =	ssettag $0x1  }
0x1: {  	s0 =	rddreg [dreg:$0x0]  }
0x2: {  	s7 =	rddreg [dreg:$0x1];
	s1 =	srdreg.scid  }
0x3: {  	s6 =	stileid.u32;
	s8 =	simm.s32 $0x0;
	s1 =	sand.u32 $0x1, s1  }
0x4: {  	s2 =	sshll.u32 s6, $0x1;
	s3 =	smul.u32 $0x320, s6;
	[smem:$0x7FF] =	sst s8  }
0x5: {  	s25 =	sshll.u32 s6, $0xA;
	s26 =	sshll.u32 s6, $0x6;
	s28 =	sadd.s32 $0x4000, s7  }
0x6: {  	s2 =	sor.u32 s1, s2;
	_ =	strace $0x80000047;
	[dreg:$0x6] =	wrdreg s26  }
0x7: {  	s4 =	ssub.s32 $0x2, s1;
	s29 =	sadd.s32 s25, s7;
	[dreg:$0x7] =	wrdreg s28  }
0x8: {  	s30 =	sadd.s32 s26, s28;
	s19 =	smul.u32 $0xC80, s1;
	s1 =	simm.s32 $0x0  }
0x9: {  	s2 =	smul.u32 $0x190, s2;
	s3 =	sadd.s32 s3, s0;
	[dreg:$0x9] =	wrdreg s29  }
0xa: {  	s5 =	sshrl.u32 s4, $0x1;
	[dreg:$0xa] =	wrdreg s30;
	s24 =	sadd.s32 $0x4400, s3  }
0xb: {  	s23 =	ssub.s32 s4, s5;
	s3 =	sadd.s32 $0x1200, s3;
	[dreg:$0x5] =	wrdreg s24  }
0xc: {  	s0 =	sadd.s32 s2, s0;
	[dreg:$0x8] =	wrdreg s3;
	s31 =	smax.u32 s23, $0x1  }
0xd: {  	s4 =	simm.s32 $0x2;
	s0 =	sadd.s32 $0x7600, s0;
	[dreg:$0xc] =	wrdreg s31  }
0xe: {  	v0 =	vimm.f32 $0.0e+00;
	v1 =	vimm.f32 $1.000000020e-16;
	s3 =	simm.s32 $0x3200;
	s23 =	simm.s32 $0x7600;
	[dreg:$0xb] =	wrdreg s0  }
.LBB2_1:
0xf: {  	[dreg:$0xd] =	wrdreg s1  }
0x10: {  	s0 =	rddreg [dreg:$0x5]  }
0x11: {  	[tilespmem:s8], [sflag:$0x1] =	stream.linear.gather [hbm4b:s0+s8], $0x1900, $0x38;
	[tilespmem:$0x8B40] =	vst v63  }
0x12: {  	s29 =	rddreg [dreg:$0x8];
	s30 =	simm.s32 $0x1900;
	s31 =	simm.s32 $0x1  }
0x13: {  	[tilespmem:s30], [sflag:$0x1] =	stream.linear.gather [hbm4b:s29+s8], $0x1900, $0x38;
	[tilespmem:$0x8B40] =	vst v63  }
0x14: {  	_ =	swait.ge [sflag:s31], $0x1900  }
0x15: {  	[sflag:s31] =	ssyncset.done $0x0  }
0x16: {  	[sflag:s31] =	ssyncadd.s32 $0xFFFFE700  }
0x17: {  	_ =	swait.ge [sflag:s31], $0x1900  }
0x18: {  	[sflag:s31] =	ssyncset.done $0x0  }
0x19: {  	[sflag:s31] =	ssyncadd.s32 $0xFFFFE700  }
0x1a: {  	[tilespmem:$0x3200] =	vst v0  }
0x1b: {  	[tilespmem:$0x3210] =	vst v0  }
0x1c: {  	[tilespmem:$0x3220] =	vst v0  }
0x1d: {  	[tilespmem:$0x3230] =	vst v0  }
0x1e: {  	[tilespmem:$0x3240] =	vst v0  }
0x1f: {  	[tilespmem:$0x3250] =	vst v0  }
0x20: {  	[tilespmem:$0x3260] =	vst v0  }
0x21: {  	[tilespmem:$0x3270] =	vst v0  }
0x22: {  	[tilespmem:$0x3280] =	vst v0  }
0x23: {  	[tilespmem:$0x3290] =	vst v0  }
0x24: {  	[tilespmem:$0x32A0] =	vst v0  }
0x25: {  	[tilespmem:$0x32B0] =	vst v0  }
0x26: {  	[tilespmem:$0x32C0] =	vst v0  }
0x27: {  	[tilespmem:$0x32D0] =	vst v0  }
0x28: {  	[tilespmem:$0x32E0] =	vst v0  }
0x29: {  	[tilespmem:$0x32F0] =	vst v0  }
0x2a: {  	[tilespmem:$0x3300] =	vst v0  }
0x2b: {  	[tilespmem:$0x3310] =	vst v0  }
0x2c: {  	[tilespmem:$0x3320] =	vst v0  }
0x2d: {  	[tilespmem:$0x3330] =	vst v0  }
0x2e: {  	[tilespmem:$0x3340] =	vst v0  }
0x2f: {  	[tilespmem:$0x3350] =	vst v0  }
0x30: {  	[tilespmem:$0x3360] =	vst v0  }
0x31: {  	[tilespmem:$0x3370] =	vst v0  }
0x32: {  	[tilespmem:$0x3380] =	vst v0  }
0x33: {  	[tilespmem:$0x3390] =	vst v0  }
0x34: {  	[tilespmem:$0x33A0] =	vst v0  }
0x35: {  	[tilespmem:$0x33B0] =	vst v0  }
0x36: {  	[tilespmem:$0x33C0] =	vst v0  }
0x37: {  	[tilespmem:$0x33D0] =	vst v0  }
0x38: {  	[tilespmem:$0x33E0] =	vst v0  }
0x39: {  	[tilespmem:$0x33F0] =	vst v0  }
0x3a: {  	[tilespmem:$0x3400] =	vst v0  }
0x3b: {  	[tilespmem:$0x3410] =	vst v0  }
0x3c: {  	[tilespmem:$0x3420] =	vst v0  }
0x3d: {  	[tilespmem:$0x3430] =	vst v0  }
0x3e: {  	[tilespmem:$0x3440] =	vst v0  }
0x3f: {  	[tilespmem:$0x3450] =	vst v0  }
0x40: {  	[tilespmem:$0x3460] =	vst v0  }
0x41: {  	[tilespmem:$0x3470] =	vst v0  }
0x42: {  	[tilespmem:$0x3480] =	vst v0  }
0x43: {  	[tilespmem:$0x3490] =	vst v0  }
0x44: {  	[tilespmem:$0x34A0] =	vst v0  }
0x45: {  	[tilespmem:$0x34B0] =	vst v0  }
0x46: {  	[tilespmem:$0x34C0] =	vst v0  }
0x47: {  	[tilespmem:$0x34D0] =	vst v0  }
0x48: {  	[tilespmem:$0x34E0] =	vst v0  }
0x49: {  	[tilespmem:$0x34F0] =	vst v0  }
0x4a: {  	[tilespmem:$0x3500] =	vst v0  }
0x4b: {  	[tilespmem:$0x3510] =	vst v0  }
0x4c: {  	[tilespmem:$0x3520] =	vst v0  }
0x4d: {  	[tilespmem:$0x3530] =	vst v0  }
0x4e: {  	[tilespmem:$0x3540] =	vst v0  }
0x4f: {  	[tilespmem:$0x3550] =	vst v0  }
0x50: {  	[tilespmem:$0x3560] =	vst v0  }
0x51: {  	[tilespmem:$0x3570] =	vst v0  }
0x52: {  	[tilespmem:$0x3580] =	vst v0  }
0x53: {  	[tilespmem:$0x3590] =	vst v0  }
0x54: {  	[tilespmem:$0x35A0] =	vst v0  }
0x55: {  	[tilespmem:$0x35B0] =	vst v0  }
0x56: {  	[tilespmem:$0x35C0] =	vst v0  }
0x57: {  	[tilespmem:$0x35D0] =	vst v0  }
0x58: {  	[tilespmem:$0x35E0] =	vst v0  }
0x59: {  	s2 =	simm.s32 $0x0;
	[tilespmem:$0x35F0] =	vst v0  }
0x5a: {  	v2 =	vld [tilespmem:s2+$0x0];
	_ =	sdelay $0x4  }
0x5b: {  	v2 =	vmul.f32 $1.442695020e+00, v2;
	_ =	sdelay $0x1  }
0x5c: {  	(erf) = vpow2.f32 v2;
	_ =	sdelay $0x2  }
0x5d: {  	v2 =	vld [tilespmem:s2+$0x1900];
	_ =	sdelay $0x5  }
0x5e: {  	v3 =	vpop (erf)  }
0x5f: {  	[tilespmem:s2+$0x0] =	vst v3  }
0x60: {  	[tilespmem:v2+s3+$0x0] =	vst.idx.add.f32.msk $0xffff, v3  }
0x61: {  	v2 =	vld [tilespmem:s2+$0x10];
	_ =	sdelay $0x4  }
0x62: {  	v2 =	vmul.f32 $1.442695020e+00, v2;
	_ =	sdelay $0x1  }
0x63: {  	(erf) = vpow2.f32 v2;
	_ =	sdelay $0x2  }
0x64: {  	v2 =	vld [tilespmem:s2+$0x1910];
	_ =	sdelay $0x5  }
0x65: {  	v3 =	vpop (erf)  }
0x66: {  	[tilespmem:s2+$0x10] =	vst v3  }
0x67: {  	[tilespmem:v2+s3+$0x0] =	vst.idx.add.f32.msk $0xffff, v3  }
0x68: {  	v2 =	vld [tilespmem:s2+$0x20];
	_ =	sdelay $0x4  }
0x69: {  	v2 =	vmul.f32 $1.442695020e+00, v2;
	_ =	sdelay $0x1  }
0x6a: {  	(erf) = vpow2.f32 v2;
	_ =	sdelay $0x2  }
0x6b: {  	v2 =	vld [tilespmem:s2+$0x1920];
	_ =	sdelay $0x5  }
0x6c: {  	v3 =	vpop (erf)  }
0x6d: {  	[tilespmem:s2+$0x20] =	vst v3  }
0x6e: {  	[tilespmem:v2+s3+$0x0] =	vst.idx.add.f32.msk $0xffff, v3  }
0x6f: {  	v2 =	vld [tilespmem:s2+$0x30];
	_ =	sdelay $0x4  }
0x70: {  	v2 =	vmul.f32 $1.442695020e+00, v2;
	_ =	sdelay $0x1  }
0x71: {  	(erf) = vpow2.f32 v2;
	_ =	sdelay $0x3  }
0x72: {  	v2 =	vld [tilespmem:s2+$0x1930];
	_ =	sdelay $0x4  }
0x73: {  	v3 =	vpop (erf)  }
0x74: {  	s1 =	simm.s32 $0x200;
	s0 =	simm.s32 $0x100;
	[tilespmem:s2+$0x30] =	vst v3  }
.LBB2_2:
0x75: {  	p0 =	sne.s32 s1, $0x6300  }
0x76: {  	s2 =	sshra.s32 s0, $0x2;
	[tilespmem:v2+s3+$0x0] =	vst.idx.add.f32.msk $0xffff, v3;
	s0 =	smov.u32 s1;
	s1 =	sadd.s32 $0x100, s1  }
0x77: {  	v2 =	vld [tilespmem:s2+$0x0];
	_ =	sdelay $0x4  }
0x78: {  	v2 =	vmul.f32 $1.442695020e+00, v2;
	_ =	sdelay $0x1  }
0x79: {  	(erf) = vpow2.f32 v2;
	_ =	sdelay $0x2  }
0x7a: {  	v2 =	vld [tilespmem:s2+$0x1900];
	_ =	sdelay $0x5  }
0x7b: {  	v3 =	vpop (erf)  }
0x7c: {  	[tilespmem:s2+$0x0] =	vst v3  }
0x7d: {  	[tilespmem:v2+s3+$0x0] =	vst.idx.add.f32.msk $0xffff, v3  }
0x7e: {  	v2 =	vld [tilespmem:s2+$0x10];
	_ =	sdelay $0x4  }
0x7f: {  	v2 =	vmul.f32 $1.442695020e+00, v2;
	_ =	sdelay $0x1  }
0x80: {  	(erf) = vpow2.f32 v2;
	_ =	sdelay $0x2  }
0x81: {  	v2 =	vld [tilespmem:s2+$0x1910];
	_ =	sdelay $0x5  }
0x82: {  	v3 =	vpop (erf)  }
0x83: {  	[tilespmem:s2+$0x10] =	vst v3  }
0x84: {  	[tilespmem:v2+s3+$0x0] =	vst.idx.add.f32.msk $0xffff, v3  }
0x85: {  	v2 =	vld [tilespmem:s2+$0x20];
	_ =	sdelay $0x4  }
0x86: {  	v2 =	vmul.f32 $1.442695020e+00, v2;
	_ =	sdelay $0x1  }
0x87: {  	(erf) = vpow2.f32 v2;
	_ =	sdelay $0x2  }
0x88: {  	v2 =	vld [tilespmem:s2+$0x1920];
	_ =	sdelay $0x5  }
0x89: {  	v3 =	vpop (erf)  }
0x8a: {  	[tilespmem:s2+$0x20] =	vst v3  }
0x8b: {  	[tilespmem:v2+s3+$0x0] =	vst.idx.add.f32.msk $0xffff, v3  }
0x8c: {  	v3 =	vld [tilespmem:s2+$0x30]  }
0x8d: {  	v2 =	vld [tilespmem:s2+$0x1930];
	_ =	sdelay $0x3  }
0x8e: {  	v3 =	vmul.f32 $1.442695020e+00, v3;
	_ =	sdelay $0x1  }
0x8f: {  	(erf) = vpow2.f32 v3;
	_ =	sdelay $0x5  }
.Ltmp0:
0x90: {  	(pc) =	sbr.rel @p0 .LBB2_2-.Ltmp0, $3  }
0x91: {  	_ =	sdelay $0x1  }
0x92: {  	v3 =	vpop (erf)  }
0x93: {  	[tilespmem:s2+$0x30] =	vst v3  }
0x94: {  	_ =	sdelay $0x3  }
0x95: {  	s0 =	sshra.s32 s0, $0x2;
	[tilespmem:v2+s3+$0x0] =	vst.idx.add.f32.msk $0xffff, v3  }
0x96: {  	v2 =	vld [tilespmem:s0+$0x0];
	_ =	sdelay $0x4  }
0x97: {  	v2 =	vmul.f32 $1.442695020e+00, v2;
	_ =	sdelay $0x1  }
0x98: {  	(erf) = vpow2.f32 v2;
	_ =	sdelay $0x2  }
0x99: {  	v2 =	vld [tilespmem:s0+$0x1900];
	_ =	sdelay $0x5  }
0x9a: {  	v3 =	vpop (erf)  }
0x9b: {  	[tilespmem:s0+$0x0] =	vst v3  }
0x9c: {  	[tilespmem:v2+s3+$0x0] =	vst.idx.add.f32.msk $0xffff, v3  }
0x9d: {  	v2 =	vld [tilespmem:s0+$0x10];
	_ =	sdelay $0x4  }
0x9e: {  	v2 =	vmul.f32 $1.442695020e+00, v2;
	_ =	sdelay $0x1  }
0x9f: {  	(erf) = vpow2.f32 v2;
	_ =	sdelay $0x2  }
0xa0: {  	v2 =	vld [tilespmem:s0+$0x1910];
	_ =	sdelay $0x5  }
0xa1: {  	v3 =	vpop (erf)  }
0xa2: {  	[tilespmem:s0+$0x10] =	vst v3  }
0xa3: {  	[tilespmem:v2+s3+$0x0] =	vst.idx.add.f32.msk $0xffff, v3  }
0xa4: {  	v2 =	vld [tilespmem:s0+$0x20];
	_ =	sdelay $0x4  }
0xa5: {  	v2 =	vmul.f32 $1.442695020e+00, v2;
	_ =	sdelay $0x1  }
0xa6: {  	(erf) = vpow2.f32 v2;
	_ =	sdelay $0x2  }
0xa7: {  	v2 =	vld [tilespmem:s0+$0x1920];
	_ =	sdelay $0x5  }
0xa8: {  	v3 =	vpop (erf)  }
0xa9: {  	[tilespmem:s0+$0x20] =	vst v3  }
0xaa: {  	[tilespmem:v2+s3+$0x0] =	vst.idx.add.f32.msk $0xffff, v3  }
0xab: {  	v2 =	vld [tilespmem:s0+$0x30];
	_ =	sdelay $0x4  }
0xac: {  	v2 =	vmul.f32 $1.442695020e+00, v2;
	_ =	sdelay $0x1  }
0xad: {  	(erf) = vpow2.f32 v2;
	_ =	sdelay $0x2  }
0xae: {  	v2 =	vld [tilespmem:s0+$0x1930];
	_ =	sdelay $0x5  }
0xaf: {  	v3 =	vpop (erf)  }
0xb0: {  	[tilespmem:s0+$0x30] =	vst v3  }
0xb1: {  	s12 =	rddreg [dreg:$0x9];
	[tilespmem:v2+s3+$0x0] =	vst.idx.add.f32.msk $0xffff, v3  }
0xb2: {  	[spmem:s12] =	stream.linear.scatter [tilespmem:s3], [sflag:$0x2], $0x400, $0x38;
	[tilespmem:$0x8B40] =	vst v63  }
0xb3: {  	_ =	swait.ge [sflag:s4], $0x400  }
0xb4: {  	[sflag:s4] =	ssyncset.done $0x0  }
0xb5: {  	[sflag:s4] =	ssyncadd.s32 $0xFFFFFC00  }
0xb6: {  	[bflag:$0x0] =	sbarrier.arrive $0xFFFF  }
0xb7: {  	s1 =	simm.s32 $0x3600;
	s13 =	rddreg [dreg:$0x1]  }
0xb8: {  	[tilespmem:s1], [sflag:$0x2] =	stream.linear.gather [spmem:s13], $0x4000, $0x38;
	[tilespmem:$0x8B40] =	vst v63  }
0xb9: {  	_ =	swait.ge [sflag:s4], $0x4000  }
0xba: {  	[sflag:s4] =	ssyncset.done $0x0  }
0xbb: {  	[sflag:s4] =	ssyncadd.s32 $0xFFFFC000  }
0xbc: {  	[tilespmem:$0x8680] =	vst v1  }
0xbd: {  	[tilespmem:$0x8690] =	vst v1  }
0xbe: {  	[tilespmem:$0x86A0] =	vst v1  }
0xbf: {  	s14 =	rddreg [dreg:$0x6];
	[tilespmem:$0x86B0] =	vst v1  }
0xc0: {  	v2 =	vld [tilespmem:s14+$0x3600];
	_ =	sdelay $0x4  }
0xc1: {  	v2 =	vadd.f32 $1.000000020e-16, v2;
	_ =	sdelay $0x1  }
0xc2: {  	[tilespmem:$0x8680] =	vst v2  }
0xc3: {  	v3 =	vld [tilespmem:s14+$0x3610];
	_ =	sdelay $0x4  }
0xc4: {  	v3 =	vadd.f32 $1.000000020e-16, v3;
	_ =	sdelay $0x1  }
0xc5: {  	[tilespmem:$0x8690] =	vst v3  }
0xc6: {  	v4 =	vld [tilespmem:s14+$0x3620];
	_ =	sdelay $0x4  }
0xc7: {  	v4 =	vadd.f32 $1.000000020e-16, v4;
	_ =	sdelay $0x1  }
0xc8: {  	[tilespmem:$0x86A0] =	vst v4  }
0xc9: {  	v5 =	vld [tilespmem:s14+$0x3630];
	_ =	sdelay $0x4  }
0xca: {  	v5 =	vadd.f32 $1.000000020e-16, v5;
	_ =	sdelay $0x1  }
0xcb: {  	[tilespmem:$0x86B0] =	vst v5  }
0xcc: {  	v6 =	vld [tilespmem:s14+$0x3A00];
	_ =	sdelay $0x4  }
0xcd: {  	v2 =	vadd.f32 v6, v2;
	_ =	sdelay $0x1  }
0xce: {  	[tilespmem:$0x8680] =	vst v2  }
0xcf: {  	v6 =	vld [tilespmem:s14+$0x3A10];
	_ =	sdelay $0x4  }
0xd0: {  	v3 =	vadd.f32 v6, v3;
	_ =	sdelay $0x1  }
0xd1: {  	[tilespmem:$0x8690] =	vst v3  }
0xd2: {  	v6 =	vld [tilespmem:s14+$0x3A20];
	_ =	sdelay $0x4  }
0xd3: {  	v4 =	vadd.f32 v6, v4;
	_ =	sdelay $0x1  }
0xd4: {  	[tilespmem:$0x86A0] =	vst v4  }
0xd5: {  	v6 =	vld [tilespmem:s14+$0x3A30];
	_ =	sdelay $0x4  }
0xd6: {  	v5 =	vadd.f32 v6, v5;
	_ =	sdelay $0x1  }
0xd7: {  	[tilespmem:$0x86B0] =	vst v5  }
0xd8: {  	v6 =	vld [tilespmem:s14+$0x3E00];
	_ =	sdelay $0x4  }
0xd9: {  	v2 =	vadd.f32 v6, v2;
	_ =	sdelay $0x1  }
0xda: {  	[tilespmem:$0x8680] =	vst v2  }
0xdb: {  	v6 =	vld [tilespmem:s14+$0x3E10];
	_ =	sdelay $0x4  }
0xdc: {  	v3 =	vadd.f32 v6, v3;
	_ =	sdelay $0x1  }
0xdd: {  	[tilespmem:$0x8690] =	vst v3  }
0xde: {  	v6 =	vld [tilespmem:s14+$0x3E20];
	_ =	sdelay $0x4  }
0xdf: {  	v4 =	vadd.f32 v6, v4;
	_ =	sdelay $0x1  }
0xe0: {  	[tilespmem:$0x86A0] =	vst v4  }
0xe1: {  	v6 =	vld [tilespmem:s14+$0x3E30];
	_ =	sdelay $0x4  }
0xe2: {  	v5 =	vadd.f32 v6, v5;
	_ =	sdelay $0x1  }
0xe3: {  	[tilespmem:$0x86B0] =	vst v5  }
0xe4: {  	v6 =	vld [tilespmem:s14+$0x4200];
	_ =	sdelay $0x4  }
0xe5: {  	v2 =	vadd.f32 v6, v2;
	_ =	sdelay $0x1  }
0xe6: {  	[tilespmem:$0x8680] =	vst v2  }
0xe7: {  	v6 =	vld [tilespmem:s14+$0x4210];
	_ =	sdelay $0x4  }
0xe8: {  	v3 =	vadd.f32 v6, v3;
	_ =	sdelay $0x1  }
0xe9: {  	[tilespmem:$0x8690] =	vst v3  }
0xea: {  	v6 =	vld [tilespmem:s14+$0x4220];
	_ =	sdelay $0x4  }
0xeb: {  	v4 =	vadd.f32 v6, v4;
	_ =	sdelay $0x1  }
0xec: {  	[tilespmem:$0x86A0] =	vst v4  }
0xed: {  	v6 =	vld [tilespmem:s14+$0x4230];
	_ =	sdelay $0x4  }
0xee: {  	v5 =	vadd.f32 v6, v5;
	_ =	sdelay $0x1  }
0xef: {  	[tilespmem:$0x86B0] =	vst v5  }
0xf0: {  	v6 =	vld [tilespmem:s14+$0x4600];
	_ =	sdelay $0x4  }
0xf1: {  	v2 =	vadd.f32 v6, v2;
	_ =	sdelay $0x1  }
0xf2: {  	[tilespmem:$0x8680] =	vst v2  }
0xf3: {  	v6 =	vld [tilespmem:s14+$0x4610];
	_ =	sdelay $0x4  }
0xf4: {  	v3 =	vadd.f32 v6, v3;
	_ =	sdelay $0x1  }
0xf5: {  	[tilespmem:$0x8690] =	vst v3  }
0xf6: {  	v6 =	vld [tilespmem:s14+$0x4620];
	_ =	sdelay $0x4  }
0xf7: {  	v4 =	vadd.f32 v6, v4;
	_ =	sdelay $0x1  }
0xf8: {  	[tilespmem:$0x86A0] =	vst v4  }
0xf9: {  	v6 =	vld [tilespmem:s14+$0x4630];
	_ =	sdelay $0x4  }
0xfa: {  	v5 =	vadd.f32 v6, v5;
	_ =	sdelay $0x1  }
0xfb: {  	[tilespmem:$0x86B0] =	vst v5  }
0xfc: {  	v6 =	vld [tilespmem:s14+$0x4A00];
	_ =	sdelay $0x4  }
0xfd: {  	v2 =	vadd.f32 v6, v2;
	_ =	sdelay $0x1  }
0xfe: {  	[tilespmem:$0x8680] =	vst v2  }
0xff: {  	v6 =	vld [tilespmem:s14+$0x4A10];
	_ =	sdelay $0x4  }
0x100: {  	v3 =	vadd.f32 v6, v3;
	_ =	sdelay $0x1  }
0x101: {  	[tilespmem:$0x8690] =	vst v3  }
0x102: {  	v6 =	vld [tilespmem:s14+$0x4A20];
	_ =	sdelay $0x4  }
0x103: {  	v4 =	vadd.f32 v6, v4;
	_ =	sdelay $0x1  }
0x104: {  	[tilespmem:$0x86A0] =	vst v4  }
0x105: {  	v6 =	vld [tilespmem:s14+$0x4A30];
	_ =	sdelay $0x4  }
0x106: {  	v5 =	vadd.f32 v6, v5;
	_ =	sdelay $0x1  }
0x107: {  	[tilespmem:$0x86B0] =	vst v5  }
0x108: {  	v6 =	vld [tilespmem:s14+$0x4E00];
	_ =	sdelay $0x4  }
0x109: {  	v2 =	vadd.f32 v6, v2;
	_ =	sdelay $0x1  }
0x10a: {  	[tilespmem:$0x8680] =	vst v2  }
0x10b: {  	v6 =	vld [tilespmem:s14+$0x4E10];
	_ =	sdelay $0x4  }
0x10c: {  	v3 =	vadd.f32 v6, v3;
	_ =	sdelay $0x1  }
0x10d: {  	[tilespmem:$0x8690] =	vst v3  }
0x10e: {  	v6 =	vld [tilespmem:s14+$0x4E20];
	_ =	sdelay $0x4  }
0x10f: {  	v4 =	vadd.f32 v6, v4;
	_ =	sdelay $0x1  }
0x110: {  	[tilespmem:$0x86A0] =	vst v4  }
0x111: {  	v6 =	vld [tilespmem:s14+$0x4E30];
	_ =	sdelay $0x4  }
0x112: {  	v5 =	vadd.f32 v6, v5;
	_ =	sdelay $0x1  }
0x113: {  	[tilespmem:$0x86B0] =	vst v5  }
0x114: {  	v6 =	vld [tilespmem:s14+$0x5200];
	_ =	sdelay $0x4  }
0x115: {  	v2 =	vadd.f32 v6, v2;
	_ =	sdelay $0x1  }
0x116: {  	[tilespmem:$0x8680] =	vst v2  }
0x117: {  	v6 =	vld [tilespmem:s14+$0x5210];
	_ =	sdelay $0x4  }
0x118: {  	v3 =	vadd.f32 v6, v3;
	_ =	sdelay $0x1  }
0x119: {  	[tilespmem:$0x8690] =	vst v3  }
0x11a: {  	v6 =	vld [tilespmem:s14+$0x5220];
	_ =	sdelay $0x4  }
0x11b: {  	v4 =	vadd.f32 v6, v4;
	_ =	sdelay $0x1  }
0x11c: {  	[tilespmem:$0x86A0] =	vst v4  }
0x11d: {  	v6 =	vld [tilespmem:s14+$0x5230];
	_ =	sdelay $0x4  }
0x11e: {  	v5 =	vadd.f32 v6, v5;
	_ =	sdelay $0x1  }
0x11f: {  	[tilespmem:$0x86B0] =	vst v5  }
0x120: {  	v6 =	vld [tilespmem:s14+$0x5600];
	_ =	sdelay $0x4  }
0x121: {  	v2 =	vadd.f32 v6, v2;
	_ =	sdelay $0x1  }
0x122: {  	[tilespmem:$0x8680] =	vst v2  }
0x123: {  	v6 =	vld [tilespmem:s14+$0x5610];
	_ =	sdelay $0x4  }
0x124: {  	v3 =	vadd.f32 v6, v3;
	_ =	sdelay $0x1  }
0x125: {  	[tilespmem:$0x8690] =	vst v3  }
0x126: {  	v6 =	vld [tilespmem:s14+$0x5620];
	_ =	sdelay $0x4  }
0x127: {  	v4 =	vadd.f32 v6, v4;
	_ =	sdelay $0x1  }
0x128: {  	[tilespmem:$0x86A0] =	vst v4  }
0x129: {  	v6 =	vld [tilespmem:s14+$0x5630];
	_ =	sdelay $0x4  }
0x12a: {  	v5 =	vadd.f32 v6, v5;
	_ =	sdelay $0x1  }
0x12b: {  	[tilespmem:$0x86B0] =	vst v5  }
0x12c: {  	v6 =	vld [tilespmem:s14+$0x5A00];
	_ =	sdelay $0x4  }
0x12d: {  	v2 =	vadd.f32 v6, v2;
	_ =	sdelay $0x1  }
0x12e: {  	[tilespmem:$0x8680] =	vst v2  }
0x12f: {  	v6 =	vld [tilespmem:s14+$0x5A10];
	_ =	sdelay $0x4  }
0x130: {  	v3 =	vadd.f32 v6, v3;
	_ =	sdelay $0x1  }
0x131: {  	[tilespmem:$0x8690] =	vst v3  }
0x132: {  	v6 =	vld [tilespmem:s14+$0x5A20];
	_ =	sdelay $0x4  }
0x133: {  	v4 =	vadd.f32 v6, v4;
	_ =	sdelay $0x1  }
0x134: {  	[tilespmem:$0x86A0] =	vst v4  }
0x135: {  	v6 =	vld [tilespmem:s14+$0x5A30];
	_ =	sdelay $0x4  }
0x136: {  	v5 =	vadd.f32 v6, v5;
	_ =	sdelay $0x1  }
0x137: {  	[tilespmem:$0x86B0] =	vst v5  }
0x138: {  	v6 =	vld [tilespmem:s14+$0x5E00];
	_ =	sdelay $0x4  }
0x139: {  	v2 =	vadd.f32 v6, v2;
	_ =	sdelay $0x1  }
0x13a: {  	[tilespmem:$0x8680] =	vst v2  }
0x13b: {  	v6 =	vld [tilespmem:s14+$0x5E10];
	_ =	sdelay $0x4  }
0x13c: {  	v3 =	vadd.f32 v6, v3;
	_ =	sdelay $0x1  }
0x13d: {  	[tilespmem:$0x8690] =	vst v3  }
0x13e: {  	v6 =	vld [tilespmem:s14+$0x5E20];
	_ =	sdelay $0x4  }
0x13f: {  	v4 =	vadd.f32 v6, v4;
	_ =	sdelay $0x1  }
0x140: {  	[tilespmem:$0x86A0] =	vst v4  }
0x141: {  	v6 =	vld [tilespmem:s14+$0x5E30];
	_ =	sdelay $0x4  }
0x142: {  	v5 =	vadd.f32 v6, v5;
	_ =	sdelay $0x1  }
0x143: {  	[tilespmem:$0x86B0] =	vst v5  }
0x144: {  	v6 =	vld [tilespmem:s14+$0x6200];
	_ =	sdelay $0x4  }
0x145: {  	v2 =	vadd.f32 v6, v2;
	_ =	sdelay $0x1  }
0x146: {  	[tilespmem:$0x8680] =	vst v2  }
0x147: {  	v6 =	vld [tilespmem:s14+$0x6210];
	_ =	sdelay $0x4  }
0x148: {  	v3 =	vadd.f32 v6, v3;
	_ =	sdelay $0x1  }
0x149: {  	[tilespmem:$0x8690] =	vst v3  }
0x14a: {  	v6 =	vld [tilespmem:s14+$0x6220];
	_ =	sdelay $0x4  }
0x14b: {  	v4 =	vadd.f32 v6, v4;
	_ =	sdelay $0x1  }
0x14c: {  	[tilespmem:$0x86A0] =	vst v4  }
0x14d: {  	v6 =	vld [tilespmem:s14+$0x6230];
	_ =	sdelay $0x4  }
0x14e: {  	v5 =	vadd.f32 v6, v5;
	_ =	sdelay $0x1  }
0x14f: {  	[tilespmem:$0x86B0] =	vst v5  }
0x150: {  	v6 =	vld [tilespmem:s14+$0x6600];
	_ =	sdelay $0x4  }
0x151: {  	v2 =	vadd.f32 v6, v2;
	_ =	sdelay $0x1  }
0x152: {  	[tilespmem:$0x8680] =	vst v2  }
0x153: {  	v6 =	vld [tilespmem:s14+$0x6610];
	_ =	sdelay $0x4  }
0x154: {  	v3 =	vadd.f32 v6, v3;
	_ =	sdelay $0x1  }
0x155: {  	[tilespmem:$0x8690] =	vst v3  }
0x156: {  	v6 =	vld [tilespmem:s14+$0x6620];
	_ =	sdelay $0x4  }
0x157: {  	v4 =	vadd.f32 v6, v4;
	_ =	sdelay $0x1  }
0x158: {  	[tilespmem:$0x86A0] =	vst v4  }
0x159: {  	v6 =	vld [tilespmem:s14+$0x6630];
	_ =	sdelay $0x4  }
0x15a: {  	v5 =	vadd.f32 v6, v5;
	_ =	sdelay $0x1  }
0x15b: {  	[tilespmem:$0x86B0] =	vst v5  }
0x15c: {  	v6 =	vld [tilespmem:s14+$0x6A00];
	_ =	sdelay $0x4  }
0x15d: {  	v2 =	vadd.f32 v6, v2;
	_ =	sdelay $0x1  }
0x15e: {  	[tilespmem:$0x8680] =	vst v2  }
0x15f: {  	v6 =	vld [tilespmem:s14+$0x6A10];
	_ =	sdelay $0x4  }
0x160: {  	v3 =	vadd.f32 v6, v3;
	_ =	sdelay $0x1  }
0x161: {  	[tilespmem:$0x8690] =	vst v3  }
0x162: {  	v6 =	vld [tilespmem:s14+$0x6A20];
	_ =	sdelay $0x4  }
0x163: {  	v4 =	vadd.f32 v6, v4;
	_ =	sdelay $0x1  }
0x164: {  	[tilespmem:$0x86A0] =	vst v4  }
0x165: {  	v6 =	vld [tilespmem:s14+$0x6A30];
	_ =	sdelay $0x4  }
0x166: {  	v5 =	vadd.f32 v6, v5;
	_ =	sdelay $0x1  }
0x167: {  	[tilespmem:$0x86B0] =	vst v5  }
0x168: {  	v6 =	vld [tilespmem:s14+$0x6E00];
	_ =	sdelay $0x4  }
0x169: {  	v2 =	vadd.f32 v6, v2;
	_ =	sdelay $0x1  }
0x16a: {  	[tilespmem:$0x8680] =	vst v2  }
0x16b: {  	v6 =	vld [tilespmem:s14+$0x6E10];
	_ =	sdelay $0x4  }
0x16c: {  	v3 =	vadd.f32 v6, v3;
	_ =	sdelay $0x1  }
0x16d: {  	[tilespmem:$0x8690] =	vst v3  }
0x16e: {  	v6 =	vld [tilespmem:s14+$0x6E20];
	_ =	sdelay $0x4  }
0x16f: {  	v4 =	vadd.f32 v6, v4;
	_ =	sdelay $0x1  }
0x170: {  	[tilespmem:$0x86A0] =	vst v4  }
0x171: {  	v6 =	vld [tilespmem:s14+$0x6E30];
	_ =	sdelay $0x4  }
0x172: {  	v5 =	vadd.f32 v6, v5;
	_ =	sdelay $0x1  }
0x173: {  	[tilespmem:$0x86B0] =	vst v5  }
0x174: {  	v6 =	vld [tilespmem:s14+$0x7200];
	_ =	sdelay $0x4  }
0x175: {  	v2 =	vadd.f32 v6, v2;
	_ =	sdelay $0x1  }
0x176: {  	[tilespmem:$0x8680] =	vst v2  }
0x177: {  	v2 =	vld [tilespmem:s14+$0x7210];
	_ =	sdelay $0x4  }
0x178: {  	v2 =	vadd.f32 v2, v3;
	_ =	sdelay $0x1  }
0x179: {  	[tilespmem:$0x8690] =	vst v2  }
0x17a: {  	v2 =	vld [tilespmem:s14+$0x7220];
	_ =	sdelay $0x4  }
0x17b: {  	v2 =	vadd.f32 v2, v4;
	_ =	sdelay $0x1  }
0x17c: {  	[tilespmem:$0x86A0] =	vst v2  }
0x17d: {  	v2 =	vld [tilespmem:s14+$0x7230];
	_ =	sdelay $0x4  }
0x17e: {  	v2 =	vadd.f32 v2, v5;
	_ =	sdelay $0x1  }
0x17f: {  	s16 =	simm.s32 $0x8680;
	s15 =	rddreg [dreg:$0xa];
	[tilespmem:$0x86B0] =	vst v2  }
0x180: {  	[spmem:s15] =	stream.linear.scatter [tilespmem:s16], [sflag:$0x2], $0x40, $0x38;
	[tilespmem:$0x8B40] =	vst v63  }
0x181: {  	_ =	swait.ge [sflag:s4], $0x40  }
0x182: {  	[sflag:s4] =	ssyncset.done $0x0  }
0x183: {  	[sflag:s4] =	ssyncadd.s32 $0xFFFFFFC0  }
0x184: {  	[bflag:$0x0] =	sbarrier.arrive $0xFFFF  }
0x185: {  	s17 =	rddreg [dreg:$0x7]  }
0x186: {  	[tilespmem:s23], [sflag:$0x2] =	stream.linear.gather [spmem:s17], $0x400, $0x38;
	[tilespmem:$0x8B40] =	vst v63  }
0x187: {  	s18 =	simm.s32 $0x0;
	s20 =	sadd.s32 $0x0, s19;
	_ =	swait.ge [sflag:s4], $0x400  }
0x188: {  	s0 =	sand.u32 $0x1F80, s20;
	s1 =	sand.u32 $0x40, s18;
	[sflag:s4] =	ssyncset.done $0x0  }
0x189: {  	s1 =	sor.u32 s1, s0;
	[sflag:s4] =	ssyncadd.s32 $0xFFFFFC00  }
0x18a: {  	v2 =	vld [tilespmem:s1+$0x1900];
	_ =	sdelay $0x7  }
0x18b: {  	v2 =	vld.idx.msk [tilespmem:v2+s23+$0x0], $0xffff;
	_ =	sdelay $0x1  }
0x18c: {  	s2 =	simm.s32 $0x40;
	s21 =	sadd.s32 $0x40, s19  }
0x18d: {  	s7 =	sand.u32 $0x1F80, s21;
	s2 =	sand.u32 $0x40, s2  }
0x18e: {  	s2 =	sor.u32 s2, s7  }
0x18f: {  	v3 =	vld [tilespmem:s2+$0x1900];
	(erf) = vrcp.f32 v2;
	_ =	sdelay $0x4  }
0x190: {  	v2 =	vld [tilespmem:s1+$0x0];
	_ =	sdelay $0x2  }
0x191: {  	s22 =	simm.s32 $0x80;
	s24 =	sadd.s32 $0x80, s19;
	v3 =	vld.idx.msk [tilespmem:v3+s23+$0x0], $0xffff  }
0x192: {  	s18 =	sand.u32 $0x1F80, s24;
	s1 =	sand.u32 $0x40, s22;
	v4 =	vpop (erf)  }
0x193: {  	s25 =	simm.s32 $0x10;
	s26 =	sor.u32 s1, s18;
	v2 =	vmul.f32 v4, v2  }
0x194: {  	s12 =	simm.s32 $0x7A20;
	s3 =	sand.u32 $0x50, s25;
	v4 =	vld [tilespmem:s26+$0x1900]  }
0x195: {  	s3 =	sor.u32 s3, s0;
	[tilespmem:s12+$0xFFFFFFE0] =	vst v2  }
0x196: {  	(erf) = vrcp.f32 v3;
	v2 =	vld [tilespmem:s3+$0x1900];
	_ =	sdelay $0x4  }
0x197: {  	v3 =	vld [tilespmem:s2+$0x0]  }
0x198: {  	v4 =	vld.idx.msk [tilespmem:v4+s23+$0x0], $0xffff;
	_ =	sdelay $0x1  }
0x199: {  	s5 =	simm.s32 $0xC0;
	s6 =	sadd.s32 $0xC0, s19;
	v2 =	vld.idx.msk [tilespmem:v2+s23+$0x0], $0xffff  }
0x19a: {  	s8 =	simm.s32 $0xC0;
	s29 =	sand.u32 $0x1F80, s6;
	s2 =	sand.u32 $0x40, s5;
	v5 =	vpop (erf)  }
0x19b: {  	s5 =	simm.s32 $0x50;
	s6 =	sor.u32 s2, s29;
	v3 =	vmul.f32 v5, v3;
	[dreg:$0x4] =	wrdreg s8  }
0x19c: {  	s21 =	simm.s32 $0x7A60;
	s9 =	sand.u32 $0x50, s5;
	v5 =	vld [tilespmem:s6+$0x1900];
	(erf) = vrcp.f32 v4  }
0x19d: {  	s5 =	sor.u32 s9, s7;
	[tilespmem:s21+$0xFFFFFFE0] =	vst v3  }
0x19e: {  	v3 =	vld [tilespmem:s5+$0x1900];
	(erf) = vrcp.f32 v2;
	_ =	sdelay $0x2  }
0x19f: {  	v2 =	vld [tilespmem:s26+$0x0];
	_ =	sdelay $0x1  }
0x1a0: {  	v4 =	vld [tilespmem:s3+$0x0]  }
0x1a1: {  	v5 =	vld.idx.msk [tilespmem:v5+s23+$0x0], $0xffff  }
0x1a2: {  	s10 =	sadd.s32 $0x100, s19;
	s2 =	simm.s32 $0x100;
	v6 =	vpop (erf)  }
0x1a3: {  	s28 =	sand.u32 $0x1F80, s10;
	s14 =	simm.s32 $0x90;
	s11 =	sand.u32 $0x40, s2;
	v3 =	vld.idx.msk [tilespmem:v3+s23+$0x0], $0xffff;
	v2 =	vmul.f32 v6, v2  }
0x1a4: {  	s13 =	sor.u32 s11, s28;
	s11 =	simm.s32 $0x7AA0;
	s3 =	sand.u32 $0x50, s14;
	v6 =	vpop (erf)  }
0x1a5: {  	s8 =	simm.s32 $0x20;
	s9 =	sor.u32 s3, s18;
	[tilespmem:s11+$0xFFFFFFE0] =	vst v2;
	v4 =	vmul.f32 v6, v4;
	v6 =	vld [tilespmem:s13+$0x1900]  }
0x1a6: {  	s15 =	sand.u32 $0x60, s8;
	(erf) = vrcp.f32 v5;
	v2 =	vld [tilespmem:s9+$0x1900]  }
0x1a7: {  	s8 =	sor.u32 s15, s0;
	[tilespmem:s12+$0xFFFFFFF0] =	vst v4  }
0x1a8: {  	(erf) = vrcp.f32 v3;
	v3 =	vld [tilespmem:s8+$0x1900];
	_ =	sdelay $0x2  }
0x1a9: {  	v4 =	vld [tilespmem:s6+$0x0]  }
0x1aa: {  	v7 =	vld [tilespmem:s5+$0x0]  }
0x1ab: {  	v6 =	vld.idx.msk [tilespmem:v6+s23+$0x0], $0xffff  }
0x1ac: {  	s10 =	simm.s32 $0x140;
	s16 =	sadd.s32 $0x140, s19;
	v2 =	vld.idx.msk [tilespmem:v2+s23+$0x0], $0xffff  }
0x1ad: {  	s17 =	sand.u32 $0x40, s10;
	s22 =	sand.u32 $0x1F80, s16;
	v8 =	vpop (erf)  }
0x1ae: {  	s20 =	simm.s32 $0xD0;
	s3 =	sor.u32 s17, s22;
	v4 =	vmul.f32 v8, v4;
	v3 =	vld.idx.msk [tilespmem:v3+s23+$0x0], $0xffff  }
0x1af: {  	s5 =	sand.u32 $0x50, s20;
	s14 =	simm.s32 $0x7AE0;
	v5 =	vld [tilespmem:s3+$0x1900];
	v8 =	vpop (erf)  }
0x1b0: {  	s24 =	simm.s32 $0x60;
	s5 =	sor.u32 s5, s29;
	v7 =	vmul.f32 v8, v7;
	[tilespmem:s14+$0xFFFFFFE0] =	vst v4;
	(erf) = vrcp.f32 v6  }
0x1b1: {  	s6 =	sand.u32 $0x60, s24;
	v4 =	vld [tilespmem:s5+$0x1900];
	(erf) = vrcp.f32 v2  }
0x1b2: {  	s6 =	sor.u32 s6, s7;
	[tilespmem:s21+$0xFFFFFFF0] =	vst v7  }
0x1b3: {  	v2 =	vld [tilespmem:s6+$0x1900];
	(erf) = vrcp.f32 v3;
	_ =	sdelay $0x1  }
0x1b4: {  	v3 =	vld [tilespmem:s13+$0x0]  }
0x1b5: {  	v6 =	vld [tilespmem:s9+$0x0]  }
0x1b6: {  	s25 =	simm.s32 $0x180;
	s26 =	sadd.s32 $0x180, s19;
	v5 =	vld.idx.msk [tilespmem:v5+s23+$0x0], $0xffff  }
0x1b7: {  	s10 =	sand.u32 $0x40, s25;
	s30 =	sand.u32 $0x1F80, s26;
	v7 =	vld [tilespmem:s8+$0x0]  }
0x1b8: {  	s9 =	sor.u32 s10, s30;
	v4 =	vld.idx.msk [tilespmem:v4+s23+$0x0], $0xffff;
	v9 =	vpop (erf)  }
0x1b9: {  	v8 =	vld [tilespmem:s9+$0x1900];
	s13 =	simm.s32 $0x110;
	v3 =	vmul.f32 v9, v3;
	v9 =	vpop (erf)  }
0x1ba: {  	s15 =	simm.s32 $0xA0;
	s26 =	simm.s32 $0x7B20;
	s4 =	sand.u32 $0x50, s13;
	v2 =	vld.idx.msk [tilespmem:v2+s23+$0x0], $0xffff;
	v6 =	vmul.f32 v9, v6  }
0x1bb: {  	s16 =	sand.u32 $0x60, s15;
	s10 =	sor.u32 s4, s28;
	v9 =	vpop (erf);
	[tilespmem:s26+$0xFFFFFFE0] =	vst v3  }
0x1bc: {  	s20 =	simm.s32 $0x30;
	s15 =	sor.u32 s16, s18;
	s16 =	simm.s32 $0x7A20;
	(erf) = vrcp.f32 v5;
	v3 =	vmul.f32 v9, v7;
	v5 =	vld [tilespmem:s10+$0x1900];
	[tilespmem:s11+$0xFFFFFFF0] =	vst v6  }
0x1bd: {  	s8 =	sand.u32 $0x70, s20;
	(erf) = vrcp.f32 v4;
	v4 =	vld [tilespmem:s15+$0x1900];
	[dreg:$0x3] =	wrdreg s16  }
0x1be: {  	s16 =	sor.u32 s8, s0;
	[tilespmem:s12+$0x0] =	vst v3  }
0x1bf: {  	(erf) = vrcp.f32 v2;
	v2 =	vld [tilespmem:s16+$0x1900]  }
0x1c0: {  	v3 =	vld [tilespmem:s3+$0x0]  }
0x1c1: {  	s24 =	sadd.s32 $0x1C0, s19;
	s4 =	simm.s32 $0x1C0;
	v7 =	vld.idx.msk [tilespmem:v8+s23+$0x0], $0xffff  }
0x1c2: {  	s20 =	sand.u32 $0x1F80, s24;
	s25 =	sand.u32 $0x40, s4;
	v8 =	vld [tilespmem:s5+$0x0]  }
0x1c3: {  	s12 =	sor.u32 s25, s20;
	v9 =	vld [tilespmem:s6+$0x0]  }
0x1c4: {  	v6 =	vld [tilespmem:s12+$0x1900]  }
0x1c5: {  	v10 =	vpop (erf);
	v5 =	vld.idx.msk [tilespmem:v5+s23+$0x0], $0xffff  }
0x1c6: {  	s3 =	simm.s32 $0x150;
	v3 =	vmul.f32 v10, v3;
	v4 =	vld.idx.msk [tilespmem:v4+s23+$0x0], $0xffff  }
0x1c7: {  	s6 =	simm.s32 $0x7B60;
	s5 =	sand.u32 $0x50, s3;
	v10 =	vpop (erf);
	v2 =	vld.idx.msk [tilespmem:v2+s23+$0x0], $0xffff  }
0x1c8: {  	s8 =	simm.s32 $0xE0;
	s3 =	sor.u32 s5, s22;
	(erf) = vrcp.f32 v7;
	[tilespmem:s6+$0xFFFFFFE0] =	vst v3;
	v3 =	vmul.f32 v10, v8;
	v7 =	vpop (erf)  }
0x1c9: {  	s11 =	simm.s32 $0x70;
	s5 =	sand.u32 $0x60, s8;
	v8 =	vld [tilespmem:s3+$0x1900];
	v7 =	vmul.f32 v7, v9  }
0x1ca: {  	s0 =	smov.u32 s22;
	v12 =	vld [tilespmem:s15+$0x0];
	s22 =	sand.u32 $0x70, s11;
	[tilespmem:s14+$0xFFFFFFF0] =	vst v3;
	s14 =	sor.u32 s5, s29;
	(erf) = vrcp.f32 v5  }
0x1cb: {  	s8 =	sor.u32 s22, s7;
	v3 =	vld [tilespmem:s14+$0x1900];
	[tilespmem:s21+$0x0] =	vst v7;
	(erf) = vrcp.f32 v4  }
0x1cc: {  	v4 =	vld [tilespmem:s8+$0x1900];
	(erf) = vrcp.f32 v2  }
0x1cd: {  	s6 =	sadd.s32 $0x200, s19;
	v9 =	vld [tilespmem:s9+$0x0];
	s9 =	simm.s32 $0x200  }
0x1ce: {  	v10 =	vld [tilespmem:s10+$0x0];
	s11 =	sand.u32 $0x1F80, s6;
	s7 =	sand.u32 $0x40, s9  }
0x1cf: {  	v11 =	vld.idx.msk [tilespmem:v6+s23+$0x0], $0xffff;
	s21 =	sor.u32 s7, s11  }
0x1d0: {  	s31 =	simm.s32 $0x7AA0;
	v5 =	vld [tilespmem:s21+$0x1900]  }
0x1d1: {  	s1 =	simm.s32 $0x140;
	s17 =	simm.s32 $0x180;
	s24 =	simm.s32 $0x7AE0;
	v2 =	vpop (erf);
	v6 =	vld.idx.msk [tilespmem:v8+s23+$0x0], $0xffff  }
0x1d2: {  	s13 =	smov.u32 s29;
	s25 =	simm.s32 $0x7B60;
	s15 =	simm.s32 $0x190;
	v8 =	vmul.f32 v2, v9;
	v2 =	vld [tilespmem:s16+$0x0]  }
0x1d3: {  	s22 =	simm.s32 $0x120;
	s5 =	sand.u32 $0x50, s15;
	s7 =	simm.s32 $0x7BA0;
	v7 =	vld.idx.msk [tilespmem:v3+s23+$0x0], $0xffff;
	v3 =	vpop (erf)  }
0x1d4: {  	s10 =	simm.s32 $0xB0;
	s29 =	simm.s32 $0x7A60;
	s6 =	sor.u32 s5, s30;
	(erf) = vrcp.f32 v11;
	[tilespmem:s7+$0xFFFFFFE0] =	vst v8;
	v8 =	vld.idx.msk [tilespmem:v4+s23+$0x0], $0xffff;
	v9 =	vpop (erf)  }
0x1d5: {  	s15 =	sand.u32 $0x60, s22;
	s5 =	simm.s32 $0x240;
	s16 =	simm.s32 $0x20;
	v4 =	vld [tilespmem:s6+$0x1900];
	v10 =	vmul.f32 v3, v10;
	v9 =	vmul.f32 v9, v12;
	v3 =	vpop (erf)  }
.LBB2_4:
0x1d6: {  	s23 =	sadd.s32 s5, s19;
	s15 =	sor.u32 s15, s28  }
0x1d7: {  	v11 =	vld [tilespmem:s12+$0x0];
	s22 =	sand.u32 $0x70, s10;
	s12 =	smov.u32 s21;
	s21 =	rddreg [dreg:$0x4]  }
0x1d8: {  	s16 =	sadd.s32 $0x4, s16;
	s10 =	smov.u32 s21;
	s21 =	smov.u32 s2  }
0x1d9: {  	s2 =	sand.u32 $0x1F80, s23;
	s22 =	sor.u32 s22, s18;
	s18 =	rddreg [dreg:$0x3]  }
0x1da: {  	[tilespmem:s26+$0xFFFFFFF0] =	vst v10;
	s23 =	simm.s32 $0x7600;
	(erf) = vrcp.f32 v6;
	[dreg:$0x4] =	wrdreg s21;
	s21 =	sand.u32 $0x40, s5;
	v2 =	vmul.f32 v3, v2  }
0x1db: {  	p0 =	slt.u32 s16, $0xC4;
	(erf) = vrcp.f32 v7;
	s10 =	sadd.s32 $0x30, s10;
	v3 =	vld [tilespmem:s15+$0x1900];
	[tilespmem:s31+$0x0] =	vst v9;
	s21 =	sor.u32 s21, s2  }
0x1dc: {  	v9 =	vld [tilespmem:s22+$0x1900];
	(erf) = vrcp.f32 v8;
	[tilespmem:s18+$0x10] =	vst v2;
	s18 =	smov.u32 s13;
	s13 =	smov.u32 s28;
	s28 =	smov.u32 s0  }
0x1dd: {  	s0 =	smov.u32 s30;
	s30 =	smov.u32 s20;
	s20 =	smov.u32 s11;
	v7 =	vld [tilespmem:s21+$0x1900]  }
0x1de: {  	s11 =	smov.u32 s2;
	s2 =	smov.u32 s29;
	s29 =	smov.u32 s31;
	v10 =	vld.idx.msk [tilespmem:v5+s23+$0x0], $0xffff  }
0x1df: {  	s31 =	smov.u32 s24;
	s24 =	smov.u32 s26;
	s26 =	smov.u32 s25;
	v12 =	vld [tilespmem:s3+$0x0]  }
0x1e0: {  	s25 =	smov.u32 s7;
	s7 =	sadd.s32 $0x40, s7;
	[dreg:$0x3] =	wrdreg s2;
	v13 =	vld [tilespmem:s14+$0x0];
	v2 =	vpop (erf)  }
.Ltmp1:
0x1e1: {  	v6 =	vld.idx.msk [tilespmem:v4+s23+$0x0], $0xffff;
	s3 =	smov.u32 s6;
	s14 =	smov.u32 s15;
	v4 =	vmul.f32 v2, v11;
	(pc) =	sbr.rel @p0 .LBB2_4-.Ltmp1, $4  }
0x1e2: {  	s2 =	smov.u32 s1;
	s1 =	smov.u32 s17;
	s17 =	sadd.s32 $0x10, s4;
	v2 =	vld [tilespmem:s8+$0x0]  }
0x1e3: {  	s6 =	sand.u32 $0x50, s17;
	s17 =	smov.u32 s4;
	s4 =	smov.u32 s9;
	v5 =	vmov v7;
	v7 =	vld.idx.msk [tilespmem:v3+s23+$0x0], $0xffff;
	[tilespmem:s7+$0xFFFFFFE0] =	vst v4;
	v3 =	vpop (erf)  }
0x1e4: {  	s8 =	smov.u32 s22;
	s6 =	sor.u32 s6, s30;
	s22 =	sadd.s32 $0x20, s2;
	(erf) = vrcp.f32 v10;
	v8 =	vld.idx.msk [tilespmem:v9+s23+$0x0], $0xffff;
	v10 =	vmul.f32 v3, v12;
	v3 =	vpop (erf)  }
0x1e5: {  	s9 =	smov.u32 s5;
	s5 =	sadd.s32 $0x40, s5;
	s15 =	sand.u32 $0x60, s22;
	v4 =	vld [tilespmem:s6+$0x1900];
	v9 =	vmul.f32 v3, v13;
	v3 =	vpop (erf)  }
0x1e6: {  	_ =	sdelay $0x3  }
0x1e7: {  	v5 =	vld.idx.msk [tilespmem:v5+s23+$0x0], $0xffff;
	_ =	sdelay $0x1  }
0x1e8: {  	(erf) = vrcp.f32 v6  }
0x1e9: {  	(erf) = vrcp.f32 v7  }
0x1ea: {  	(erf) = vrcp.f32 v8  }
0x1eb: {  	v62 =	vld [tilespmem:s12+$0x0];
	(erf) = vrcp.f32 v5;
	_ =	sdelay $0x2  }
0x1ec: {  	v63 =	vld [tilespmem:s3+$0x0]  }
0x1ed: {  	v16 =	vld [tilespmem:s14+$0x0];
	v17 =	vpop (erf)  }
0x1ee: {  	v11 =	vld [tilespmem:s21+$0x0];
	[tilespmem:s26+$0xFFFFFFF0] =	vst v10;
	v5 =	vmul.f32 v17, v62  }
0x1ef: {  	s14 =	sand.u32 $0x70, s10;
	s16 =	sadd.s32 $0x10, s4;
	s12 =	sadd.s32 $0x40, s7;
	[tilespmem:s31+$0x0] =	vst v9;
	v12 =	vpop (erf)  }
0x1f0: {  	s5 =	sor.u32 s15, s28;
	s3 =	sor.u32 s14, s18;
	s10 =	sand.u32 $0x50, s16;
	[tilespmem:s12+$0xFFFFFFE0] =	vst v5;
	v18 =	vpop (erf)  }
0x1f1: {  	v10 =	vld [tilespmem:s5+$0x1900];
	s16 =	smov.u32 s1;
	s18 =	sadd.s32 $0x20, s1;
	v6 =	vmul.f32 v12, v63;
	s21 =	rddreg [dreg:$0x4];
	v19 =	vpop (erf)  }
0x1f2: {  	v20 =	vld [tilespmem:s3+$0x1900];
	s10 =	sor.u32 s10, s20;
	s14 =	sand.u32 $0x60, s18;
	v21 =	vmul.f32 v18, v16;
	s1 =	sadd.s32 $0x30, s21;
	v22 =	vpop (erf)  }
0x1f3: {  	s22 =	sadd.s32 $0x10, s9;
	s14 =	sor.u32 s14, s0;
	v23 =	vld [tilespmem:s10+$0x1900];
	[tilespmem:s25+$0xFFFFFFF0] =	vst v6;
	s1 =	sand.u32 $0x70, s1;
	v24 =	vmul.f32 v22, v11  }
0x1f4: {  	s15 =	sand.u32 $0x50, s22;
	v25 =	vld [tilespmem:s14+$0x1900];
	s13 =	sor.u32 s1, s13;
	[tilespmem:s24+$0x0] =	vst v21;
	s1 =	sadd.s32 $0x40, s12  }
0x1f5: {  	s15 =	sor.u32 s15, s11;
	v5 =	vld [tilespmem:s13+$0x1900];
	[tilespmem:s1+$0xFFFFFFE0] =	vst v24  }
0x1f6: {  	v6 =	vld [tilespmem:s15+$0x1900];
	_ =	sdelay $0x1  }
0x1f7: {  	v4 =	vld.idx.msk [tilespmem:v4+s23+$0x0], $0xffff  }
0x1f8: {  	v10 =	vld.idx.msk [tilespmem:v10+s23+$0x0], $0xffff  }
0x1f9: {  	v26 =	vld.idx.msk [tilespmem:v20+s23+$0x0], $0xffff  }
0x1fa: {  	v8 =	vld.idx.msk [tilespmem:v23+s23+$0x0], $0xffff  }
0x1fb: {  	v7 =	vld.idx.msk [tilespmem:v25+s23+$0x0], $0xffff  }
0x1fc: {  	(erf) = vrcp.f32 v4;
	v27 =	vld.idx.msk [tilespmem:v5+s23+$0x0], $0xffff  }
0x1fd: {  	(erf) = vrcp.f32 v10;
	v28 =	vld.idx.msk [tilespmem:v6+s23+$0x0], $0xffff  }
0x1fe: {  	(erf) = vrcp.f32 v26  }
0x1ff: {  	(erf) = vrcp.f32 v8  }
0x200: {  	(erf) = vrcp.f32 v7  }
0x201: {  	(erf) = vrcp.f32 v27  }
0x202: {  	(erf) = vrcp.f32 v28  }
0x203: {  	v29 =	vld [tilespmem:s6+$0x0]  }
0x204: {  	v30 =	vld [tilespmem:s5+$0x0]  }
0x205: {  	v31 =	vld [tilespmem:s10+$0x0];
	v32 =	vpop (erf)  }
0x206: {  	v34 =	vld [tilespmem:s14+$0x0];
	v33 =	vpop (erf)  }
0x207: {  	v35 =	vld [tilespmem:s15+$0x0];
	v11 =	vpop (erf)  }
0x208: {  	s10 =	sadd.s32 $0x20, s17;
	v4 =	vmul.f32 v32, v29;
	v36 =	vpop (erf)  }
0x209: {  	s2 =	sadd.s32 $0x30, s2;
	s5 =	sand.u32 $0x60, s10;
	v5 =	vmul.f32 v33, v30;
	v37 =	vpop (erf)  }
0x20a: {  	s2 =	sand.u32 $0x70, s2;
	s5 =	sor.u32 s5, s30;
	s14 =	sadd.s32 $0x20, s4;
	[tilespmem:s7+$0xFFFFFFF0] =	vst v4;
	v38 =	vmul.f32 v36, v31;
	v39 =	vpop (erf)  }
0x20b: {  	s2 =	sor.u32 s2, s28;
	s6 =	sand.u32 $0x60, s14;
	s15 =	sadd.s32 $0x30, s16;
	v40 =	vld [tilespmem:s5+$0x1900];
	[tilespmem:s26+$0x0] =	vst v5;
	v41 =	vmul.f32 v37, v34;
	v42 =	vpop (erf)  }
0x20c: {  	s6 =	sor.u32 s6, s20;
	s16 =	sadd.s32 $0x20, s9;
	s10 =	sand.u32 $0x70, s15;
	v43 =	vld [tilespmem:s2+$0x1900];
	[tilespmem:s12+$0xFFFFFFF0] =	vst v38;
	v44 =	vmul.f32 v42, v35  }
0x20d: {  	s14 =	sand.u32 $0x60, s16;
	s10 =	sor.u32 s10, s0;
	v45 =	vld [tilespmem:s6+$0x1900];
	[tilespmem:s25+$0x0] =	vst v41  }
0x20e: {  	s14 =	sor.u32 s14, s11;
	v5 =	vld [tilespmem:s10+$0x1900];
	[tilespmem:s1+$0xFFFFFFF0] =	vst v44  }
0x20f: {  	v4 =	vld [tilespmem:s14+$0x1900];
	_ =	sdelay $0x3  }
0x210: {  	v7 =	vld.idx.msk [tilespmem:v40+s23+$0x0], $0xffff  }
0x211: {  	v10 =	vld.idx.msk [tilespmem:v43+s23+$0x0], $0xffff  }
0x212: {  	v8 =	vld.idx.msk [tilespmem:v45+s23+$0x0], $0xffff  }
0x213: {  	v5 =	vld.idx.msk [tilespmem:v5+s23+$0x0], $0xffff  }
0x214: {  	v4 =	vld.idx.msk [tilespmem:v4+s23+$0x0], $0xffff  }
0x215: {  	(erf) = vrcp.f32 v7  }
0x216: {  	(erf) = vrcp.f32 v10  }
0x217: {  	(erf) = vrcp.f32 v8  }
0x218: {  	(erf) = vrcp.f32 v5  }
0x219: {  	(erf) = vrcp.f32 v4;
	_ =	sdelay $0x2  }
0x21a: {  	v46 =	vld [tilespmem:s5+$0x0]  }
0x21b: {  	v47 =	vld [tilespmem:s6+$0x0]  }
0x21c: {  	v48 =	vld [tilespmem:s14+$0x0];
	v49 =	vpop (erf)  }
0x21d: {  	v10 =	vpop (erf)  }
0x21e: {  	v50 =	vpop (erf)  }
0x21f: {  	s18 =	sadd.s32 $0x30, s17;
	v4 =	vmul.f32 v49, v46;
	v51 =	vpop (erf)  }
0x220: {  	s21 =	sadd.s32 $0x30, s4;
	s5 =	sand.u32 $0x70, s18;
	v5 =	vmul.f32 v50, v47;
	v52 =	vpop (erf)  }
0x221: {  	s22 =	sadd.s32 $0x30, s9;
	s4 =	sand.u32 $0x70, s21;
	s5 =	sor.u32 s5, s30;
	[tilespmem:s7+$0x0] =	vst v4;
	v53 =	vmul.f32 v52, v48  }
0x222: {  	s4 =	sor.u32 s4, s20;
	s6 =	sand.u32 $0x70, s22;
	v54 =	vld [tilespmem:s5+$0x1900];
	[tilespmem:s12+$0x0] =	vst v5  }
0x223: {  	s6 =	sor.u32 s6, s11;
	v5 =	vld [tilespmem:s4+$0x1900];
	[tilespmem:s1+$0x0] =	vst v53  }
0x224: {  	v4 =	vld [tilespmem:s6+$0x1900];
	_ =	sdelay $0x5  }
0x225: {  	v7 =	vld.idx.msk [tilespmem:v54+s23+$0x0], $0xffff  }
0x226: {  	v5 =	vld.idx.msk [tilespmem:v5+s23+$0x0], $0xffff  }
0x227: {  	v4 =	vld.idx.msk [tilespmem:v4+s23+$0x0], $0xffff;
	_ =	sdelay $0x2  }
0x228: {  	v55 =	vld [tilespmem:s8+$0x0];
	(erf) = vrcp.f32 v7  }
0x229: {  	v13 =	vld [tilespmem:s10+$0x0];
	(erf) = vrcp.f32 v5  }
0x22a: {  	v56 =	vld [tilespmem:s3+$0x0];
	(erf) = vrcp.f32 v4  }
0x22b: {  	v57 =	vld [tilespmem:s13+$0x0]  }
0x22c: {  	v2 =	vmul.f32 v3, v2;
	v58 =	vld [tilespmem:s2+$0x0]  }
0x22d: {  	v9 =	vmul.f32 v19, v55;
	v3 =	vld [tilespmem:s5+$0x0];
	s28 =	rddreg [dreg:$0x3]  }
0x22e: {  	v60 =	vmul.f32 v51, v13;
	[tilespmem:s28+$0x10] =	vst v2;
	v2 =	vld [tilespmem:s4+$0x0]  }
0x22f: {  	[tilespmem:s29+$0x10] =	vst v9;
	v59 =	vld [tilespmem:s6+$0x0];
	v7 =	vmul.f32 v11, v56  }
0x230: {  	[tilespmem:s25+$0x10] =	vst v60;
	v5 =	vmul.f32 v39, v57  }
0x231: {  	[tilespmem:s31+$0x10] =	vst v7;
	v61 =	vpop (erf);
	v4 =	vmul.f32 v10, v58  }
0x232: {  	[tilespmem:s24+$0x10] =	vst v5;
	v3 =	vmul.f32 v61, v3;
	v62 =	vpop (erf)  }
0x233: {  	[tilespmem:s26+$0x10] =	vst v4;
	v2 =	vmul.f32 v62, v2;
	v63 =	vpop (erf)  }
0x234: {  	[tilespmem:s7+$0x10] =	vst v3;
	v3 =	vmul.f32 v63, v59  }
0x235: {  	[tilespmem:s12+$0x10] =	vst v2  }
0x236: {  	s8 =	simm.s32 $0x0;
	[tilespmem:s1+$0x10] =	vst v3  }
0x237: {  	s29 =	simm.s32 $0x7A00;
	s4 =	simm.s32 $0x2;
	s0 =	rddreg [dreg:$0xb]  }
0x238: {  	[hbm4b:s0+s8] =	stream.linear.scatter [tilespmem:s29], [sflag:$0x2], $0xC80, $0x38;
	[tilespmem:$0x8B40] =	vst v63  }
0x239: {  	_ =	swait.ge [sflag:s4], $0xC80  }
0x23a: {  	s30 =	rddreg [dreg:$0xd]  }
0x23b: {  	s31 =	rddreg [dreg:$0xc];
	s1 =	sadd.s32 $0x1, s30  }
0x23c: {  	p0 =	sne.s32 s1, s31  }
.Ltmp2:
0x23d: {  	_ = 	snop;
	(pc) =	sbr.rel @p0 .LBB2_1-.Ltmp2, $3  }
0x23e: {  	_ =	sdelay $0x1  }
0x23f: {  	[sflag:s4] =	ssyncset.done $0x0  }
0x240: {  	s3 =	simm.s32 $0x3200;
	[sflag:s4] =	ssyncadd.s32 $0xFFFFF380  }
0x241: {  	_ =	sfence.sel $0x180000  }
0x242: {  	[bflag:$0x0] =	sbarrier.arrive $0xFFFF  }
0x243: {  	_ =	strace $0x90000047  }
0x244: {  	s0 =	stileid.u32;
	[bflag:$0x2] =	sbarrier.arrive $0xFFFF  }
0x245: {  	p0 =	sne.s32 s0, $0x0;
	s0 =	rddreg [dreg:$0x2]  }
0x246: {  	s0 =	sadd.s32 @!p0 $0x100000, s0  }
0x247: {  	[sflag:s0] =	ssyncadd.tile.s32 @!p0 $0x1;
	_ =	shalt  }
.Lfunc_end2:
_tile_overlayer_lowered:
.L_overlay_start_2:
0x248: {  	(tag) =	ssettag $0x2  }
0x249: {  	s0 =	rddreg [dreg:$0x0];
	s2 =	stileid.u32  }
0x24a: {  	s1 =	rddreg [dreg:$0x1];
	p0 =	sne.s32 s2, $0x0  }
0x24b: {  	s3 =	rddreg [dreg:$0x2];
	[bflag:$0x3] =	sbarrier.arrive $0xFFFF;
	s2 =	simm.s32 @!p0 $0x1C02  }
0x24c: {  	[timem:s3], [sflag:s2] =	dma.local @!p0 [hbm:s0], s1  }
0x24d: {  	s0 =	simm.s32 @!p0 $0x2  }
0x24e: {  	_ =	swait.ge @!p0 [sflag:s0], s1  }
0x24f: {  	s1 =	ssub.s32 @!p0 $0x0, s1;
	[sflag:s0] =	ssyncset.done @!p0 $0x0  }
0x250: {  	[sflag:s0] =	ssyncadd.s32 @!p0 s1  }
0x251: {  	[bflag:$0x3] =	sbarrier.arrive $0xFFFF  }
0x252: {  	_ =	shalt  }

</sc_bundles>
